<compile_context>
chip_gen: v7x
topology: tpu7x:2x2x1
jax: 0.10.2.dev20260603
libtpu: 0.0.44.dev20260713+nightly
codegen_flags: <defaults>
</compile_context>

<pallas_src>
import functools

import jax
import jax.numpy as jnp
from jax import lax
from jax.experimental import pallas as pl
from jax.experimental.pallas import tpu as pltpu
from jax.experimental.pallas import tpu_sc as plsc


def _node_proj_body(x_ref, wn_ref, bn_ref, wf1_ref, o_ref):
    nf = jnp.dot(x_ref[...], wn_ref[...], preferred_element_type=jnp.float32)
    nf = jnp.maximum(nf + bn_ref[...], 0.0)
    o_ref[...] = jnp.dot(nf, wf1_ref[...], preferred_element_type=jnp.float32)


def _fused_half(g, x, c, w):
    f32 = jnp.float32
    ma = jnp.maximum(jnp.dot(x, w["wma"], preferred_element_type=f32)
                     + w["bmid"], 0.0)
    mb = jnp.maximum(jnp.dot(x, w["wmb"], preferred_element_type=f32)
                     + w["bmid"], 0.0)
    hgeo = (jnp.dot(ma, w["w2a"], preferred_element_type=f32)
            + jnp.dot(mb, w["w2b"], preferred_element_type=f32) + w["bf8"])
    h = g + hgeo
    gamma = jnp.dot(c, w["wcg"], preferred_element_type=f32) + w["bcg8"]
    beta = jnp.dot(c, w["wcb"], preferred_element_type=f32) + w["bcb8"]
    s1 = jnp.dot(h, w["bdm"], preferred_element_type=f32)
    s2 = jnp.dot(h * h, w["bdm"], preferred_element_type=f32)
    var = s2 - s1 * s1
    hln = (h - s1) * lax.rsqrt(var + 1e-5)
    return jnp.maximum(hln * gamma + beta, 0.0)


def _fused_body(ga_ref, gb_ref, xa_ref, xb_ref, ca_ref, cb_ref,
                wma_ref, wmb_ref, w2a_ref, w2b_ref, wcg_ref, wcb_ref, bdm_ref,
                bmid_ref, bf8_ref, bcg8_ref, bcb8_ref, o_ref):
    w = dict(wma=wma_ref[...], wmb=wmb_ref[...], w2a=w2a_ref[...],
             w2b=w2b_ref[...], wcg=wcg_ref[...], wcb=wcb_ref[...],
             bdm=bdm_ref[...], bmid=bmid_ref[...], bf8=bf8_ref[...],
             bcg8=bcg8_ref[...], bcb8=bcb8_ref[...])
    o_ref[0] = _fused_half(ga_ref[...], xa_ref[...], ca_ref[...], w)
    o_ref[1] = _fused_half(gb_ref[...], xb_ref[...], cb_ref[...], w)


def _make_gather_sum(E, D, NC, NS, C):
    NW = NC * NS
    epw = E // NW
    nch = epw // C
    mesh = plsc.VectorSubcoreMesh(core_axis_name="c", subcore_axis_name="s")

    @functools.partial(
        pl.kernel,
        out_type=jax.ShapeDtypeStruct((E, D), jnp.float32),
        mesh=mesh,
        compiler_params=pltpu.CompilerParams(use_tc_tiling_on_sc=False),
        scratch_types=[
            pltpu.VMEM((2, 2 * C), jnp.int32),
            pltpu.VMEM((2, 2 * C, D), jnp.float32),
            pltpu.SemaphoreType.DMA,
            pltpu.SemaphoreType.DMA,
            pltpu.SemaphoreType.DMA,
            pltpu.SemaphoreType.DMA,
        ],
    )
    def gather_sum(hn_hbm, ei_hbm, out_hbm,
                   idx, rows, gsem0, gsem1, wsem0, wsem1):
        gsems = (gsem0, gsem1)
        wsems = (wsem0, wsem1)
        wid = lax.axis_index("s") * NC + lax.axis_index("c")
        base = wid * epw

        def stage_and_gather(c, p):
            off = base + c * C
            pltpu.sync_copy(ei_hbm.at[0, pl.ds(off, C)], idx.at[p, pl.ds(0, C)])
            pltpu.sync_copy(ei_hbm.at[1, pl.ds(off, C)], idx.at[p, pl.ds(C, C)])
            return pltpu.async_copy(hn_hbm.at[idx.at[p]], rows.at[p], gsems[p])

        gd = [None, None]
        wd = [None, None]
        gd[0] = stage_and_gather(0, 0)
        for c in range(nch):
            p = c & 1
            if c + 1 < nch:
                if wd[1 - p] is not None:
                    wd[1 - p].wait()
                gd[1 - p] = stage_and_gather(c + 1, 1 - p)
            gd[p].wait()

            def add_body(j, carry):
                rows[p, j] = rows[p, j] + rows[p, C + j]
                return carry

            lax.fori_loop(0, C, add_body, 0)
            off = base + c * C
            wd[p] = pltpu.async_copy(
                rows.at[p, pl.ds(0, C)], out_hbm.at[pl.ds(off, C)], wsems[p])
        wd[0].wait()
        wd[1].wait()

    return gather_sum


def kernel(node_raw, edge_index, geo, cond, W_nproj, b_nproj, W_geo, b_geo,
           W_cond, b_cond, W_film, b_film):
    N = node_raw.shape[0]
    E = edge_index.shape[1]
    D = W_nproj.shape[0]
    GO = W_geo.shape[0]
    GI = W_geo.shape[1]

    f32 = jnp.float32
    Wf1T = W_film[:, :D].T
    Wf2T = W_film[:, D:].T
    WnT = W_nproj.T
    WgT = W_geo.T
    WcT = W_cond.T

    hn = pl.pallas_call(
        _node_proj_body,
        out_shape=jax.ShapeDtypeStruct((N, D), f32),
    )(node_raw, WnT, b_nproj.reshape(1, D), Wf1T)

    NC, NS = 2, 16
    g = _make_gather_sum(E, D, NC, NS, C=1000)(
        hn, edge_index.astype(jnp.int32))

    wma = jnp.zeros((64, 128), f32)
    wmb = jnp.zeros((64, 128), f32)
    w2a = jnp.zeros((128, 128), f32)
    w2b = jnp.zeros((128, 128), f32)
    for c in range(4):
        wma = wma.at[GI * c:GI * (c + 1), 32 * c:32 * c + GO].set(WgT)
        wmb = wmb.at[32 + GI * c:32 + GI * (c + 1), 32 * c:32 * c + GO].set(WgT)
        w2a = w2a.at[32 * c:32 * c + GO, D * c:D * (c + 1)].set(Wf2T)
        w2b = w2b.at[32 * c:32 * c + GO, 64 + D * c:64 + D * (c + 1)].set(Wf2T)
    bmid = jnp.tile(jnp.pad(b_geo, (0, 2)), 4).reshape(1, 128)
    bf8 = jnp.tile(b_film, 8).reshape(1, 128)
    eye8 = jnp.eye(8, dtype=f32)
    bd_wcg = jnp.kron(eye8, WcT[:, :D])
    bd_wcb = jnp.kron(eye8, WcT[:, D:])
    bdm = jnp.kron(eye8, jnp.full((D, D), 1.0 / D, f32))
    bcg8 = (jnp.tile(b_cond[:D], 8) + 1.0).reshape(1, 128)
    bcb8 = jnp.tile(b_cond[D:], 8).reshape(1, 128)

    EG8 = E // 8
    g8 = g.reshape(EG8, 128)
    cond8 = cond.reshape(EG8, 128)
    geo8 = geo.reshape(EG8, 64)

    R8 = 1000
    G2 = EG8 // R8 // 2
    half = EG8 // 2
    hr = half // R8
    full = lambda i: (0, 0)
    band_a = lambda i: (i, 0)
    band_b = lambda i: (i + hr, 0)
    out = pl.pallas_call(
        _fused_body,
        grid=(G2,),
        in_specs=[pl.BlockSpec((R8, 128), band_a),
                  pl.BlockSpec((R8, 128), band_b),
                  pl.BlockSpec((R8, 64), band_a),
                  pl.BlockSpec((R8, 64), band_b),
                  pl.BlockSpec((R8, 128), band_a),
                  pl.BlockSpec((R8, 128), band_b)]
        + [pl.BlockSpec((64, 128), full)] * 2
        + [pl.BlockSpec((128, 128), full)] * 5
        + [pl.BlockSpec((1, 128), full)] * 4,
        out_specs=pl.BlockSpec((2, R8, 128), lambda i: (0, i, 0)),
        out_shape=jax.ShapeDtypeStruct((2, half, 128), f32),
    )(g8, g8, geo8, geo8, cond8, cond8,
      wma, wmb, w2a, w2b, bd_wcg, bd_wcb, bdm, bmid, bf8, bcg8, bcb8)
    return out.reshape(E, D)

# --- scband reference (transcript-rebuilt; emitter-appended) ---
"""Pipeline reference for scband-edge-feat-42691974922540 (READ-ONLY COPY).

The authoritative reference and input builder live on the scoring server;
editing this copy changes nothing except your own understanding.
"""

import jax, jax.numpy as jnp
import numpy as np

N = 10000
E = 320000
NODE_DIM = 128
COND_DIM = 16
EDGE_DIM = 16
GEO_IN = 8
GEO_OUT = 30
JOIN_DIM = EDGE_DIM + GEO_OUT  # sum combine -> edge_dim + 30 = 46


def setup_inputs(seed: int = 0) -> dict:
    key = jax.random.key(seed)
    ks = jax.random.split(key, 12)
    node_raw = jax.random.normal(ks[0], (N, NODE_DIM + 4), dtype=jnp.float32)
    edge_index = jax.random.randint(ks[1], (2, E), 0, N, dtype=jnp.int64)
    geo = jax.random.normal(ks[2], (E, GEO_IN), dtype=jnp.float32)
    cond = jax.random.normal(ks[3], (E, COND_DIM), dtype=jnp.float32)
    s = 0.05
    W_nproj = jax.random.normal(ks[4], (EDGE_DIM, NODE_DIM + 4), dtype=jnp.float32) * s
    b_nproj = jnp.zeros((EDGE_DIM,), dtype=jnp.float32)
    W_geo = jax.random.normal(ks[5], (GEO_OUT, GEO_IN), dtype=jnp.float32) * s
    b_geo = jnp.zeros((GEO_OUT,), dtype=jnp.float32)
    W_cond = jax.random.normal(ks[6], (EDGE_DIM * 2, COND_DIM), dtype=jnp.float32) * s
    b_cond = jnp.zeros((EDGE_DIM * 2,), dtype=jnp.float32)
    W_film = jax.random.normal(ks[7], (EDGE_DIM, JOIN_DIM), dtype=jnp.float32) * s
    b_film = jnp.zeros((EDGE_DIM,), dtype=jnp.float32)
    return {
        "node_raw": node_raw,
        "edge_index": edge_index,
        "geo": geo,
        "cond": cond,
        "W_nproj": W_nproj,
        "b_nproj": b_nproj,
        "W_geo": W_geo,
        "b_geo": b_geo,
        "W_cond": W_cond,
        "b_cond": b_cond,
        "W_film": W_film,
        "b_film": b_film,
    }


def reference(node_raw, edge_index, geo, cond, W_nproj, b_nproj, W_geo, b_geo, W_cond, b_cond, W_film, b_film):
    # n_proj: Linear(node_dim+4 -> edge_dim) + ReLU (weight_norm folded into W)
    node_feats = jax.nn.relu(node_raw @ W_nproj.T + b_nproj)  # [N, edge_dim]
    src = edge_index[0]
    dst = edge_index[1]
    # combine_node_attr with n2n='sum': gather at both endpoints and sum
    n_join = jnp.take(node_feats, src, axis=0) + jnp.take(node_feats, dst, axis=0)  # [E, edge_dim]
    # geo linear: Linear(8 -> 30) + ReLU
    e_geo = jax.nn.relu(geo @ W_geo.T + b_geo)  # [E, 30]
    join = jnp.concatenate([n_join, e_geo], axis=-1)  # [E, 46]
    # FilmFusion: cond_proj -> gamma/beta; film linear + layernorm(no affine) + FiLM + relu
    gb = cond @ W_cond.T + b_cond  # [E, 2*edge_dim]
    gamma, beta = jnp.split(gb, 2, axis=-1)
    gamma = gamma + 1.0
    h = join @ W_film.T + b_film  # [E, edge_dim]
    mu = jnp.mean(h, axis=-1, keepdims=True)
    var = jnp.var(h, axis=-1, keepdims=True)
    h = (h - mu) / jnp.sqrt(var + 1e-5)
    h = h * gamma + beta
    e_feats = jax.nn.relu(h)
    return e_feats

if __name__ == "__main__":
    import jax
    _d = setup_inputs()
    print(jax.jit(kernel)(*tuple(_d.values())))

</pallas_src>

<mosaic_0001>
#map = affine_map<(d0, d1) -> (0, 0)>
module attributes {stable_mosaic.version = 14 : i64} {
  func.func @gather_sum(%arg0: i32, %arg1: i32, %arg2: memref<10000x16xf32, #tpu.memory_space<hbm>>, %arg3: memref<2x320000xi32, #tpu.memory_space<hbm>>, %arg4: memref<320000x16xf32, #tpu.memory_space<hbm>>, %arg5: memref<2x2000xi32, #tpu.memory_space<vmem>>, %arg6: memref<2x2000x16xf32, #tpu.memory_space<vmem>>, %arg7: memref<!tpu.dma_semaphore, #tpu.memory_space<semaphore_mem>>, %arg8: memref<!tpu.dma_semaphore, #tpu.memory_space<semaphore_mem>>, %arg9: memref<!tpu.dma_semaphore, #tpu.memory_space<semaphore_mem>>, %arg10: memref<!tpu.dma_semaphore, #tpu.memory_space<semaphore_mem>>) attributes {dimension_semantics = [#tpu.dimension_semantics<core_parallel>, #tpu.dimension_semantics<subcore_parallel>], iteration_bounds = array<i64: 2, 16>, scalar_prefetch = 0 : i64, scratch_operands = 6 : i64, tpu.core_type = #tpu.core_type<sc_vector_subcore>, window_params = [{transform_indices = #map}, {transform_indices = #map}, {transform_indices = #map}]} {
    %mul3A = arith.constant 2 : i32
    %mul3A_0 = arith.muli %arg1, %mul3A : i32
    %add3A = arith.addi %mul3A_0, %arg0 : i32
    %mul3A_1 = arith.constant 10000 : i32
    %mul3A_2 = arith.muli %add3A, %mul3A_1 : i32
    %add3A_3 = arith.constant 0 : i32
    %add3A_4 = arith.addi %mul3A_2, %add3A_3 : i32
    %run_scoped3A = arith.constant 0 : i32
    %run_scoped3A_5 = arith.constant 0 : i32
    "tpu.region"() ({
      %run_scoped3A_639 = tpu.sem_alloc : memref<!tpu.dma_semaphore, #tpu.memory_space<semaphore_mem>>
      %dma_start3A_640 = arith.constant 0 : i32
      %dma_start3A_641 = tpu.memref_slice %arg5[%run_scoped3A_5, %dma_start3A_640] : memref<2x2000xi32, #tpu.memory_space<vmem>> -> memref<1x1000xi32, #tpu.memory_space<vmem>>
      %dma_start3A_642 = tpu.memref_squeeze %dma_start3A_641 : memref<1x1000xi32, #tpu.memory_space<vmem>> -> memref<1000xi32, #tpu.memory_space<vmem>>
      %dma_start3A_643 = tpu.memref_slice %arg3[%run_scoped3A, %add3A_4] : memref<2x320000xi32, #tpu.memory_space<hbm>> -> memref<1x1000xi32, #tpu.memory_space<hbm>>
      %dma_start3A_644 = tpu.memref_squeeze %dma_start3A_643 : memref<1x1000xi32, #tpu.memory_space<hbm>> -> memref<1000xi32, #tpu.memory_space<hbm>>
      %dma_start3A_645 = arith.constant 0 : i32
      %dma_start3A_646 = tpu.memref_slice %arg5[%run_scoped3A_5, %dma_start3A_645] : memref<2x2000xi32, #tpu.memory_space<vmem>> -> memref<1x1000xi32, #tpu.memory_space<vmem>>
      %dma_start3A_647 = tpu.memref_squeeze %dma_start3A_646 : memref<1x1000xi32, #tpu.memory_space<vmem>> -> memref<1000xi32, #tpu.memory_space<vmem>>
      %dma_start3A_648 = tpu.memref_slice %arg3[%run_scoped3A, %add3A_4] : memref<2x320000xi32, #tpu.memory_space<hbm>> -> memref<1x1000xi32, #tpu.memory_space<hbm>>
      %dma_start3A_649 = tpu.memref_squeeze %dma_start3A_648 : memref<1x1000xi32, #tpu.memory_space<hbm>> -> memref<1000xi32, #tpu.memory_space<hbm>>
      tpu.enqueue_dma source(%dma_start3A_649 : memref<1000xi32, #tpu.memory_space<hbm>>) target(%dma_start3A_647 : memref<1000xi32, #tpu.memory_space<vmem>>) target_semaphore(%run_scoped3A_639 : memref<!tpu.dma_semaphore, #tpu.memory_space<semaphore_mem>>)
      %dma_wait3A_650 = arith.constant 0 : i32
      %dma_wait3A_651 = tpu.memref_slice %arg5[%run_scoped3A_5, %dma_wait3A_650] : memref<2x2000xi32, #tpu.memory_space<vmem>> -> memref<1x1000xi32, #tpu.memory_space<vmem>>
      %dma_wait3A_652 = tpu.memref_squeeze %dma_wait3A_651 : memref<1x1000xi32, #tpu.memory_space<vmem>> -> memref<1000xi32, #tpu.memory_space<vmem>>
      %dma_wait3A_653 = tpu.memref_slice %arg3[%run_scoped3A, %add3A_4] : memref<2x320000xi32, #tpu.memory_space<hbm>> -> memref<1x1000xi32, #tpu.memory_space<hbm>>
      %dma_wait3A_654 = tpu.memref_squeeze %dma_wait3A_653 : memref<1x1000xi32, #tpu.memory_space<hbm>> -> memref<1000xi32, #tpu.memory_space<hbm>>
      %dma_wait3A_655 = arith.constant 0 : i32
      %dma_wait3A_656 = tpu.memref_slice %arg5[%run_scoped3A_5, %dma_wait3A_655] : memref<2x2000xi32, #tpu.memory_space<vmem>> -> memref<1x1000xi32, #tpu.memory_space<vmem>>
      %dma_wait3A_657 = tpu.memref_squeeze %dma_wait3A_656 : memref<1x1000xi32, #tpu.memory_space<vmem>> -> memref<1000xi32, #tpu.memory_space<vmem>>
      %dma_wait3A_658 = tpu.memref_slice %arg3[%run_scoped3A, %add3A_4] : memref<2x320000xi32, #tpu.memory_space<hbm>> -> memref<1x1000xi32, #tpu.memory_space<hbm>>
      %dma_wait3A_659 = tpu.memref_squeeze %dma_wait3A_658 : memref<1x1000xi32, #tpu.memory_space<hbm>> -> memref<1000xi32, #tpu.memory_space<hbm>>
      tpu.wait_dma2 semaphore(%run_scoped3A_639 : memref<!tpu.dma_semaphore, #tpu.memory_space<semaphore_mem>>) src(%dma_wait3A_659 : memref<1000xi32, #tpu.memory_space<hbm>>) dst(%dma_wait3A_657 : memref<1000xi32, #tpu.memory_space<vmem>>)
      tpu.yield
    }) : () -> ()
    %run_scoped3A_6 = arith.constant 1 : i32
    %run_scoped3A_7 = arith.constant 0 : i32
    "tpu.region"() ({
      %run_scoped3A_639 = tpu.sem_alloc : memref<!tpu.dma_semaphore, #tpu.memory_space<semaphore_mem>>
      %dma_start3A_640 = arith.constant 1000 : i32
      %dma_start3A_641 = tpu.memref_slice %arg5[%run_scoped3A_7, %dma_start3A_640] : memref<2x2000xi32, #tpu.memory_space<vmem>> -> memref<1x1000xi32, #tpu.memory_space<vmem>>
      %dma_start3A_642 = tpu.memref_squeeze %dma_start3A_641 : memref<1x1000xi32, #tpu.memory_space<vmem>> -> memref<1000xi32, #tpu.memory_space<vmem>>
      %dma_start3A_643 = tpu.memref_slice %arg3[%run_scoped3A_6, %add3A_4] : memref<2x320000xi32, #tpu.memory_space<hbm>> -> memref<1x1000xi32, #tpu.memory_space<hbm>>
      %dma_start3A_644 = tpu.memref_squeeze %dma_start3A_643 : memref<1x1000xi32, #tpu.memory_space<hbm>> -> memref<1000xi32, #tpu.memory_space<hbm>>
      %dma_start3A_645 = arith.constant 1000 : i32
      %dma_start3A_646 = tpu.memref_slice %arg5[%run_scoped3A_7, %dma_start3A_645] : memref<2x2000xi32, #tpu.memory_space<vmem>> -> memref<1x1000xi32, #tpu.memory_space<vmem>>
      %dma_start3A_647 = tpu.memref_squeeze %dma_start3A_646 : memref<1x1000xi32, #tpu.memory_space<vmem>> -> memref<1000xi32, #tpu.memory_space<vmem>>
      %dma_start3A_648 = tpu.memref_slice %arg3[%run_scoped3A_6, %add3A_4] : memref<2x320000xi32, #tpu.memory_space<hbm>> -> memref<1x1000xi32, #tpu.memory_space<hbm>>
      %dma_start3A_649 = tpu.memref_squeeze %dma_start3A_648 : memref<1x1000xi32, #tpu.memory_space<hbm>> -> memref<1000xi32, #tpu.memory_space<hbm>>
      tpu.enqueue_dma source(%dma_start3A_649 : memref<1000xi32, #tpu.memory_space<hbm>>) target(%dma_start3A_647 : memref<1000xi32, #tpu.memory_space<vmem>>) target_semaphore(%run_scoped3A_639 : memref<!tpu.dma_semaphore, #tpu.memory_space<semaphore_mem>>)
      %dma_wait3A_650 = arith.constant 1000 : i32
      %dma_wait3A_651 = tpu.memref_slice %arg5[%run_scoped3A_7, %dma_wait3A_650] : memref<2x2000xi32, #tpu.memory_space<vmem>> -> memref<1x1000xi32, #tpu.memory_space<vmem>>
      %dma_wait3A_652 = tpu.memref_squeeze %dma_wait3A_651 : memref<1x1000xi32, #tpu.memory_space<vmem>> -> memref<1000xi32, #tpu.memory_space<vmem>>
      %dma_wait3A_653 = tpu.memref_slice %arg3[%run_scoped3A_6, %add3A_4] : memref<2x320000xi32, #tpu.memory_space<hbm>> -> memref<1x1000xi32, #tpu.memory_space<hbm>>
      %dma_wait3A_654 = tpu.memref_squeeze %dma_wait3A_653 : memref<1x1000xi32, #tpu.memory_space<hbm>> -> memref<1000xi32, #tpu.memory_space<hbm>>
      %dma_wait3A_655 = arith.constant 1000 : i32
      %dma_wait3A_656 = tpu.memref_slice %arg5[%run_scoped3A_7, %dma_wait3A_655] : memref<2x2000xi32, #tpu.memory_space<vmem>> -> memref<1x1000xi32, #tpu.memory_space<vmem>>
      %dma_wait3A_657 = tpu.memref_squeeze %dma_wait3A_656 : memref<1x1000xi32, #tpu.memory_space<vmem>> -> memref<1000xi32, #tpu.memory_space<vmem>>
      %dma_wait3A_658 = tpu.memref_slice %arg3[%run_scoped3A_6, %add3A_4] : memref<2x320000xi32, #tpu.memory_space<hbm>> -> memref<1x1000xi32, #tpu.memory_space<hbm>>
      %dma_wait3A_659 = tpu.memref_squeeze %dma_wait3A_658 : memref<1x1000xi32, #tpu.memory_space<hbm>> -> memref<1000xi32, #tpu.memory_space<hbm>>
      tpu.wait_dma2 semaphore(%run_scoped3A_639 : memref<!tpu.dma_semaphore, #tpu.memory_space<semaphore_mem>>) src(%dma_wait3A_659 : memref<1000xi32, #tpu.memory_space<hbm>>) dst(%dma_wait3A_657 : memref<1000xi32, #tpu.memory_space<vmem>>)
      tpu.yield
    }) : () -> ()
    %dma_start3A = arith.constant 0 : i32
    %dma_start3A_8 = arith.constant 0 : i32
    %dma_start3A_9 = arith.constant 0 : i32
    %dma_start3A_10 = arith.constant 0 : i32
    %dma_start3A_11 = tpu.memref_slice %arg6[%dma_start3A_8, %dma_start3A_9, %dma_start3A_10] : memref<2x2000x16xf32, #tpu.memory_space<vmem>> -> memref<1x2000x16xf32, #tpu.memory_space<vmem>>
    %dma_start3A_12 = tpu.memref_squeeze %dma_start3A_11 : memref<1x2000x16xf32, #tpu.memory_space<vmem>> -> memref<2000x16xf32, #tpu.memory_space<vmem>>
    %dma_start3A_13 = arith.constant 0 : i32
    %dma_start3A_14 = tpu.memref_slice %arg5[%dma_start3A, %dma_start3A_13] : memref<2x2000xi32, #tpu.memory_space<vmem>> -> memref<1x2000xi32, #tpu.memory_space<vmem>>
    %dma_start3A_15 = tpu.memref_squeeze %dma_start3A_14 : memref<1x2000xi32, #tpu.memory_space<vmem>> -> memref<2000xi32, #tpu.memory_space<vmem>>
    %dma_start3A_16 = arith.constant 0 : i32
    %dma_start3A_17 = arith.constant 0 : i32
    %dma_start3A_18 = tpu.memref_slice %arg2[%dma_start3A_16, %dma_start3A_17] : memref<10000x16xf32, #tpu.memory_space<hbm>> -> memref<10000x16xf32, #tpu.memory_space<hbm>>
    tpu.enqueue_indirect_dma source(%dma_start3A_18 : memref<10000x16xf32, #tpu.memory_space<hbm>>) target(%dma_start3A_12 : memref<2000x16xf32, #tpu.memory_space<vmem>>) offsets(%dma_start3A_15 : memref<2000xi32, #tpu.memory_space<vmem>>) semaphore(%arg7 : memref<!tpu.dma_semaphore, #tpu.memory_space<semaphore_mem>>)
    %add3A_19 = arith.constant 1000 : i32
    %add3A_20 = arith.addi %mul3A_2, %add3A_19 : i32
    %run_scoped3A_21 = arith.constant 0 : i32
    %run_scoped3A_22 = arith.constant 1 : i32
    "tpu.region"() ({
      %run_scoped3A_639 = tpu.sem_alloc : memref<!tpu.dma_semaphore, #tpu.memory_space<semaphore_mem>>
      %dma_start3A_640 = arith.constant 0 : i32
      %dma_start3A_641 = tpu.memref_slice %arg5[%run_scoped3A_22, %dma_start3A_640] : memref<2x2000xi32, #tpu.memory_space<vmem>> -> memref<1x1000xi32, #tpu.memory_space<vmem>>
      %dma_start3A_642 = tpu.memref_squeeze %dma_start3A_641 : memref<1x1000xi32, #tpu.memory_space<vmem>> -> memref<1000xi32, #tpu.memory_space<vmem>>
      %dma_start3A_643 = tpu.memref_slice %arg3[%run_scoped3A_21, %add3A_20] : memref<2x320000xi32, #tpu.memory_space<hbm>> -> memref<1x1000xi32, #tpu.memory_space<hbm>>
      %dma_start3A_644 = tpu.memref_squeeze %dma_start3A_643 : memref<1x1000xi32, #tpu.memory_space<hbm>> -> memref<1000xi32, #tpu.memory_space<hbm>>
      %dma_start3A_645 = arith.constant 0 : i32
      %dma_start3A_646 = tpu.memref_slice %arg5[%run_scoped3A_22, %dma_start3A_645] : memref<2x2000xi32, #tpu.memory_space<vmem>> -> memref<1x1000xi32, #tpu.memory_space<vmem>>
      %dma_start3A_647 = tpu.memref_squeeze %dma_start3A_646 : memref<1x1000xi32, #tpu.memory_space<vmem>> -> memref<1000xi32, #tpu.memory_space<vmem>>
      %dma_start3A_648 = tpu.memref_slice %arg3[%run_scoped3A_21, %add3A_20] : memref<2x320000xi32, #tpu.memory_space<hbm>> -> memref<1x1000xi32, #tpu.memory_space<hbm>>
      %dma_start3A_649 = tpu.memref_squeeze %dma_start3A_648 : memref<1x1000xi32, #tpu.memory_space<hbm>> -> memref<1000xi32, #tpu.memory_space<hbm>>
      tpu.enqueue_dma source(%dma_start3A_649 : memref<1000xi32, #tpu.memory_space<hbm>>) target(%dma_start3A_647 : memref<1000xi32, #tpu.memory_space<vmem>>) target_semaphore(%run_scoped3A_639 : memref<!tpu.dma_semaphore, #tpu.memory_space<semaphore_mem>>)
      %dma_wait3A_650 = arith.constant 0 : i32
      %dma_wait3A_651 = tpu.memref_slice %arg5[%run_scoped3A_22, %dma_wait3A_650] : memref<2x2000xi32, #tpu.memory_space<vmem>> -> memref<1x1000xi32, #tpu.memory_space<vmem>>
      %dma_wait3A_652 = tpu.memref_squeeze %dma_wait3A_651 : memref<1x1000xi32, #tpu.memory_space<vmem>> -> memref<1000xi32, #tpu.memory_space<vmem>>
      %dma_wait3A_653 = tpu.memref_slice %arg3[%run_scoped3A_21, %add3A_20] : memref<2x320000xi32, #tpu.memory_space<hbm>> -> memref<1x1000xi32, #tpu.memory_space<hbm>>
      %dma_wait3A_654 = tpu.memref_squeeze %dma_wait3A_653 : memref<1x1000xi32, #tpu.memory_space<hbm>> -> memref<1000xi32, #tpu.memory_space<hbm>>
      %dma_wait3A_655 = arith.constant 0 : i32
      %dma_wait3A_656 = tpu.memref_slice %arg5[%run_scoped3A_22, %dma_wait3A_655] : memref<2x2000xi32, #tpu.memory_space<vmem>> -> memref<1x1000xi32, #tpu.memory_space<vmem>>
      %dma_wait3A_657 = tpu.memref_squeeze %dma_wait3A_656 : memref<1x1000xi32, #tpu.memory_space<vmem>> -> memref<1000xi32, #tpu.memory_space<vmem>>
      %dma_wait3A_658 = tpu.memref_slice %arg3[%run_scoped3A_21, %add3A_20] : memref<2x320000xi32, #tpu.memory_space<hbm>> -> memref<1x1000xi32, #tpu.memory_space<hbm>>
      %dma_wait3A_659 = tpu.memref_squeeze %dma_wait3A_658 : memref<1x1000xi32, #tpu.memory_space<hbm>> -> memref<1000xi32, #tpu.memory_space<hbm>>
      tpu.wait_dma2 semaphore(%run_scoped3A_639 : memref<!tpu.dma_semaphore, #tpu.memory_space<semaphore_mem>>) src(%dma_wait3A_659 : memref<1000xi32, #tpu.memory_space<hbm>>) dst(%dma_wait3A_657 : memref<1000xi32, #tpu.memory_space<vmem>>)
      tpu.yield
    }) : () -> ()
    %run_scoped3A_23 = arith.constant 1 : i32
    %run_scoped3A_24 = arith.constant 1 : i32
    "tpu.region"() ({
      %run_scoped3A_639 = tpu.sem_alloc : memref<!tpu.dma_semaphore, #tpu.memory_space<semaphore_mem>>
      %dma_start3A_640 = arith.constant 1000 : i32
      %dma_start3A_641 = tpu.memref_slice %arg5[%run_scoped3A_24, %dma_start3A_640] : memref<2x2000xi32, #tpu.memory_space<vmem>> -> memref<1x1000xi32, #tpu.memory_space<vmem>>
      %dma_start3A_642 = tpu.memref_squeeze %dma_start3A_641 : memref<1x1000xi32, #tpu.memory_space<vmem>> -> memref<1000xi32, #tpu.memory_space<vmem>>
      %dma_start3A_643 = tpu.memref_slice %arg3[%run_scoped3A_23, %add3A_20] : memref<2x320000xi32, #tpu.memory_space<hbm>> -> memref<1x1000xi32, #tpu.memory_space<hbm>>
      %dma_start3A_644 = tpu.memref_squeeze %dma_start3A_643 : memref<1x1000xi32, #tpu.memory_space<hbm>> -> memref<1000xi32, #tpu.memory_space<hbm>>
      %dma_start3A_645 = arith.constant 1000 : i32
      %dma_start3A_646 = tpu.memref_slice %arg5[%run_scoped3A_24, %dma_start3A_645] : memref<2x2000xi32, #tpu.memory_space<vmem>> -> memref<1x1000xi32, #tpu.memory_space<vmem>>
      %dma_start3A_647 = tpu.memref_squeeze %dma_start3A_646 : memref<1x1000xi32, #tpu.memory_space<vmem>> -> memref<1000xi32, #tpu.memory_space<vmem>>
      %dma_start3A_648 = tpu.memref_slice %arg3[%run_scoped3A_23, %add3A_20] : memref<2x320000xi32, #tpu.memory_space<hbm>> -> memref<1x1000xi32, #tpu.memory_space<hbm>>
      %dma_start3A_649 = tpu.memref_squeeze %dma_start3A_648 : memref<1x1000xi32, #tpu.memory_space<hbm>> -> memref<1000xi32, #tpu.memory_space<hbm>>
      tpu.enqueue_dma source(%dma_start3A_649 : memref<1000xi32, #tpu.memory_space<hbm>>) target(%dma_start3A_647 : memref<1000xi32, #tpu.memory_space<vmem>>) target_semaphore(%run_scoped3A_639 : memref<!tpu.dma_semaphore, #tpu.memory_space<semaphore_mem>>)
      %dma_wait3A_650 = arith.constant 1000 : i32
      %dma_wait3A_651 = tpu.memref_slice %arg5[%run_scoped3A_24, %dma_wait3A_650] : memref<2x2000xi32, #tpu.memory_space<vmem>> -> memref<1x1000xi32, #tpu.memory_space<vmem>>
      %dma_wait3A_652 = tpu.memref_squeeze %dma_wait3A_651 : memref<1x1000xi32, #tpu.memory_space<vmem>> -> memref<1000xi32, #tpu.memory_space<vmem>>
      %dma_wait3A_653 = tpu.memref_slice %arg3[%run_scoped3A_23, %add3A_20] : memref<2x320000xi32, #tpu.memory_space<hbm>> -> memref<1x1000xi32, #tpu.memory_space<hbm>>
      %dma_wait3A_654 = tpu.memref_squeeze %dma_wait3A_653 : memref<1x1000xi32, #tpu.memory_space<hbm>> -> memref<1000xi32, #tpu.memory_space<hbm>>
      %dma_wait3A_655 = arith.constant 1000 : i32
      %dma_wait3A_656 = tpu.memref_slice %arg5[%run_scoped3A_24, %dma_wait3A_655] : memref<2x2000xi32, #tpu.memory_space<vmem>> -> memref<1x1000xi32, #tpu.memory_space<vmem>>
      %dma_wait3A_657 = tpu.memref_squeeze %dma_wait3A_656 : memref<1x1000xi32, #tpu.memory_space<vmem>> -> memref<1000xi32, #tpu.memory_space<vmem>>
      %dma_wait3A_658 = tpu.memref_slice %arg3[%run_scoped3A_23, %add3A_20] : memref<2x320000xi32, #tpu.memory_space<hbm>> -> memref<1x1000xi32, #tpu.memory_space<hbm>>
      %dma_wait3A_659 = tpu.memref_squeeze %dma_wait3A_658 : memref<1x1000xi32, #tpu.memory_space<hbm>> -> memref<1000xi32, #tpu.memory_space<hbm>>
      tpu.wait_dma2 semaphore(%run_scoped3A_639 : memref<!tpu.dma_semaphore, #tpu.memory_space<semaphore_mem>>) src(%dma_wait3A_659 : memref<1000xi32, #tpu.memory_space<hbm>>) dst(%dma_wait3A_657 : memref<1000xi32, #tpu.memory_space<vmem>>)
      tpu.yield
    }) : () -> ()
    %dma_start3A_25 = arith.constant 1 : i32
    %dma_start3A_26 = arith.constant 1 : i32
    %dma_start3A_27 = arith.constant 0 : i32
    %dma_start3A_28 = arith.constant 0 : i32
    %dma_start3A_29 = tpu.memref_slice %arg6[%dma_start3A_26, %dma_start3A_27, %dma_start3A_28] : memref<2x2000x16xf32, #tpu.memory_space<vmem>> -> memref<1x2000x16xf32, #tpu.memory_space<vmem>>
    %dma_start3A_30 = tpu.memref_squeeze %dma_start3A_29 : memref<1x2000x16xf32, #tpu.memory_space<vmem>> -> memref<2000x16xf32, #tpu.memory_space<vmem>>
    %dma_start3A_31 = arith.constant 0 : i32
    %dma_start3A_32 = tpu.memref_slice %arg5[%dma_start3A_25, %dma_start3A_31] : memref<2x2000xi32, #tpu.memory_space<vmem>> -> memref<1x2000xi32, #tpu.memory_space<vmem>>
    %dma_start3A_33 = tpu.memref_squeeze %dma_start3A_32 : memref<1x2000xi32, #tpu.memory_space<vmem>> -> memref<2000xi32, #tpu.memory_space<vmem>>
    %dma_start3A_34 = arith.constant 0 : i32
    %dma_start3A_35 = arith.constant 0 : i32
    %dma_start3A_36 = tpu.memref_slice %arg2[%dma_start3A_34, %dma_start3A_35] : memref<10000x16xf32, #tpu.memory_space<hbm>> -> memref<10000x16xf32, #tpu.memory_space<hbm>>
    tpu.enqueue_indirect_dma source(%dma_start3A_36 : memref<10000x16xf32, #tpu.memory_space<hbm>>) target(%dma_start3A_30 : memref<2000x16xf32, #tpu.memory_space<vmem>>) offsets(%dma_start3A_33 : memref<2000xi32, #tpu.memory_space<vmem>>) semaphore(%arg8 : memref<!tpu.dma_semaphore, #tpu.memory_space<semaphore_mem>>)
    %dma_wait3A = arith.constant 0 : i32
    %dma_wait3A_37 = arith.constant 0 : i32
    %dma_wait3A_38 = arith.constant 0 : i32
    %dma_wait3A_39 = arith.constant 0 : i32
    %dma_wait3A_40 = tpu.memref_slice %arg6[%dma_wait3A_37, %dma_wait3A_38, %dma_wait3A_39] : memref<2x2000x16xf32, #tpu.memory_space<vmem>> -> memref<1x2000x16xf32, #tpu.memory_space<vmem>>
    %dma_wait3A_41 = tpu.memref_squeeze %dma_wait3A_40 : memref<1x2000x16xf32, #tpu.memory_space<vmem>> -> memref<2000x16xf32, #tpu.memory_space<vmem>>
    %dma_wait3A_42 = arith.constant 0 : i32
    %dma_wait3A_43 = tpu.memref_slice %arg5[%dma_wait3A, %dma_wait3A_42] : memref<2x2000xi32, #tpu.memory_space<vmem>> -> memref<1x2000xi32, #tpu.memory_space<vmem>>
    %dma_wait3A_44 = tpu.memref_squeeze %dma_wait3A_43 : memref<1x2000xi32, #tpu.memory_space<vmem>> -> memref<2000xi32, #tpu.memory_space<vmem>>
    %dma_wait3A_45 = arith.constant 0 : i32
    %dma_wait3A_46 = arith.constant 0 : i32
    %dma_wait3A_47 = tpu.memref_slice %arg2[%dma_wait3A_45, %dma_wait3A_46] : memref<10000x16xf32, #tpu.memory_space<hbm>> -> memref<10000x16xf32, #tpu.memory_space<hbm>>
    tpu.wait_indirect_dma semaphore(%arg7 : memref<!tpu.dma_semaphore, #tpu.memory_space<semaphore_mem>>) src(%dma_wait3A_47 : memref<10000x16xf32, #tpu.memory_space<hbm>>) dst(%dma_wait3A_41 : memref<2000x16xf32, #tpu.memory_space<vmem>>)
    %scan3A = arith.constant 0 : i32
    %scan3A_48 = arith.constant 0 : i32
    %scan3A_49 = arith.constant 1000 : i32
    %scan3A_50 = arith.addi %scan3A_48, %scan3A_49 : i32
    %scan3A_51 = arith.constant 1 : i32
    scf.for %scan3A_639 = %scan3A_48 to %scan3A_50 step %scan3A_51  : i32 {
      %get3A = arith.constant 0 : i32
      %get3A_640 = arith.index_cast %get3A : i32 to index
      %get3A_641 = arith.index_cast %scan3A_639 : i32 to index
      %get3A_642 = arith.constant 0 : index
      %get3A_643 = tpu.vector_load %arg6[%get3A_640, %get3A_641, %get3A_642] {strides = array<i32>} : memref<2x2000x16xf32, #tpu.memory_space<vmem>>, vector<1x1x16xf32>,
      %get3A_644 = vector.shape_cast %get3A_643 : vector<1x1x16xf32> to vector<16xf32>
      %add3A_645 = arith.constant 1000 : i32
      %add3A_646 = arith.addi %add3A_645, %scan3A_639 : i32
      %get3A_647 = arith.constant 0 : i32
      %get3A_648 = arith.index_cast %get3A_647 : i32 to index
      %get3A_649 = arith.index_cast %add3A_646 : i32 to index
      %get3A_650 = arith.constant 0 : index
      %get3A_651 = tpu.vector_load %arg6[%get3A_648, %get3A_649, %get3A_650] {strides = array<i32>} : memref<2x2000x16xf32, #tpu.memory_space<vmem>>, vector<1x1x16xf32>,
      %get3A_652 = vector.shape_cast %get3A_651 : vector<1x1x16xf32> to vector<16xf32>
      %add3A_653 = arith.addf %get3A_644, %get3A_652 : vector<16xf32>
      %swap3A = arith.constant 0 : i32
      %swap3A_654 = arith.index_cast %swap3A : i32 to index
      %swap3A_655 = arith.index_cast %scan3A_639 : i32 to index
      %swap3A_656 = arith.constant 0 : index
      %swap3A_657 = tpu.vector_load %arg6[%swap3A_654, %swap3A_655, %swap3A_656] {strides = array<i32>} : memref<2x2000x16xf32, #tpu.memory_space<vmem>>, vector<1x1x16xf32>,
      %swap3A_658 = vector.shape_cast %swap3A_657 : vector<1x1x16xf32> to vector<16xf32>
      %swap3A_659 = vector.shape_cast %add3A_653 : vector<16xf32> to vector<1x1x16xf32>
      tpu.vector_store %arg6[%swap3A_654, %swap3A_655, %swap3A_656], %swap3A_659 {strides = array<i32>} : memref<2x2000x16xf32, #tpu.memory_space<vmem>>, vector<1x1x16xf32>,
    }
    %scan3A_52 = arith.constant 1000 : i32
    %add3A_53 = arith.constant 0 : i32
    %add3A_54 = arith.addi %mul3A_2, %add3A_53 : i32
    %dma_start3A_55 = arith.constant 0 : i32
    %dma_start3A_56 = arith.constant 0 : i32
    %dma_start3A_57 = arith.constant 0 : i32
    %dma_start3A_58 = tpu.memref_slice %arg6[%dma_start3A_55, %dma_start3A_56, %dma_start3A_57] : memref<2x2000x16xf32, #tpu.memory_space<vmem>> -> memref<1x1000x16xf32, #tpu.memory_space<vmem>>
    %dma_start3A_59 = tpu.memref_squeeze %dma_start3A_58 : memref<1x1000x16xf32, #tpu.memory_space<vmem>> -> memref<1000x16xf32, #tpu.memory_space<vmem>>
    %dma_start3A_60 = arith.constant 0 : i32
    %dma_start3A_61 = tpu.memref_slice %arg4[%add3A_54, %dma_start3A_60] : memref<320000x16xf32, #tpu.memory_space<hbm>> -> memref<1000x16xf32, #tpu.memory_space<hbm>>
    %dma_start3A_62 = arith.constant 0 : i32
    %dma_start3A_63 = tpu.memref_slice %arg4[%add3A_54, %dma_start3A_62] : memref<320000x16xf32, #tpu.memory_space<hbm>> -> memref<1000x16xf32, #tpu.memory_space<hbm>>
    %dma_start3A_64 = arith.constant 0 : i32
    %dma_start3A_65 = arith.constant 0 : i32
    %dma_start3A_66 = tpu.memref_slice %arg6[%dma_start3A_55, %dma_start3A_64, %dma_start3A_65] : memref<2x2000x16xf32, #tpu.memory_space<vmem>> -> memref<1x1000x16xf32, #tpu.memory_space<vmem>>
    %dma_start3A_67 = tpu.memref_squeeze %dma_start3A_66 : memref<1x1000x16xf32, #tpu.memory_space<vmem>> -> memref<1000x16xf32, #tpu.memory_space<vmem>>
    tpu.enqueue_dma source(%dma_start3A_67 : memref<1000x16xf32, #tpu.memory_space<vmem>>) target(%dma_start3A_63 : memref<1000x16xf32, #tpu.memory_space<hbm>>) target_semaphore(%arg9 : memref<!tpu.dma_semaphore, #tpu.memory_space<semaphore_mem>>)
    %dma_wait3A_68 = arith.constant 0 : i32
    %dma_wait3A_69 = arith.constant 0 : i32
    %dma_wait3A_70 = arith.constant 0 : i32
    %dma_wait3A_71 = tpu.memref_slice %arg6[%dma_wait3A_68, %dma_wait3A_69, %dma_wait3A_70] : memref<2x2000x16xf32, #tpu.memory_space<vmem>> -> memref<1x1000x16xf32, #tpu.memory_space<vmem>>
    %dma_wait3A_72 = tpu.memref_squeeze %dma_wait3A_71 : memref<1x1000x16xf32, #tpu.memory_space<vmem>> -> memref<1000x16xf32, #tpu.memory_space<vmem>>
    %dma_wait3A_73 = arith.constant 0 : i32
    %dma_wait3A_74 = tpu.memref_slice %arg4[%add3A_54, %dma_wait3A_73] : memref<320000x16xf32, #tpu.memory_space<hbm>> -> memref<1000x16xf32, #tpu.memory_space<hbm>>
    %dma_wait3A_75 = arith.constant 0 : i32
    %dma_wait3A_76 = tpu.memref_slice %arg4[%add3A_54, %dma_wait3A_75] : memref<320000x16xf32, #tpu.memory_space<hbm>> -> memref<1000x16xf32, #tpu.memory_space<hbm>>
    %dma_wait3A_77 = arith.constant 0 : i32
    %dma_wait3A_78 = arith.constant 0 : i32
    %dma_wait3A_79 = tpu.memref_slice %arg6[%dma_wait3A_68, %dma_wait3A_77, %dma_wait3A_78] : memref<2x2000x16xf32, #tpu.memory_space<vmem>> -> memref<1x1000x16xf32, #tpu.memory_space<vmem>>
    %dma_wait3A_80 = tpu.memref_squeeze %dma_wait3A_79 : memref<1x1000x16xf32, #tpu.memory_space<vmem>> -> memref<1000x16xf32, #tpu.memory_space<vmem>>
    tpu.wait_dma2 semaphore(%arg9 : memref<!tpu.dma_semaphore, #tpu.memory_space<semaphore_mem>>) src(%dma_wait3A_80 : memref<1000x16xf32, #tpu.memory_space<vmem>>) dst(%dma_wait3A_76 : memref<1000x16xf32, #tpu.memory_space<hbm>>)
    %add3A_81 = arith.constant 2000 : i32
    %add3A_82 = arith.addi %mul3A_2, %add3A_81 : i32
    %run_scoped3A_83 = arith.constant 0 : i32
    %run_scoped3A_84 = arith.constant 0 : i32
    "tpu.region"() ({
      %run_scoped3A_639 = tpu.sem_alloc : memref<!tpu.dma_semaphore, #tpu.memory_space<semaphore_mem>>
      %dma_start3A_640 = arith.constant 0 : i32
      %dma_start3A_641 = tpu.memref_slice %arg5[%run_scoped3A_84, %dma_start3A_640] : memref<2x2000xi32, #tpu.memory_space<vmem>> -> memref<1x1000xi32, #tpu.memory_space<vmem>>
      %dma_start3A_642 = tpu.memref_squeeze %dma_start3A_641 : memref<1x1000xi32, #tpu.memory_space<vmem>> -> memref<1000xi32, #tpu.memory_space<vmem>>
      %dma_start3A_643 = tpu.memref_slice %arg3[%run_scoped3A_83, %add3A_82] : memref<2x320000xi32, #tpu.memory_space<hbm>> -> memref<1x1000xi32, #tpu.memory_space<hbm>>
      %dma_start3A_644 = tpu.memref_squeeze %dma_start3A_643 : memref<1x1000xi32, #tpu.memory_space<hbm>> -> memref<1000xi32, #tpu.memory_space<hbm>>
      %dma_start3A_645 = arith.constant 0 : i32
      %dma_start3A_646 = tpu.memref_slice %arg5[%run_scoped3A_84, %dma_start3A_645] : memref<2x2000xi32, #tpu.memory_space<vmem>> -> memref<1x1000xi32, #tpu.memory_space<vmem>>
      %dma_start3A_647 = tpu.memref_squeeze %dma_start3A_646 : memref<1x1000xi32, #tpu.memory_space<vmem>> -> memref<1000xi32, #tpu.memory_space<vmem>>
      %dma_start3A_648 = tpu.memref_slice %arg3[%run_scoped3A_83, %add3A_82] : memref<2x320000xi32, #tpu.memory_space<hbm>> -> memref<1x1000xi32, #tpu.memory_space<hbm>>
      %dma_start3A_649 = tpu.memref_squeeze %dma_start3A_648 : memref<1x1000xi32, #tpu.memory_space<hbm>> -> memref<1000xi32, #tpu.memory_space<hbm>>
      tpu.enqueue_dma source(%dma_start3A_649 : memref<1000xi32, #tpu.memory_space<hbm>>) target(%dma_start3A_647 : memref<1000xi32, #tpu.memory_space<vmem>>) target_semaphore(%run_scoped3A_639 : memref<!tpu.dma_semaphore, #tpu.memory_space<semaphore_mem>>)
      %dma_wait3A_650 = arith.constant 0 : i32
      %dma_wait3A_651 = tpu.memref_slice %arg5[%run_scoped3A_84, %dma_wait3A_650] : memref<2x2000xi32, #tpu.memory_space<vmem>> -> memref<1x1000xi32, #tpu.memory_space<vmem>>
      %dma_wait3A_652 = tpu.memref_squeeze %dma_wait3A_651 : memref<1x1000xi32, #tpu.memory_space<vmem>> -> memref<1000xi32, #tpu.memory_space<vmem>>
      %dma_wait3A_653 = tpu.memref_slice %arg3[%run_scoped3A_83, %add3A_82] : memref<2x320000xi32, #tpu.memory_space<hbm>> -> memref<1x1000xi32, #tpu.memory_space<hbm>>
      %dma_wait3A_654 = tpu.memref_squeeze %dma_wait3A_653 : memref<1x1000xi32, #tpu.memory_space<hbm>> -> memref<1000xi32, #tpu.memory_space<hbm>>
      %dma_wait3A_655 = arith.constant 0 : i32
      %dma_wait3A_656 = tpu.memref_slice %arg5[%run_scoped3A_84, %dma_wait3A_655] : memref<2x2000xi32, #tpu.memory_space<vmem>> -> memref<1x1000xi32, #tpu.memory_space<vmem>>
      %dma_wait3A_657 = tpu.memref_squeeze %dma_wait3A_656 : memref<1x1000xi32, #tpu.memory_space<vmem>> -> memref<1000xi32, #tpu.memory_space<vmem>>
      %dma_wait3A_658 = tpu.memref_slice %arg3[%run_scoped3A_83, %add3A_82] : memref<2x320000xi32, #tpu.memory_space<hbm>> -> memref<1x1000xi32, #tpu.memory_space<hbm>>
      %dma_wait3A_659 = tpu.memref_squeeze %dma_wait3A_658 : memref<1x1000xi32, #tpu.memory_space<hbm>> -> memref<1000xi32, #tpu.memory_space<hbm>>
      tpu.wait_dma2 semaphore(%run_scoped3A_639 : memref<!tpu.dma_semaphore, #tpu.memory_space<semaphore_mem>>) src(%dma_wait3A_659 : memref<1000xi32, #tpu.memory_space<hbm>>) dst(%dma_wait3A_657 : memref<1000xi32, #tpu.memory_space<vmem>>)
      tpu.yield
    }) : () -> ()
    %run_scoped3A_85 = arith.constant 1 : i32
    %run_scoped3A_86 = arith.constant 0 : i32
    "tpu.region"() ({
      %run_scoped3A_639 = tpu.sem_alloc : memref<!tpu.dma_semaphore, #tpu.memory_space<semaphore_mem>>
      %dma_start3A_640 = arith.constant 1000 : i32
      %dma_start3A_641 = tpu.memref_slice %arg5[%run_scoped3A_86, %dma_start3A_640] : memref<2x2000xi32, #tpu.memory_space<vmem>> -> memref<1x1000xi32, #tpu.memory_space<vmem>>
      %dma_start3A_642 = tpu.memref_squeeze %dma_start3A_641 : memref<1x1000xi32, #tpu.memory_space<vmem>> -> memref<1000xi32, #tpu.memory_space<vmem>>
      %dma_start3A_643 = tpu.memref_slice %arg3[%run_scoped3A_85, %add3A_82] : memref<2x320000xi32, #tpu.memory_space<hbm>> -> memref<1x1000xi32, #tpu.memory_space<hbm>>
      %dma_start3A_644 = tpu.memref_squeeze %dma_start3A_643 : memref<1x1000xi32, #tpu.memory_space<hbm>> -> memref<1000xi32, #tpu.memory_space<hbm>>
      %dma_start3A_645 = arith.constant 1000 : i32
      %dma_start3A_646 = tpu.memref_slice %arg5[%run_scoped3A_86, %dma_start3A_645] : memref<2x2000xi32, #tpu.memory_space<vmem>> -> memref<1x1000xi32, #tpu.memory_space<vmem>>
      %dma_start3A_647 = tpu.memref_squeeze %dma_start3A_646 : memref<1x1000xi32, #tpu.memory_space<vmem>> -> memref<1000xi32, #tpu.memory_space<vmem>>
      %dma_start3A_648 = tpu.memref_slice %arg3[%run_scoped3A_85, %add3A_82] : memref<2x320000xi32, #tpu.memory_space<hbm>> -> memref<1x1000xi32, #tpu.memory_space<hbm>>
      %dma_start3A_649 = tpu.memref_squeeze %dma_start3A_648 : memref<1x1000xi32, #tpu.memory_space<hbm>> -> memref<1000xi32, #tpu.memory_space<hbm>>
      tpu.enqueue_dma source(%dma_start3A_649 : memref<1000xi32, #tpu.memory_space<hbm>>) target(%dma_start3A_647 : memref<1000xi32, #tpu.memory_space<vmem>>) target_semaphore(%run_scoped3A_639 : memref<!tpu.dma_semaphore, #tpu.memory_space<semaphore_mem>>)
      %dma_wait3A_650 = arith.constant 1000 : i32
      %dma_wait3A_651 = tpu.memref_slice %arg5[%run_scoped3A_86, %dma_wait3A_650] : memref<2x2000xi32, #tpu.memory_space<vmem>> -> memref<1x1000xi32, #tpu.memory_space<vmem>>
      %dma_wait3A_652 = tpu.memref_squeeze %dma_wait3A_651 : memref<1x1000xi32, #tpu.memory_space<vmem>> -> memref<1000xi32, #tpu.memory_space<vmem>>
      %dma_wait3A_653 = tpu.memref_slice %arg3[%run_scoped3A_85, %add3A_82] : memref<2x320000xi32, #tpu.memory_space<hbm>> -> memref<1x1000xi32, #tpu.memory_space<hbm>>
      %dma_wait3A_654 = tpu.memref_squeeze %dma_wait3A_653 : memref<1x1000xi32, #tpu.memory_space<hbm>> -> memref<1000xi32, #tpu.memory_space<hbm>>
      %dma_wait3A_655 = arith.constant 1000 : i32
      %dma_wait3A_656 = tpu.memref_slice %arg5[%run_scoped3A_86, %dma_wait3A_655] : memref<2x2000xi32, #tpu.memory_space<vmem>> -> memref<1x1000xi32, #tpu.memory_space<vmem>>
      %dma_wait3A_657 = tpu.memref_squeeze %dma_wait3A_656 : memref<1x1000xi32, #tpu.memory_space<vmem>> -> memref<1000xi32, #tpu.memory_space<vmem>>
      %dma_wait3A_658 = tpu.memref_slice %arg3[%run_scoped3A_85, %add3A_82] : memref<2x320000xi32, #tpu.memory_space<hbm>> -> memref<1x1000xi32, #tpu.memory_space<hbm>>
      %dma_wait3A_659 = tpu.memref_squeeze %dma_wait3A_658 : memref<1x1000xi32, #tpu.memory_space<hbm>> -> memref<1000xi32, #tpu.memory_space<hbm>>
      tpu.wait_dma2 semaphore(%run_scoped3A_639 : memref<!tpu.dma_semaphore, #tpu.memory_space<semaphore_mem>>) src(%dma_wait3A_659 : memref<1000xi32, #tpu.memory_space<hbm>>) dst(%dma_wait3A_657 : memref<1000xi32, #tpu.memory_space<vmem>>)
      tpu.yield
    }) : () -> ()
    %dma_start3A_87 = arith.constant 0 : i32
    %dma_start3A_88 = arith.constant 0 : i32
    %dma_start3A_89 = arith.constant 0 : i32
    %dma_start3A_90 = arith.constant 0 : i32
    %dma_start3A_91 = tpu.memref_slice %arg6[%dma_start3A_88, %dma_start3A_89, %dma_start3A_90] : memref<2x2000x16xf32, #tpu.memory_space<vmem>> -> memref<1x2000x16xf32, #tpu.memory_space<vmem>>
    %dma_start3A_92 = tpu.memref_squeeze %dma_start3A_91 : memref<1x2000x16xf32, #tpu.memory_space<vmem>> -> memref<2000x16xf32, #tpu.memory_space<vmem>>
    %dma_start3A_93 = arith.constant 0 : i32
    %dma_start3A_94 = tpu.memref_slice %arg5[%dma_start3A_87, %dma_start3A_93] : memref<2x2000xi32, #tpu.memory_space<vmem>> -> memref<1x2000xi32, #tpu.memory_space<vmem>>
    %dma_start3A_95 = tpu.memref_squeeze %dma_start3A_94 : memref<1x2000xi32, #tpu.memory_space<vmem>> -> memref<2000xi32, #tpu.memory_space<vmem>>
    %dma_start3A_96 = arith.constant 0 : i32
    %dma_start3A_97 = arith.constant 0 : i32
    %dma_start3A_98 = tpu.memref_slice %arg2[%dma_start3A_96, %dma_start3A_97] : memref<10000x16xf32, #tpu.memory_space<hbm>> -> memref<10000x16xf32, #tpu.memory_space<hbm>>
    tpu.enqueue_indirect_dma source(%dma_start3A_98 : memref<10000x16xf32, #tpu.memory_space<hbm>>) target(%dma_start3A_92 : memref<2000x16xf32, #tpu.memory_space<vmem>>) offsets(%dma_start3A_95 : memref<2000xi32, #tpu.memory_space<vmem>>) semaphore(%arg7 : memref<!tpu.dma_semaphore, #tpu.memory_space<semaphore_mem>>)
    %dma_wait3A_99 = arith.constant 1 : i32
    %dma_wait3A_100 = arith.constant 1 : i32
    %dma_wait3A_101 = arith.constant 0 : i32
    %dma_wait3A_102 = arith.constant 0 : i32
    %dma_wait3A_103 = tpu.memref_slice %arg6[%dma_wait3A_100, %dma_wait3A_101, %dma_wait3A_102] : memref<2x2000x16xf32, #tpu.memory_space<vmem>> -> memref<1x2000x16xf32, #tpu.memory_space<vmem>>
    %dma_wait3A_104 = tpu.memref_squeeze %dma_wait3A_103 : memref<1x2000x16xf32, #tpu.memory_space<vmem>> -> memref<2000x16xf32, #tpu.memory_space<vmem>>
    %dma_wait3A_105 = arith.constant 0 : i32
    %dma_wait3A_106 = tpu.memref_slice %arg5[%dma_wait3A_99, %dma_wait3A_105] : memref<2x2000xi32, #tpu.memory_space<vmem>> -> memref<1x2000xi32, #tpu.memory_space<vmem>>
    %dma_wait3A_107 = tpu.memref_squeeze %dma_wait3A_106 : memref<1x2000xi32, #tpu.memory_space<vmem>> -> memref<2000xi32, #tpu.memory_space<vmem>>
    %dma_wait3A_108 = arith.constant 0 : i32
    %dma_wait3A_109 = arith.constant 0 : i32
    %dma_wait3A_110 = tpu.memref_slice %arg2[%dma_wait3A_108, %dma_wait3A_109] : memref<10000x16xf32, #tpu.memory_space<hbm>> -> memref<10000x16xf32, #tpu.memory_space<hbm>>
    tpu.wait_indirect_dma semaphore(%arg8 : memref<!tpu.dma_semaphore, #tpu.memory_space<semaphore_mem>>) src(%dma_wait3A_110 : memref<10000x16xf32, #tpu.memory_space<hbm>>) dst(%dma_wait3A_104 : memref<2000x16xf32, #tpu.memory_space<vmem>>)
    %scan3A_111 = arith.constant 0 : i32
    %scan3A_112 = arith.constant 0 : i32
    %scan3A_113 = arith.constant 1000 : i32
    %scan3A_114 = arith.addi %scan3A_112, %scan3A_113 : i32
    %scan3A_115 = arith.constant 1 : i32
    scf.for %scan3A_639 = %scan3A_112 to %scan3A_114 step %scan3A_115  : i32 {
      %get3A = arith.constant 1 : i32
      %get3A_640 = arith.index_cast %get3A : i32 to index
      %get3A_641 = arith.index_cast %scan3A_639 : i32 to index
      %get3A_642 = arith.constant 0 : index
      %get3A_643 = tpu.vector_load %arg6[%get3A_640, %get3A_641, %get3A_642] {strides = array<i32>} : memref<2x2000x16xf32, #tpu.memory_space<vmem>>, vector<1x1x16xf32>,
      %get3A_644 = vector.shape_cast %get3A_643 : vector<1x1x16xf32> to vector<16xf32>
      %add3A_645 = arith.constant 1000 : i32
      %add3A_646 = arith.addi %add3A_645, %scan3A_639 : i32
      %get3A_647 = arith.constant 1 : i32
      %get3A_648 = arith.index_cast %get3A_647 : i32 to index
      %get3A_649 = arith.index_cast %add3A_646 : i32 to index
      %get3A_650 = arith.constant 0 : index
      %get3A_651 = tpu.vector_load %arg6[%get3A_648, %get3A_649, %get3A_650] {strides = array<i32>} : memref<2x2000x16xf32, #tpu.memory_space<vmem>>, vector<1x1x16xf32>,
      %get3A_652 = vector.shape_cast %get3A_651 : vector<1x1x16xf32> to vector<16xf32>
      %add3A_653 = arith.addf %get3A_644, %get3A_652 : vector<16xf32>
      %swap3A = arith.constant 1 : i32
      %swap3A_654 = arith.index_cast %swap3A : i32 to index
      %swap3A_655 = arith.index_cast %scan3A_639 : i32 to index
      %swap3A_656 = arith.constant 0 : index
      %swap3A_657 = tpu.vector_load %arg6[%swap3A_654, %swap3A_655, %swap3A_656] {strides = array<i32>} : memref<2x2000x16xf32, #tpu.memory_space<vmem>>, vector<1x1x16xf32>,
      %swap3A_658 = vector.shape_cast %swap3A_657 : vector<1x1x16xf32> to vector<16xf32>
      %swap3A_659 = vector.shape_cast %add3A_653 : vector<16xf32> to vector<1x1x16xf32>
      tpu.vector_store %arg6[%swap3A_654, %swap3A_655, %swap3A_656], %swap3A_659 {strides = array<i32>} : memref<2x2000x16xf32, #tpu.memory_space<vmem>>, vector<1x1x16xf32>,
    }
    %scan3A_116 = arith.constant 1000 : i32
    %add3A_117 = arith.constant 1000 : i32
    %add3A_118 = arith.addi %mul3A_2, %add3A_117 : i32
    %dma_start3A_119 = arith.constant 1 : i32
    %dma_start3A_120 = arith.constant 0 : i32
    %dma_start3A_121 = arith.constant 0 : i32
    %dma_start3A_122 = tpu.memref_slice %arg6[%dma_start3A_119, %dma_start3A_120, %dma_start3A_121] : memref<2x2000x16xf32, #tpu.memory_space<vmem>> -> memref<1x1000x16xf32, #tpu.memory_space<vmem>>
    %dma_start3A_123 = tpu.memref_squeeze %dma_start3A_122 : memref<1x1000x16xf32, #tpu.memory_space<vmem>> -> memref<1000x16xf32, #tpu.memory_space<vmem>>
    %dma_start3A_124 = arith.constant 0 : i32
    %dma_start3A_125 = tpu.memref_slice %arg4[%add3A_118, %dma_start3A_124] : memref<320000x16xf32, #tpu.memory_space<hbm>> -> memref<1000x16xf32, #tpu.memory_space<hbm>>
    %dma_start3A_126 = arith.constant 0 : i32
    %dma_start3A_127 = tpu.memref_slice %arg4[%add3A_118, %dma_start3A_126] : memref<320000x16xf32, #tpu.memory_space<hbm>> -> memref<1000x16xf32, #tpu.memory_space<hbm>>
    %dma_start3A_128 = arith.constant 0 : i32
    %dma_start3A_129 = arith.constant 0 : i32
    %dma_start3A_130 = tpu.memref_slice %arg6[%dma_start3A_119, %dma_start3A_128, %dma_start3A_129] : memref<2x2000x16xf32, #tpu.memory_space<vmem>> -> memref<1x1000x16xf32, #tpu.memory_space<vmem>>
    %dma_start3A_131 = tpu.memref_squeeze %dma_start3A_130 : memref<1x1000x16xf32, #tpu.memory_space<vmem>> -> memref<1000x16xf32, #tpu.memory_space<vmem>>
    tpu.enqueue_dma source(%dma_start3A_131 : memref<1000x16xf32, #tpu.memory_space<vmem>>) target(%dma_start3A_127 : memref<1000x16xf32, #tpu.memory_space<hbm>>) target_semaphore(%arg10 : memref<!tpu.dma_semaphore, #tpu.memory_space<semaphore_mem>>)
    %dma_wait3A_132 = arith.constant 1 : i32
    %dma_wait3A_133 = arith.constant 0 : i32
    %dma_wait3A_134 = arith.constant 0 : i32
    %dma_wait3A_135 = tpu.memref_slice %arg6[%dma_wait3A_132, %dma_wait3A_133, %dma_wait3A_134] : memref<2x2000x16xf32, #tpu.memory_space<vmem>> -> memref<1x1000x16xf32, #tpu.memory_space<vmem>>
    %dma_wait3A_136 = tpu.memref_squeeze %dma_wait3A_135 : memref<1x1000x16xf32, #tpu.memory_space<vmem>> -> memref<1000x16xf32, #tpu.memory_space<vmem>>
    %dma_wait3A_137 = arith.constant 0 : i32
    %dma_wait3A_138 = tpu.memref_slice %arg4[%add3A_118, %dma_wait3A_137] : memref<320000x16xf32, #tpu.memory_space<hbm>> -> memref<1000x16xf32, #tpu.memory_space<hbm>>
    %dma_wait3A_139 = arith.constant 0 : i32
    %dma_wait3A_140 = tpu.memref_slice %arg4[%add3A_118, %dma_wait3A_139] : memref<320000x16xf32, #tpu.memory_space<hbm>> -> memref<1000x16xf32, #tpu.memory_space<hbm>>
    %dma_wait3A_141 = arith.constant 0 : i32
    %dma_wait3A_142 = arith.constant 0 : i32
    %dma_wait3A_143 = tpu.memref_slice %arg6[%dma_wait3A_132, %dma_wait3A_141, %dma_wait3A_142] : memref<2x2000x16xf32, #tpu.memory_space<vmem>> -> memref<1x1000x16xf32, #tpu.memory_space<vmem>>
    %dma_wait3A_144 = tpu.memref_squeeze %dma_wait3A_143 : memref<1x1000x16xf32, #tpu.memory_space<vmem>> -> memref<1000x16xf32, #tpu.memory_space<vmem>>
    tpu.wait_dma2 semaphore(%arg10 : memref<!tpu.dma_semaphore, #tpu.memory_space<semaphore_mem>>) src(%dma_wait3A_144 : memref<1000x16xf32, #tpu.memory_space<vmem>>) dst(%dma_wait3A_140 : memref<1000x16xf32, #tpu.memory_space<hbm>>)
    %add3A_145 = arith.constant 3000 : i32
    %add3A_146 = arith.addi %mul3A_2, %add3A_145 : i32
    %run_scoped3A_147 = arith.constant 0 : i32
    %run_scoped3A_148 = arith.constant 1 : i32
    "tpu.region"() ({
      %run_scoped3A_639 = tpu.sem_alloc : memref<!tpu.dma_semaphore, #tpu.memory_space<semaphore_mem>>
      %dma_start3A_640 = arith.constant 0 : i32
      %dma_start3A_641 = tpu.memref_slice %arg5[%run_scoped3A_148, %dma_start3A_640] : memref<2x2000xi32, #tpu.memory_space<vmem>> -> memref<1x1000xi32, #tpu.memory_space<vmem>>
      %dma_start3A_642 = tpu.memref_squeeze %dma_start3A_641 : memref<1x1000xi32, #tpu.memory_space<vmem>> -> memref<1000xi32, #tpu.memory_space<vmem>>
      %dma_start3A_643 = tpu.memref_slice %arg3[%run_scoped3A_147, %add3A_146] : memref<2x320000xi32, #tpu.memory_space<hbm>> -> memref<1x1000xi32, #tpu.memory_space<hbm>>
      %dma_start3A_644 = tpu.memref_squeeze %dma_start3A_643 : memref<1x1000xi32, #tpu.memory_space<hbm>> -> memref<1000xi32, #tpu.memory_space<hbm>>
      %dma_start3A_645 = arith.constant 0 : i32
      %dma_start3A_646 = tpu.memref_slice %arg5[%run_scoped3A_148, %dma_start3A_645] : memref<2x2000xi32, #tpu.memory_space<vmem>> -> memref<1x1000xi32, #tpu.memory_space<vmem>>
      %dma_start3A_647 = tpu.memref_squeeze %dma_start3A_646 : memref<1x1000xi32, #tpu.memory_space<vmem>> -> memref<1000xi32, #tpu.memory_space<vmem>>
      %dma_start3A_648 = tpu.memref_slice %arg3[%run_scoped3A_147, %add3A_146] : memref<2x320000xi32, #tpu.memory_space<hbm>> -> memref<1x1000xi32, #tpu.memory_space<hbm>>
      %dma_start3A_649 = tpu.memref_squeeze %dma_start3A_648 : memref<1x1000xi32, #tpu.memory_space<hbm>> -> memref<1000xi32, #tpu.memory_space<hbm>>
      tpu.enqueue_dma source(%dma_start3A_649 : memref<1000xi32, #tpu.memory_space<hbm>>) target(%dma_start3A_647 : memref<1000xi32, #tpu.memory_space<vmem>>) target_semaphore(%run_scoped3A_639 : memref<!tpu.dma_semaphore, #tpu.memory_space<semaphore_mem>>)
      %dma_wait3A_650 = arith.constant 0 : i32
      %dma_wait3A_651 = tpu.memref_slice %arg5[%run_scoped3A_148, %dma_wait3A_650] : memref<2x2000xi32, #tpu.memory_space<vmem>> -> memref<1x1000xi32, #tpu.memory_space<vmem>>
      %dma_wait3A_652 = tpu.memref_squeeze %dma_wait3A_651 : memref<1x1000xi32, #tpu.memory_space<vmem>> -> memref<1000xi32, #tpu.memory_space<vmem>>
      %dma_wait3A_653 = tpu.memref_slice %arg3[%run_scoped3A_147, %add3A_146] : memref<2x320000xi32, #tpu.memory_space<hbm>> -> memref<1x1000xi32, #tpu.memory_space<hbm>>
      %dma_wait3A_654 = tpu.memref_squeeze %dma_wait3A_653 : memref<1x1000xi32, #tpu.memory_space<hbm>> -> memref<1000xi32, #tpu.memory_space<hbm>>
      %dma_wait3A_655 = arith.constant 0 : i32
      %dma_wait3A_656 = tpu.memref_slice %arg5[%run_scoped3A_148, %dma_wait3A_655] : memref<2x2000xi32, #tpu.memory_space<vmem>> -> memref<1x1000xi32, #tpu.memory_space<vmem>>
      %dma_wait3A_657 = tpu.memref_squeeze %dma_wait3A_656 : memref<1x1000xi32, #tpu.memory_space<vmem>> -> memref<1000xi32, #tpu.memory_space<vmem>>
      %dma_wait3A_658 = tpu.memref_slice %arg3[%run_scoped3A_147, %add3A_146] : memref<2x320000xi32, #tpu.memory_space<hbm>> -> memref<1x1000xi32, #tpu.memory_space<hbm>>
      %dma_wait3A_659 = tpu.memref_squeeze %dma_wait3A_658 : memref<1x1000xi32, #tpu.memory_space<hbm>> -> memref<1000xi32, #tpu.memory_space<hbm>>
      tpu.wait_dma2 semaphore(%run_scoped3A_639 : memref<!tpu.dma_semaphore, #tpu.memory_space<semaphore_mem>>) src(%dma_wait3A_659 : memref<1000xi32, #tpu.memory_space<hbm>>) dst(%dma_wait3A_657 : memref<1000xi32, #tpu.memory_space<vmem>>)
      tpu.yield
    }) : () -> ()
    %run_scoped3A_149 = arith.constant 1 : i32
    %run_scoped3A_150 = arith.constant 1 : i32
    "tpu.region"() ({
      %run_scoped3A_639 = tpu.sem_alloc : memref<!tpu.dma_semaphore, #tpu.memory_space<semaphore_mem>>
      %dma_start3A_640 = arith.constant 1000 : i32
      %dma_start3A_641 = tpu.memref_slice %arg5[%run_scoped3A_150, %dma_start3A_640] : memref<2x2000xi32, #tpu.memory_space<vmem>> -> memref<1x1000xi32, #tpu.memory_space<vmem>>
      %dma_start3A_642 = tpu.memref_squeeze %dma_start3A_641 : memref<1x1000xi32, #tpu.memory_space<vmem>> -> memref<1000xi32, #tpu.memory_space<vmem>>
      %dma_start3A_643 = tpu.memref_slice %arg3[%run_scoped3A_149, %add3A_146] : memref<2x320000xi32, #tpu.memory_space<hbm>> -> memref<1x1000xi32, #tpu.memory_space<hbm>>
      %dma_start3A_644 = tpu.memref_squeeze %dma_start3A_643 : memref<1x1000xi32, #tpu.memory_space<hbm>> -> memref<1000xi32, #tpu.memory_space<hbm>>
      %dma_start3A_645 = arith.constant 1000 : i32
      %dma_start3A_646 = tpu.memref_slice %arg5[%run_scoped3A_150, %dma_start3A_645] : memref<2x2000xi32, #tpu.memory_space<vmem>> -> memref<1x1000xi32, #tpu.memory_space<vmem>>
      %dma_start3A_647 = tpu.memref_squeeze %dma_start3A_646 : memref<1x1000xi32, #tpu.memory_space<vmem>> -> memref<1000xi32, #tpu.memory_space<vmem>>
      %dma_start3A_648 = tpu.memref_slice %arg3[%run_scoped3A_149, %add3A_146] : memref<2x320000xi32, #tpu.memory_space<hbm>> -> memref<1x1000xi32, #tpu.memory_space<hbm>>
      %dma_start3A_649 = tpu.memref_squeeze %dma_start3A_648 : memref<1x1000xi32, #tpu.memory_space<hbm>> -> memref<1000xi32, #tpu.memory_space<hbm>>
      tpu.enqueue_dma source(%dma_start3A_649 : memref<1000xi32, #tpu.memory_space<hbm>>) target(%dma_start3A_647 : memref<1000xi32, #tpu.memory_space<vmem>>) target_semaphore(%run_scoped3A_639 : memref<!tpu.dma_semaphore, #tpu.memory_space<semaphore_mem>>)
      %dma_wait3A_650 = arith.constant 1000 : i32
      %dma_wait3A_651 = tpu.memref_slice %arg5[%run_scoped3A_150, %dma_wait3A_650] : memref<2x2000xi32, #tpu.memory_space<vmem>> -> memref<1x1000xi32, #tpu.memory_space<vmem>>
      %dma_wait3A_652 = tpu.memref_squeeze %dma_wait3A_651 : memref<1x1000xi32, #tpu.memory_space<vmem>> -> memref<1000xi32, #tpu.memory_space<vmem>>
      %dma_wait3A_653 = tpu.memref_slice %arg3[%run_scoped3A_149, %add3A_146] : memref<2x320000xi32, #tpu.memory_space<hbm>> -> memref<1x1000xi32, #tpu.memory_space<hbm>>
      %dma_wait3A_654 = tpu.memref_squeeze %dma_wait3A_653 : memref<1x1000xi32, #tpu.memory_space<hbm>> -> memref<1000xi32, #tpu.memory_space<hbm>>
      %dma_wait3A_655 = arith.constant 1000 : i32
      %dma_wait3A_656 = tpu.memref_slice %arg5[%run_scoped3A_150, %dma_wait3A_655] : memref<2x2000xi32, #tpu.memory_space<vmem>> -> memref<1x1000xi32, #tpu.memory_space<vmem>>
      %dma_wait3A_657 = tpu.memref_squeeze %dma_wait3A_656 : memref<1x1000xi32, #tpu.memory_space<vmem>> -> memref<1000xi32, #tpu.memory_space<vmem>>
      %dma_wait3A_658 = tpu.memref_slice %arg3[%run_scoped3A_149, %add3A_146] : memref<2x320000xi32, #tpu.memory_space<hbm>> -> memref<1x1000xi32, #tpu.memory_space<hbm>>
      %dma_wait3A_659 = tpu.memref_squeeze %dma_wait3A_658 : memref<1x1000xi32, #tpu.memory_space<hbm>> -> memref<1000xi32, #tpu.memory_space<hbm>>
      tpu.wait_dma2 semaphore(%run_scoped3A_639 : memref<!tpu.dma_semaphore, #tpu.memory_space<semaphore_mem>>) src(%dma_wait3A_659 : memref<1000xi32, #tpu.memory_space<hbm>>) dst(%dma_wait3A_657 : memref<1000xi32, #tpu.memory_space<vmem>>)
      tpu.yield
    }) : () -> ()
    %dma_start3A_151 = arith.constant 1 : i32
    %dma_start3A_152 = arith.constant 1 : i32
    %dma_start3A_153 = arith.constant 0 : i32
    %dma_start3A_154 = arith.constant 0 : i32
    %dma_start3A_155 = tpu.memref_slice %arg6[%dma_start3A_152, %dma_start3A_153, %dma_start3A_154] : memref<2x2000x16xf32, #tpu.memory_space<vmem>> -> memref<1x2000x16xf32, #tpu.memory_space<vmem>>
    %dma_start3A_156 = tpu.memref_squeeze %dma_start3A_155 : memref<1x2000x16xf32, #tpu.memory_space<vmem>> -> memref<2000x16xf32, #tpu.memory_space<vmem>>
    %dma_start3A_157 = arith.constant 0 : i32
    %dma_start3A_158 = tpu.memref_slice %arg5[%dma_start3A_151, %dma_start3A_157] : memref<2x2000xi32, #tpu.memory_space<vmem>> -> memref<1x2000xi32, #tpu.memory_space<vmem>>
    %dma_start3A_159 = tpu.memref_squeeze %dma_start3A_158 : memref<1x2000xi32, #tpu.memory_space<vmem>> -> memref<2000xi32, #tpu.memory_space<vmem>>
    %dma_start3A_160 = arith.constant 0 : i32
    %dma_start3A_161 = arith.constant 0 : i32
    %dma_start3A_162 = tpu.memref_slice %arg2[%dma_start3A_160, %dma_start3A_161] : memref<10000x16xf32, #tpu.memory_space<hbm>> -> memref<10000x16xf32, #tpu.memory_space<hbm>>
    tpu.enqueue_indirect_dma source(%dma_start3A_162 : memref<10000x16xf32, #tpu.memory_space<hbm>>) target(%dma_start3A_156 : memref<2000x16xf32, #tpu.memory_space<vmem>>) offsets(%dma_start3A_159 : memref<2000xi32, #tpu.memory_space<vmem>>) semaphore(%arg8 : memref<!tpu.dma_semaphore, #tpu.memory_space<semaphore_mem>>)
    %dma_wait3A_163 = arith.constant 0 : i32
    %dma_wait3A_164 = arith.constant 0 : i32
    %dma_wait3A_165 = arith.constant 0 : i32
    %dma_wait3A_166 = arith.constant 0 : i32
    %dma_wait3A_167 = tpu.memref_slice %arg6[%dma_wait3A_164, %dma_wait3A_165, %dma_wait3A_166] : memref<2x2000x16xf32, #tpu.memory_space<vmem>> -> memref<1x2000x16xf32, #tpu.memory_space<vmem>>
    %dma_wait3A_168 = tpu.memref_squeeze %dma_wait3A_167 : memref<1x2000x16xf32, #tpu.memory_space<vmem>> -> memref<2000x16xf32, #tpu.memory_space<vmem>>
    %dma_wait3A_169 = arith.constant 0 : i32
    %dma_wait3A_170 = tpu.memref_slice %arg5[%dma_wait3A_163, %dma_wait3A_169] : memref<2x2000xi32, #tpu.memory_space<vmem>> -> memref<1x2000xi32, #tpu.memory_space<vmem>>
    %dma_wait3A_171 = tpu.memref_squeeze %dma_wait3A_170 : memref<1x2000xi32, #tpu.memory_space<vmem>> -> memref<2000xi32, #tpu.memory_space<vmem>>
    %dma_wait3A_172 = arith.constant 0 : i32
    %dma_wait3A_173 = arith.constant 0 : i32
    %dma_wait3A_174 = tpu.memref_slice %arg2[%dma_wait3A_172, %dma_wait3A_173] : memref<10000x16xf32, #tpu.memory_space<hbm>> -> memref<10000x16xf32, #tpu.memory_space<hbm>>
    tpu.wait_indirect_dma semaphore(%arg7 : memref<!tpu.dma_semaphore, #tpu.memory_space<semaphore_mem>>) src(%dma_wait3A_174 : memref<10000x16xf32, #tpu.memory_space<hbm>>) dst(%dma_wait3A_168 : memref<2000x16xf32, #tpu.memory_space<vmem>>)
    %scan3A_175 = arith.constant 0 : i32
    %scan3A_176 = arith.constant 0 : i32
    %scan3A_177 = arith.constant 1000 : i32
    %scan3A_178 = arith.addi %scan3A_176, %scan3A_177 : i32
    %scan3A_179 = arith.constant 1 : i32
    scf.for %scan3A_639 = %scan3A_176 to %scan3A_178 step %scan3A_179  : i32 {
      %get3A = arith.constant 0 : i32
      %get3A_640 = arith.index_cast %get3A : i32 to index
      %get3A_641 = arith.index_cast %scan3A_639 : i32 to index
      %get3A_642 = arith.constant 0 : index
      %get3A_643 = tpu.vector_load %arg6[%get3A_640, %get3A_641, %get3A_642] {strides = array<i32>} : memref<2x2000x16xf32, #tpu.memory_space<vmem>>, vector<1x1x16xf32>,
      %get3A_644 = vector.shape_cast %get3A_643 : vector<1x1x16xf32> to vector<16xf32>
      %add3A_645 = arith.constant 1000 : i32
      %add3A_646 = arith.addi %add3A_645, %scan3A_639 : i32
      %get3A_647 = arith.constant 0 : i32
      %get3A_648 = arith.index_cast %get3A_647 : i32 to index
      %get3A_649 = arith.index_cast %add3A_646 : i32 to index
      %get3A_650 = arith.constant 0 : index
      %get3A_651 = tpu.vector_load %arg6[%get3A_648, %get3A_649, %get3A_650] {strides = array<i32>} : memref<2x2000x16xf32, #tpu.memory_space<vmem>>, vector<1x1x16xf32>,
      %get3A_652 = vector.shape_cast %get3A_651 : vector<1x1x16xf32> to vector<16xf32>
      %add3A_653 = arith.addf %get3A_644, %get3A_652 : vector<16xf32>
      %swap3A = arith.constant 0 : i32
      %swap3A_654 = arith.index_cast %swap3A : i32 to index
      %swap3A_655 = arith.index_cast %scan3A_639 : i32 to index
      %swap3A_656 = arith.constant 0 : index
      %swap3A_657 = tpu.vector_load %arg6[%swap3A_654, %swap3A_655, %swap3A_656] {strides = array<i32>} : memref<2x2000x16xf32, #tpu.memory_space<vmem>>, vector<1x1x16xf32>,
      %swap3A_658 = vector.shape_cast %swap3A_657 : vector<1x1x16xf32> to vector<16xf32>
      %swap3A_659 = vector.shape_cast %add3A_653 : vector<16xf32> to vector<1x1x16xf32>
      tpu.vector_store %arg6[%swap3A_654, %swap3A_655, %swap3A_656], %swap3A_659 {strides = array<i32>} : memref<2x2000x16xf32, #tpu.memory_space<vmem>>, vector<1x1x16xf32>,
    }
    %scan3A_180 = arith.constant 1000 : i32
    %add3A_181 = arith.constant 2000 : i32
    %add3A_182 = arith.addi %mul3A_2, %add3A_181 : i32
    %dma_start3A_183 = arith.constant 0 : i32
    %dma_start3A_184 = arith.constant 0 : i32
    %dma_start3A_185 = arith.constant 0 : i32
    %dma_start3A_186 = tpu.memref_slice %arg6[%dma_start3A_183, %dma_start3A_184, %dma_start3A_185] : memref<2x2000x16xf32, #tpu.memory_space<vmem>> -> memref<1x1000x16xf32, #tpu.memory_space<vmem>>
    %dma_start3A_187 = tpu.memref_squeeze %dma_start3A_186 : memref<1x1000x16xf32, #tpu.memory_space<vmem>> -> memref<1000x16xf32, #tpu.memory_space<vmem>>
    %dma_start3A_188 = arith.constant 0 : i32
    %dma_start3A_189 = tpu.memref_slice %arg4[%add3A_182, %dma_start3A_188] : memref<320000x16xf32, #tpu.memory_space<hbm>> -> memref<1000x16xf32, #tpu.memory_space<hbm>>
    %dma_start3A_190 = arith.constant 0 : i32
    %dma_start3A_191 = tpu.memref_slice %arg4[%add3A_182, %dma_start3A_190] : memref<320000x16xf32, #tpu.memory_space<hbm>> -> memref<1000x16xf32, #tpu.memory_space<hbm>>
    %dma_start3A_192 = arith.constant 0 : i32
    %dma_start3A_193 = arith.constant 0 : i32
    %dma_start3A_194 = tpu.memref_slice %arg6[%dma_start3A_183, %dma_start3A_192, %dma_start3A_193] : memref<2x2000x16xf32, #tpu.memory_space<vmem>> -> memref<1x1000x16xf32, #tpu.memory_space<vmem>>
    %dma_start3A_195 = tpu.memref_squeeze %dma_start3A_194 : memref<1x1000x16xf32, #tpu.memory_space<vmem>> -> memref<1000x16xf32, #tpu.memory_space<vmem>>
    tpu.enqueue_dma source(%dma_start3A_195 : memref<1000x16xf32, #tpu.memory_space<vmem>>) target(%dma_start3A_191 : memref<1000x16xf32, #tpu.memory_space<hbm>>) target_semaphore(%arg9 : memref<!tpu.dma_semaphore, #tpu.memory_space<semaphore_mem>>)
    %dma_wait3A_196 = arith.constant 0 : i32
    %dma_wait3A_197 = arith.constant 0 : i32
    %dma_wait3A_198 = arith.constant 0 : i32
    %dma_wait3A_199 = tpu.memref_slice %arg6[%dma_wait3A_196, %dma_wait3A_197, %dma_wait3A_198] : memref<2x2000x16xf32, #tpu.memory_space<vmem>> -> memref<1x1000x16xf32, #tpu.memory_space<vmem>>
    %dma_wait3A_200 = tpu.memref_squeeze %dma_wait3A_199 : memref<1x1000x16xf32, #tpu.memory_space<vmem>> -> memref<1000x16xf32, #tpu.memory_space<vmem>>
    %dma_wait3A_201 = arith.constant 0 : i32
    %dma_wait3A_202 = tpu.memref_slice %arg4[%add3A_182, %dma_wait3A_201] : memref<320000x16xf32, #tpu.memory_space<hbm>> -> memref<1000x16xf32, #tpu.memory_space<hbm>>
    %dma_wait3A_203 = arith.constant 0 : i32
    %dma_wait3A_204 = tpu.memref_slice %arg4[%add3A_182, %dma_wait3A_203] : memref<320000x16xf32, #tpu.memory_space<hbm>> -> memref<1000x16xf32, #tpu.memory_space<hbm>>
    %dma_wait3A_205 = arith.constant 0 : i32
    %dma_wait3A_206 = arith.constant 0 : i32
    %dma_wait3A_207 = tpu.memref_slice %arg6[%dma_wait3A_196, %dma_wait3A_205, %dma_wait3A_206] : memref<2x2000x16xf32, #tpu.memory_space<vmem>> -> memref<1x1000x16xf32, #tpu.memory_space<vmem>>
    %dma_wait3A_208 = tpu.memref_squeeze %dma_wait3A_207 : memref<1x1000x16xf32, #tpu.memory_space<vmem>> -> memref<1000x16xf32, #tpu.memory_space<vmem>>
    tpu.wait_dma2 semaphore(%arg9 : memref<!tpu.dma_semaphore, #tpu.memory_space<semaphore_mem>>) src(%dma_wait3A_208 : memref<1000x16xf32, #tpu.memory_space<vmem>>) dst(%dma_wait3A_204 : memref<1000x16xf32, #tpu.memory_space<hbm>>)
    %add3A_209 = arith.constant 4000 : i32
    %add3A_210 = arith.addi %mul3A_2, %add3A_209 : i32
    %run_scoped3A_211 = arith.constant 0 : i32
    %run_scoped3A_212 = arith.constant 0 : i32
    "tpu.region"() ({
      %run_scoped3A_639 = tpu.sem_alloc : memref<!tpu.dma_semaphore, #tpu.memory_space<semaphore_mem>>
      %dma_start3A_640 = arith.constant 0 : i32
      %dma_start3A_641 = tpu.memref_slice %arg5[%run_scoped3A_212, %dma_start3A_640] : memref<2x2000xi32, #tpu.memory_space<vmem>> -> memref<1x1000xi32, #tpu.memory_space<vmem>>
      %dma_start3A_642 = tpu.memref_squeeze %dma_start3A_641 : memref<1x1000xi32, #tpu.memory_space<vmem>> -> memref<1000xi32, #tpu.memory_space<vmem>>
      %dma_start3A_643 = tpu.memref_slice %arg3[%run_scoped3A_211, %add3A_210] : memref<2x320000xi32, #tpu.memory_space<hbm>> -> memref<1x1000xi32, #tpu.memory_space<hbm>>
      %dma_start3A_644 = tpu.memref_squeeze %dma_start3A_643 : memref<1x1000xi32, #tpu.memory_space<hbm>> -> memref<1000xi32, #tpu.memory_space<hbm>>
      %dma_start3A_645 = arith.constant 0 : i32
      %dma_start3A_646 = tpu.memref_slice %arg5[%run_scoped3A_212, %dma_start3A_645] : memref<2x2000xi32, #tpu.memory_space<vmem>> -> memref<1x1000xi32, #tpu.memory_space<vmem>>
      %dma_start3A_647 = tpu.memref_squeeze %dma_start3A_646 : memref<1x1000xi32, #tpu.memory_space<vmem>> -> memref<1000xi32, #tpu.memory_space<vmem>>
      %dma_start3A_648 = tpu.memref_slice %arg3[%run_scoped3A_211, %add3A_210] : memref<2x320000xi32, #tpu.memory_space<hbm>> -> memref<1x1000xi32, #tpu.memory_space<hbm>>
      %dma_start3A_649 = tpu.memref_squeeze %dma_start3A_648 : memref<1x1000xi32, #tpu.memory_space<hbm>> -> memref<1000xi32, #tpu.memory_space<hbm>>
      tpu.enqueue_dma source(%dma_start3A_649 : memref<1000xi32, #tpu.memory_space<hbm>>) target(%dma_start3A_647 : memref<1000xi32, #tpu.memory_space<vmem>>) target_semaphore(%run_scoped3A_639 : memref<!tpu.dma_semaphore, #tpu.memory_space<semaphore_mem>>)
      %dma_wait3A_650 = arith.constant 0 : i32
      %dma_wait3A_651 = tpu.memref_slice %arg5[%run_scoped3A_212, %dma_wait3A_650] : memref<2x2000xi32, #tpu.memory_space<vmem>> -> memref<1x1000xi32, #tpu.memory_space<vmem>>
      %dma_wait3A_652 = tpu.memref_squeeze %dma_wait3A_651 : memref<1x1000xi32, #tpu.memory_space<vmem>> -> memref<1000xi32, #tpu.memory_space<vmem>>
      %dma_wait3A_653 = tpu.memref_slice %arg3[%run_scoped3A_211, %add3A_210] : memref<2x320000xi32, #tpu.memory_space<hbm>> -> memref<1x1000xi32, #tpu.memory_space<hbm>>
      %dma_wait3A_654 = tpu.memref_squeeze %dma_wait3A_653 : memref<1x1000xi32, #tpu.memory_space<hbm>> -> memref<1000xi32, #tpu.memory_space<hbm>>
      %dma_wait3A_655 = arith.constant 0 : i32
      %dma_wait3A_656 = tpu.memref_slice %arg5[%run_scoped3A_212, %dma_wait3A_655] : memref<2x2000xi32, #tpu.memory_space<vmem>> -> memref<1x1000xi32, #tpu.memory_space<vmem>>
      %dma_wait3A_657 = tpu.memref_squeeze %dma_wait3A_656 : memref<1x1000xi32, #tpu.memory_space<vmem>> -> memref<1000xi32, #tpu.memory_space<vmem>>
      %dma_wait3A_658 = tpu.memref_slice %arg3[%run_scoped3A_211, %add3A_210] : memref<2x320000xi32, #tpu.memory_space<hbm>> -> memref<1x1000xi32, #tpu.memory_space<hbm>>
      %dma_wait3A_659 = tpu.memref_squeeze %dma_wait3A_658 : memref<1x1000xi32, #tpu.memory_space<hbm>> -> memref<1000xi32, #tpu.memory_space<hbm>>
      tpu.wait_dma2 semaphore(%run_scoped3A_639 : memref<!tpu.dma_semaphore, #tpu.memory_space<semaphore_mem>>) src(%dma_wait3A_659 : memref<1000xi32, #tpu.memory_space<hbm>>) dst(%dma_wait3A_657 : memref<1000xi32, #tpu.memory_space<vmem>>)
      tpu.yield
    }) : () -> ()
    %run_scoped3A_213 = arith.constant 1 : i32
    %run_scoped3A_214 = arith.constant 0 : i32
    "tpu.region"() ({
      %run_scoped3A_639 = tpu.sem_alloc : memref<!tpu.dma_semaphore, #tpu.memory_space<semaphore_mem>>
      %dma_start3A_640 = arith.constant 1000 : i32
      %dma_start3A_641 = tpu.memref_slice %arg5[%run_scoped3A_214, %dma_start3A_640] : memref<2x2000xi32, #tpu.memory_space<vmem>> -> memref<1x1000xi32, #tpu.memory_space<vmem>>
      %dma_start3A_642 = tpu.memref_squeeze %dma_start3A_641 : memref<1x1000xi32, #tpu.memory_space<vmem>> -> memref<1000xi32, #tpu.memory_space<vmem>>
      %dma_start3A_643 = tpu.memref_slice %arg3[%run_scoped3A_213, %add3A_210] : memref<2x320000xi32, #tpu.memory_space<hbm>> -> memref<1x1000xi32, #tpu.memory_space<hbm>>
      %dma_start3A_644 = tpu.memref_squeeze %dma_start3A_643 : memref<1x1000xi32, #tpu.memory_space<hbm>> -> memref<1000xi32, #tpu.memory_space<hbm>>
      %dma_start3A_645 = arith.constant 1000 : i32
      %dma_start3A_646 = tpu.memref_slice %arg5[%run_scoped3A_214, %dma_start3A_645] : memref<2x2000xi32, #tpu.memory_space<vmem>> -> memref<1x1000xi32, #tpu.memory_space<vmem>>
      %dma_start3A_647 = tpu.memref_squeeze %dma_start3A_646 : memref<1x1000xi32, #tpu.memory_space<vmem>> -> memref<1000xi32, #tpu.memory_space<vmem>>
      %dma_start3A_648 = tpu.memref_slice %arg3[%run_scoped3A_213, %add3A_210] : memref<2x320000xi32, #tpu.memory_space<hbm>> -> memref<1x1000xi32, #tpu.memory_space<hbm>>
      %dma_start3A_649 = tpu.memref_squeeze %dma_start3A_648 : memref<1x1000xi32, #tpu.memory_space<hbm>> -> memref<1000xi32, #tpu.memory_space<hbm>>
      tpu.enqueue_dma source(%dma_start3A_649 : memref<1000xi32, #tpu.memory_space<hbm>>) target(%dma_start3A_647 : memref<1000xi32, #tpu.memory_space<vmem>>) target_semaphore(%run_scoped3A_639 : memref<!tpu.dma_semaphore, #tpu.memory_space<semaphore_mem>>)
      %dma_wait3A_650 = arith.constant 1000 : i32
      %dma_wait3A_651 = tpu.memref_slice %arg5[%run_scoped3A_214, %dma_wait3A_650] : memref<2x2000xi32, #tpu.memory_space<vmem>> -> memref<1x1000xi32, #tpu.memory_space<vmem>>
      %dma_wait3A_652 = tpu.memref_squeeze %dma_wait3A_651 : memref<1x1000xi32, #tpu.memory_space<vmem>> -> memref<1000xi32, #tpu.memory_space<vmem>>
      %dma_wait3A_653 = tpu.memref_slice %arg3[%run_scoped3A_213, %add3A_210] : memref<2x320000xi32, #tpu.memory_space<hbm>> -> memref<1x1000xi32, #tpu.memory_space<hbm>>
      %dma_wait3A_654 = tpu.memref_squeeze %dma_wait3A_653 : memref<1x1000xi32, #tpu.memory_space<hbm>> -> memref<1000xi32, #tpu.memory_space<hbm>>
      %dma_wait3A_655 = arith.constant 1000 : i32
      %dma_wait3A_656 = tpu.memref_slice %arg5[%run_scoped3A_214, %dma_wait3A_655] : memref<2x2000xi32, #tpu.memory_space<vmem>> -> memref<1x1000xi32, #tpu.memory_space<vmem>>
      %dma_wait3A_657 = tpu.memref_squeeze %dma_wait3A_656 : memref<1x1000xi32, #tpu.memory_space<vmem>> -> memref<1000xi32, #tpu.memory_space<vmem>>
      %dma_wait3A_658 = tpu.memref_slice %arg3[%run_scoped3A_213, %add3A_210] : memref<2x320000xi32, #tpu.memory_space<hbm>> -> memref<1x1000xi32, #tpu.memory_space<hbm>>
      %dma_wait3A_659 = tpu.memref_squeeze %dma_wait3A_658 : memref<1x1000xi32, #tpu.memory_space<hbm>> -> memref<1000xi32, #tpu.memory_space<hbm>>
      tpu.wait_dma2 semaphore(%run_scoped3A_639 : memref<!tpu.dma_semaphore, #tpu.memory_space<semaphore_mem>>) src(%dma_wait3A_659 : memref<1000xi32, #tpu.memory_space<hbm>>) dst(%dma_wait3A_657 : memref<1000xi32, #tpu.memory_space<vmem>>)
      tpu.yield
    }) : () -> ()
    %dma_start3A_215 = arith.constant 0 : i32
    %dma_start3A_216 = arith.constant 0 : i32
    %dma_start3A_217 = arith.constant 0 : i32
    %dma_start3A_218 = arith.constant 0 : i32
    %dma_start3A_219 = tpu.memref_slice %arg6[%dma_start3A_216, %dma_start3A_217, %dma_start3A_218] : memref<2x2000x16xf32, #tpu.memory_space<vmem>> -> memref<1x2000x16xf32, #tpu.memory_space<vmem>>
    %dma_start3A_220 = tpu.memref_squeeze %dma_start3A_219 : memref<1x2000x16xf32, #tpu.memory_space<vmem>> -> memref<2000x16xf32, #tpu.memory_space<vmem>>
    %dma_start3A_221 = arith.constant 0 : i32
    %dma_start3A_222 = tpu.memref_slice %arg5[%dma_start3A_215, %dma_start3A_221] : memref<2x2000xi32, #tpu.memory_space<vmem>> -> memref<1x2000xi32, #tpu.memory_space<vmem>>
    %dma_start3A_223 = tpu.memref_squeeze %dma_start3A_222 : memref<1x2000xi32, #tpu.memory_space<vmem>> -> memref<2000xi32, #tpu.memory_space<vmem>>
    %dma_start3A_224 = arith.constant 0 : i32
    %dma_start3A_225 = arith.constant 0 : i32
    %dma_start3A_226 = tpu.memref_slice %arg2[%dma_start3A_224, %dma_start3A_225] : memref<10000x16xf32, #tpu.memory_space<hbm>> -> memref<10000x16xf32, #tpu.memory_space<hbm>>
    tpu.enqueue_indirect_dma source(%dma_start3A_226 : memref<10000x16xf32, #tpu.memory_space<hbm>>) target(%dma_start3A_220 : memref<2000x16xf32, #tpu.memory_space<vmem>>) offsets(%dma_start3A_223 : memref<2000xi32, #tpu.memory_space<vmem>>) semaphore(%arg7 : memref<!tpu.dma_semaphore, #tpu.memory_space<semaphore_mem>>)
    %dma_wait3A_227 = arith.constant 1 : i32
    %dma_wait3A_228 = arith.constant 1 : i32
    %dma_wait3A_229 = arith.constant 0 : i32
    %dma_wait3A_230 = arith.constant 0 : i32
    %dma_wait3A_231 = tpu.memref_slice %arg6[%dma_wait3A_228, %dma_wait3A_229, %dma_wait3A_230] : memref<2x2000x16xf32, #tpu.memory_space<vmem>> -> memref<1x2000x16xf32, #tpu.memory_space<vmem>>
    %dma_wait3A_232 = tpu.memref_squeeze %dma_wait3A_231 : memref<1x2000x16xf32, #tpu.memory_space<vmem>> -> memref<2000x16xf32, #tpu.memory_space<vmem>>
    %dma_wait3A_233 = arith.constant 0 : i32
    %dma_wait3A_234 = tpu.memref_slice %arg5[%dma_wait3A_227, %dma_wait3A_233] : memref<2x2000xi32, #tpu.memory_space<vmem>> -> memref<1x2000xi32, #tpu.memory_space<vmem>>
    %dma_wait3A_235 = tpu.memref_squeeze %dma_wait3A_234 : memref<1x2000xi32, #tpu.memory_space<vmem>> -> memref<2000xi32, #tpu.memory_space<vmem>>
    %dma_wait3A_236 = arith.constant 0 : i32
    %dma_wait3A_237 = arith.constant 0 : i32
    %dma_wait3A_238 = tpu.memref_slice %arg2[%dma_wait3A_236, %dma_wait3A_237] : memref<10000x16xf32, #tpu.memory_space<hbm>> -> memref<10000x16xf32, #tpu.memory_space<hbm>>
    tpu.wait_indirect_dma semaphore(%arg8 : memref<!tpu.dma_semaphore, #tpu.memory_space<semaphore_mem>>) src(%dma_wait3A_238 : memref<10000x16xf32, #tpu.memory_space<hbm>>) dst(%dma_wait3A_232 : memref<2000x16xf32, #tpu.memory_space<vmem>>)
    %scan3A_239 = arith.constant 0 : i32
    %scan3A_240 = arith.constant 0 : i32
    %scan3A_241 = arith.constant 1000 : i32
    %scan3A_242 = arith.addi %scan3A_240, %scan3A_241 : i32
    %scan3A_243 = arith.constant 1 : i32
    scf.for %scan3A_639 = %scan3A_240 to %scan3A_242 step %scan3A_243  : i32 {
      %get3A = arith.constant 1 : i32
      %get3A_640 = arith.index_cast %get3A : i32 to index
      %get3A_641 = arith.index_cast %scan3A_639 : i32 to index
      %get3A_642 = arith.constant 0 : index
      %get3A_643 = tpu.vector_load %arg6[%get3A_640, %get3A_641, %get3A_642] {strides = array<i32>} : memref<2x2000x16xf32, #tpu.memory_space<vmem>>, vector<1x1x16xf32>,
      %get3A_644 = vector.shape_cast %get3A_643 : vector<1x1x16xf32> to vector<16xf32>
      %add3A_645 = arith.constant 1000 : i32
      %add3A_646 = arith.addi %add3A_645, %scan3A_639 : i32
      %get3A_647 = arith.constant 1 : i32
      %get3A_648 = arith.index_cast %get3A_647 : i32 to index
      %get3A_649 = arith.index_cast %add3A_646 : i32 to index
      %get3A_650 = arith.constant 0 : index
      %get3A_651 = tpu.vector_load %arg6[%get3A_648, %get3A_649, %get3A_650] {strides = array<i32>} : memref<2x2000x16xf32, #tpu.memory_space<vmem>>, vector<1x1x16xf32>,
      %get3A_652 = vector.shape_cast %get3A_651 : vector<1x1x16xf32> to vector<16xf32>
      %add3A_653 = arith.addf %get3A_644, %get3A_652 : vector<16xf32>
      %swap3A = arith.constant 1 : i32
      %swap3A_654 = arith.index_cast %swap3A : i32 to index
      %swap3A_655 = arith.index_cast %scan3A_639 : i32 to index
      %swap3A_656 = arith.constant 0 : index
      %swap3A_657 = tpu.vector_load %arg6[%swap3A_654, %swap3A_655, %swap3A_656] {strides = array<i32>} : memref<2x2000x16xf32, #tpu.memory_space<vmem>>, vector<1x1x16xf32>,
      %swap3A_658 = vector.shape_cast %swap3A_657 : vector<1x1x16xf32> to vector<16xf32>
      %swap3A_659 = vector.shape_cast %add3A_653 : vector<16xf32> to vector<1x1x16xf32>
      tpu.vector_store %arg6[%swap3A_654, %swap3A_655, %swap3A_656], %swap3A_659 {strides = array<i32>} : memref<2x2000x16xf32, #tpu.memory_space<vmem>>, vector<1x1x16xf32>,
    }
    %scan3A_244 = arith.constant 1000 : i32
    %add3A_245 = arith.constant 3000 : i32
    %add3A_246 = arith.addi %mul3A_2, %add3A_245 : i32
    %dma_start3A_247 = arith.constant 1 : i32
    %dma_start3A_248 = arith.constant 0 : i32
    %dma_start3A_249 = arith.constant 0 : i32
    %dma_start3A_250 = tpu.memref_slice %arg6[%dma_start3A_247, %dma_start3A_248, %dma_start3A_249] : memref<2x2000x16xf32, #tpu.memory_space<vmem>> -> memref<1x1000x16xf32, #tpu.memory_space<vmem>>
    %dma_start3A_251 = tpu.memref_squeeze %dma_start3A_250 : memref<1x1000x16xf32, #tpu.memory_space<vmem>> -> memref<1000x16xf32, #tpu.memory_space<vmem>>
    %dma_start3A_252 = arith.constant 0 : i32
    %dma_start3A_253 = tpu.memref_slice %arg4[%add3A_246, %dma_start3A_252] : memref<320000x16xf32, #tpu.memory_space<hbm>> -> memref<1000x16xf32, #tpu.memory_space<hbm>>
    %dma_start3A_254 = arith.constant 0 : i32
    %dma_start3A_255 = tpu.memref_slice %arg4[%add3A_246, %dma_start3A_254] : memref<320000x16xf32, #tpu.memory_space<hbm>> -> memref<1000x16xf32, #tpu.memory_space<hbm>>
    %dma_start3A_256 = arith.constant 0 : i32
    %dma_start3A_257 = arith.constant 0 : i32
    %dma_start3A_258 = tpu.memref_slice %arg6[%dma_start3A_247, %dma_start3A_256, %dma_start3A_257] : memref<2x2000x16xf32, #tpu.memory_space<vmem>> -> memref<1x1000x16xf32, #tpu.memory_space<vmem>>
    %dma_start3A_259 = tpu.memref_squeeze %dma_start3A_258 : memref<1x1000x16xf32, #tpu.memory_space<vmem>> -> memref<1000x16xf32, #tpu.memory_space<vmem>>
    tpu.enqueue_dma source(%dma_start3A_259 : memref<1000x16xf32, #tpu.memory_space<vmem>>) target(%dma_start3A_255 : memref<1000x16xf32, #tpu.memory_space<hbm>>) target_semaphore(%arg10 : memref<!tpu.dma_semaphore, #tpu.memory_space<semaphore_mem>>)
    %dma_wait3A_260 = arith.constant 1 : i32
    %dma_wait3A_261 = arith.constant 0 : i32
    %dma_wait3A_262 = arith.constant 0 : i32
    %dma_wait3A_263 = tpu.memref_slice %arg6[%dma_wait3A_260, %dma_wait3A_261, %dma_wait3A_262] : memref<2x2000x16xf32, #tpu.memory_space<vmem>> -> memref<1x1000x16xf32, #tpu.memory_space<vmem>>
    %dma_wait3A_264 = tpu.memref_squeeze %dma_wait3A_263 : memref<1x1000x16xf32, #tpu.memory_space<vmem>> -> memref<1000x16xf32, #tpu.memory_space<vmem>>
    %dma_wait3A_265 = arith.constant 0 : i32
    %dma_wait3A_266 = tpu.memref_slice %arg4[%add3A_246, %dma_wait3A_265] : memref<320000x16xf32, #tpu.memory_space<hbm>> -> memref<1000x16xf32, #tpu.memory_space<hbm>>
    %dma_wait3A_267 = arith.constant 0 : i32
    %dma_wait3A_268 = tpu.memref_slice %arg4[%add3A_246, %dma_wait3A_267] : memref<320000x16xf32, #tpu.memory_space<hbm>> -> memref<1000x16xf32, #tpu.memory_space<hbm>>
    %dma_wait3A_269 = arith.constant 0 : i32
    %dma_wait3A_270 = arith.constant 0 : i32
    %dma_wait3A_271 = tpu.memref_slice %arg6[%dma_wait3A_260, %dma_wait3A_269, %dma_wait3A_270] : memref<2x2000x16xf32, #tpu.memory_space<vmem>> -> memref<1x1000x16xf32, #tpu.memory_space<vmem>>
    %dma_wait3A_272 = tpu.memref_squeeze %dma_wait3A_271 : memref<1x1000x16xf32, #tpu.memory_space<vmem>> -> memref<1000x16xf32, #tpu.memory_space<vmem>>
    tpu.wait_dma2 semaphore(%arg10 : memref<!tpu.dma_semaphore, #tpu.memory_space<semaphore_mem>>) src(%dma_wait3A_272 : memref<1000x16xf32, #tpu.memory_space<vmem>>) dst(%dma_wait3A_268 : memref<1000x16xf32, #tpu.memory_space<hbm>>)
    %add3A_273 = arith.constant 5000 : i32
    %add3A_274 = arith.addi %mul3A_2, %add3A_273 : i32
    %run_scoped3A_275 = arith.constant 0 : i32
    %run_scoped3A_276 = arith.constant 1 : i32
    "tpu.region"() ({
      %run_scoped3A_639 = tpu.sem_alloc : memref<!tpu.dma_semaphore, #tpu.memory_space<semaphore_mem>>
      %dma_start3A_640 = arith.constant 0 : i32
      %dma_start3A_641 = tpu.memref_slice %arg5[%run_scoped3A_276, %dma_start3A_640] : memref<2x2000xi32, #tpu.memory_space<vmem>> -> memref<1x1000xi32, #tpu.memory_space<vmem>>
      %dma_start3A_642 = tpu.memref_squeeze %dma_start3A_641 : memref<1x1000xi32, #tpu.memory_space<vmem>> -> memref<1000xi32, #tpu.memory_space<vmem>>
      %dma_start3A_643 = tpu.memref_slice %arg3[%run_scoped3A_275, %add3A_274] : memref<2x320000xi32, #tpu.memory_space<hbm>> -> memref<1x1000xi32, #tpu.memory_space<hbm>>
      %dma_start3A_644 = tpu.memref_squeeze %dma_start3A_643 : memref<1x1000xi32, #tpu.memory_space<hbm>> -> memref<1000xi32, #tpu.memory_space<hbm>>
      %dma_start3A_645 = arith.constant 0 : i32
      %dma_start3A_646 = tpu.memref_slice %arg5[%run_scoped3A_276, %dma_start3A_645] : memref<2x2000xi32, #tpu.memory_space<vmem>> -> memref<1x1000xi32, #tpu.memory_space<vmem>>
      %dma_start3A_647 = tpu.memref_squeeze %dma_start3A_646 : memref<1x1000xi32, #tpu.memory_space<vmem>> -> memref<1000xi32, #tpu.memory_space<vmem>>
      %dma_start3A_648 = tpu.memref_slice %arg3[%run_scoped3A_275, %add3A_274] : memref<2x320000xi32, #tpu.memory_space<hbm>> -> memref<1x1000xi32, #tpu.memory_space<hbm>>
      %dma_start3A_649 = tpu.memref_squeeze %dma_start3A_648 : memref<1x1000xi32, #tpu.memory_space<hbm>> -> memref<1000xi32, #tpu.memory_space<hbm>>
      tpu.enqueue_dma source(%dma_start3A_649 : memref<1000xi32, #tpu.memory_space<hbm>>) target(%dma_start3A_647 : memref<1000xi32, #tpu.memory_space<vmem>>) target_semaphore(%run_scoped3A_639 : memref<!tpu.dma_semaphore, #tpu.memory_space<semaphore_mem>>)
      %dma_wait3A_650 = arith.constant 0 : i32
      %dma_wait3A_651 = tpu.memref_slice %arg5[%run_scoped3A_276, %dma_wait3A_650] : memref<2x2000xi32, #tpu.memory_space<vmem>> -> memref<1x1000xi32, #tpu.memory_space<vmem>>
      %dma_wait3A_652 = tpu.memref_squeeze %dma_wait3A_651 : memref<1x1000xi32, #tpu.memory_space<vmem>> -> memref<1000xi32, #tpu.memory_space<vmem>>
      %dma_wait3A_653 = tpu.memref_slice %arg3[%run_scoped3A_275, %add3A_274] : memref<2x320000xi32, #tpu.memory_space<hbm>> -> memref<1x1000xi32, #tpu.memory_space<hbm>>
      %dma_wait3A_654 = tpu.memref_squeeze %dma_wait3A_653 : memref<1x1000xi32, #tpu.memory_space<hbm>> -> memref<1000xi32, #tpu.memory_space<hbm>>
      %dma_wait3A_655 = arith.constant 0 : i32
      %dma_wait3A_656 = tpu.memref_slice %arg5[%run_scoped3A_276, %dma_wait3A_655] : memref<2x2000xi32, #tpu.memory_space<vmem>> -> memref<1x1000xi32, #tpu.memory_space<vmem>>
      %dma_wait3A_657 = tpu.memref_squeeze %dma_wait3A_656 : memref<1x1000xi32, #tpu.memory_space<vmem>> -> memref<1000xi32, #tpu.memory_space<vmem>>
      %dma_wait3A_658 = tpu.memref_slice %arg3[%run_scoped3A_275, %add3A_274] : memref<2x320000xi32, #tpu.memory_space<hbm>> -> memref<1x1000xi32, #tpu.memory_space<hbm>>
      %dma_wait3A_659 = tpu.memref_squeeze %dma_wait3A_658 : memref<1x1000xi32, #tpu.memory_space<hbm>> -> memref<1000xi32, #tpu.memory_space<hbm>>
      tpu.wait_dma2 semaphore(%run_scoped3A_639 : memref<!tpu.dma_semaphore, #tpu.memory_space<semaphore_mem>>) src(%dma_wait3A_659 : memref<1000xi32, #tpu.memory_space<hbm>>) dst(%dma_wait3A_657 : memref<1000xi32, #tpu.memory_space<vmem>>)
      tpu.yield
    }) : () -> ()
    %run_scoped3A_277 = arith.constant 1 : i32
    %run_scoped3A_278 = arith.constant 1 : i32
    "tpu.region"() ({
      %run_scoped3A_639 = tpu.sem_alloc : memref<!tpu.dma_semaphore, #tpu.memory_space<semaphore_mem>>
      %dma_start3A_640 = arith.constant 1000 : i32
      %dma_start3A_641 = tpu.memref_slice %arg5[%run_scoped3A_278, %dma_start3A_640] : memref<2x2000xi32, #tpu.memory_space<vmem>> -> memref<1x1000xi32, #tpu.memory_space<vmem>>
      %dma_start3A_642 = tpu.memref_squeeze %dma_start3A_641 : memref<1x1000xi32, #tpu.memory_space<vmem>> -> memref<1000xi32, #tpu.memory_space<vmem>>
      %dma_start3A_643 = tpu.memref_slice %arg3[%run_scoped3A_277, %add3A_274] : memref<2x320000xi32, #tpu.memory_space<hbm>> -> memref<1x1000xi32, #tpu.memory_space<hbm>>
      %dma_start3A_644 = tpu.memref_squeeze %dma_start3A_643 : memref<1x1000xi32, #tpu.memory_space<hbm>> -> memref<1000xi32, #tpu.memory_space<hbm>>
      %dma_start3A_645 = arith.constant 1000 : i32
      %dma_start3A_646 = tpu.memref_slice %arg5[%run_scoped3A_278, %dma_start3A_645] : memref<2x2000xi32, #tpu.memory_space<vmem>> -> memref<1x1000xi32, #tpu.memory_space<vmem>>
      %dma_start3A_647 = tpu.memref_squeeze %dma_start3A_646 : memref<1x1000xi32, #tpu.memory_space<vmem>> -> memref<1000xi32, #tpu.memory_space<vmem>>
      %dma_start3A_648 = tpu.memref_slice %arg3[%run_scoped3A_277, %add3A_274] : memref<2x320000xi32, #tpu.memory_space<hbm>> -> memref<1x1000xi32, #tpu.memory_space<hbm>>
      %dma_start3A_649 = tpu.memref_squeeze %dma_start3A_648 : memref<1x1000xi32, #tpu.memory_space<hbm>> -> memref<1000xi32, #tpu.memory_space<hbm>>
      tpu.enqueue_dma source(%dma_start3A_649 : memref<1000xi32, #tpu.memory_space<hbm>>) target(%dma_start3A_647 : memref<1000xi32, #tpu.memory_space<vmem>>) target_semaphore(%run_scoped3A_639 : memref<!tpu.dma_semaphore, #tpu.memory_space<semaphore_mem>>)
      %dma_wait3A_650 = arith.constant 1000 : i32
      %dma_wait3A_651 = tpu.memref_slice %arg5[%run_scoped3A_278, %dma_wait3A_650] : memref<2x2000xi32, #tpu.memory_space<vmem>> -> memref<1x1000xi32, #tpu.memory_space<vmem>>
      %dma_wait3A_652 = tpu.memref_squeeze %dma_wait3A_651 : memref<1x1000xi32, #tpu.memory_space<vmem>> -> memref<1000xi32, #tpu.memory_space<vmem>>
      %dma_wait3A_653 = tpu.memref_slice %arg3[%run_scoped3A_277, %add3A_274] : memref<2x320000xi32, #tpu.memory_space<hbm>> -> memref<1x1000xi32, #tpu.memory_space<hbm>>
      %dma_wait3A_654 = tpu.memref_squeeze %dma_wait3A_653 : memref<1x1000xi32, #tpu.memory_space<hbm>> -> memref<1000xi32, #tpu.memory_space<hbm>>
      %dma_wait3A_655 = arith.constant 1000 : i32
      %dma_wait3A_656 = tpu.memref_slice %arg5[%run_scoped3A_278, %dma_wait3A_655] : memref<2x2000xi32, #tpu.memory_space<vmem>> -> memref<1x1000xi32, #tpu.memory_space<vmem>>
      %dma_wait3A_657 = tpu.memref_squeeze %dma_wait3A_656 : memref<1x1000xi32, #tpu.memory_space<vmem>> -> memref<1000xi32, #tpu.memory_space<vmem>>
      %dma_wait3A_658 = tpu.memref_slice %arg3[%run_scoped3A_277, %add3A_274] : memref<2x320000xi32, #tpu.memory_space<hbm>> -> memref<1x1000xi32, #tpu.memory_space<hbm>>
      %dma_wait3A_659 = tpu.memref_squeeze %dma_wait3A_658 : memref<1x1000xi32, #tpu.memory_space<hbm>> -> memref<1000xi32, #tpu.memory_space<hbm>>
      tpu.wait_dma2 semaphore(%run_scoped3A_639 : memref<!tpu.dma_semaphore, #tpu.memory_space<semaphore_mem>>) src(%dma_wait3A_659 : memref<1000xi32, #tpu.memory_space<hbm>>) dst(%dma_wait3A_657 : memref<1000xi32, #tpu.memory_space<vmem>>)
      tpu.yield
    }) : () -> ()
    %dma_start3A_279 = arith.constant 1 : i32
    %dma_start3A_280 = arith.constant 1 : i32
    %dma_start3A_281 = arith.constant 0 : i32
    %dma_start3A_282 = arith.constant 0 : i32
    %dma_start3A_283 = tpu.memref_slice %arg6[%dma_start3A_280, %dma_start3A_281, %dma_start3A_282] : memref<2x2000x16xf32, #tpu.memory_space<vmem>> -> memref<1x2000x16xf32, #tpu.memory_space<vmem>>
    %dma_start3A_284 = tpu.memref_squeeze %dma_start3A_283 : memref<1x2000x16xf32, #tpu.memory_space<vmem>> -> memref<2000x16xf32, #tpu.memory_space<vmem>>
    %dma_start3A_285 = arith.constant 0 : i32
    %dma_start3A_286 = tpu.memref_slice %arg5[%dma_start3A_279, %dma_start3A_285] : memref<2x2000xi32, #tpu.memory_space<vmem>> -> memref<1x2000xi32, #tpu.memory_space<vmem>>
    %dma_start3A_287 = tpu.memref_squeeze %dma_start3A_286 : memref<1x2000xi32, #tpu.memory_space<vmem>> -> memref<2000xi32, #tpu.memory_space<vmem>>
    %dma_start3A_288 = arith.constant 0 : i32
    %dma_start3A_289 = arith.constant 0 : i32
    %dma_start3A_290 = tpu.memref_slice %arg2[%dma_start3A_288, %dma_start3A_289] : memref<10000x16xf32, #tpu.memory_space<hbm>> -> memref<10000x16xf32, #tpu.memory_space<hbm>>
    tpu.enqueue_indirect_dma source(%dma_start3A_290 : memref<10000x16xf32, #tpu.memory_space<hbm>>) target(%dma_start3A_284 : memref<2000x16xf32, #tpu.memory_space<vmem>>) offsets(%dma_start3A_287 : memref<2000xi32, #tpu.memory_space<vmem>>) semaphore(%arg8 : memref<!tpu.dma_semaphore, #tpu.memory_space<semaphore_mem>>)
    %dma_wait3A_291 = arith.constant 0 : i32
    %dma_wait3A_292 = arith.constant 0 : i32
    %dma_wait3A_293 = arith.constant 0 : i32
    %dma_wait3A_294 = arith.constant 0 : i32
    %dma_wait3A_295 = tpu.memref_slice %arg6[%dma_wait3A_292, %dma_wait3A_293, %dma_wait3A_294] : memref<2x2000x16xf32, #tpu.memory_space<vmem>> -> memref<1x2000x16xf32, #tpu.memory_space<vmem>>
    %dma_wait3A_296 = tpu.memref_squeeze %dma_wait3A_295 : memref<1x2000x16xf32, #tpu.memory_space<vmem>> -> memref<2000x16xf32, #tpu.memory_space<vmem>>
    %dma_wait3A_297 = arith.constant 0 : i32
    %dma_wait3A_298 = tpu.memref_slice %arg5[%dma_wait3A_291, %dma_wait3A_297] : memref<2x2000xi32, #tpu.memory_space<vmem>> -> memref<1x2000xi32, #tpu.memory_space<vmem>>
    %dma_wait3A_299 = tpu.memref_squeeze %dma_wait3A_298 : memref<1x2000xi32, #tpu.memory_space<vmem>> -> memref<2000xi32, #tpu.memory_space<vmem>>
    %dma_wait3A_300 = arith.constant 0 : i32
    %dma_wait3A_301 = arith.constant 0 : i32
    %dma_wait3A_302 = tpu.memref_slice %arg2[%dma_wait3A_300, %dma_wait3A_301] : memref<10000x16xf32, #tpu.memory_space<hbm>> -> memref<10000x16xf32, #tpu.memory_space<hbm>>
    tpu.wait_indirect_dma semaphore(%arg7 : memref<!tpu.dma_semaphore, #tpu.memory_space<semaphore_mem>>) src(%dma_wait3A_302 : memref<10000x16xf32, #tpu.memory_space<hbm>>) dst(%dma_wait3A_296 : memref<2000x16xf32, #tpu.memory_space<vmem>>)
    %scan3A_303 = arith.constant 0 : i32
    %scan3A_304 = arith.constant 0 : i32
    %scan3A_305 = arith.constant 1000 : i32
    %scan3A_306 = arith.addi %scan3A_304, %scan3A_305 : i32
    %scan3A_307 = arith.constant 1 : i32
    scf.for %scan3A_639 = %scan3A_304 to %scan3A_306 step %scan3A_307  : i32 {
      %get3A = arith.constant 0 : i32
      %get3A_640 = arith.index_cast %get3A : i32 to index
      %get3A_641 = arith.index_cast %scan3A_639 : i32 to index
      %get3A_642 = arith.constant 0 : index
      %get3A_643 = tpu.vector_load %arg6[%get3A_640, %get3A_641, %get3A_642] {strides = array<i32>} : memref<2x2000x16xf32, #tpu.memory_space<vmem>>, vector<1x1x16xf32>,
      %get3A_644 = vector.shape_cast %get3A_643 : vector<1x1x16xf32> to vector<16xf32>
      %add3A_645 = arith.constant 1000 : i32
      %add3A_646 = arith.addi %add3A_645, %scan3A_639 : i32
      %get3A_647 = arith.constant 0 : i32
      %get3A_648 = arith.index_cast %get3A_647 : i32 to index
      %get3A_649 = arith.index_cast %add3A_646 : i32 to index
      %get3A_650 = arith.constant 0 : index
      %get3A_651 = tpu.vector_load %arg6[%get3A_648, %get3A_649, %get3A_650] {strides = array<i32>} : memref<2x2000x16xf32, #tpu.memory_space<vmem>>, vector<1x1x16xf32>,
      %get3A_652 = vector.shape_cast %get3A_651 : vector<1x1x16xf32> to vector<16xf32>
      %add3A_653 = arith.addf %get3A_644, %get3A_652 : vector<16xf32>
      %swap3A = arith.constant 0 : i32
      %swap3A_654 = arith.index_cast %swap3A : i32 to index
      %swap3A_655 = arith.index_cast %scan3A_639 : i32 to index
      %swap3A_656 = arith.constant 0 : index
      %swap3A_657 = tpu.vector_load %arg6[%swap3A_654, %swap3A_655, %swap3A_656] {strides = array<i32>} : memref<2x2000x16xf32, #tpu.memory_space<vmem>>, vector<1x1x16xf32>,
      %swap3A_658 = vector.shape_cast %swap3A_657 : vector<1x1x16xf32> to vector<16xf32>
      %swap3A_659 = vector.shape_cast %add3A_653 : vector<16xf32> to vector<1x1x16xf32>
      tpu.vector_store %arg6[%swap3A_654, %swap3A_655, %swap3A_656], %swap3A_659 {strides = array<i32>} : memref<2x2000x16xf32, #tpu.memory_space<vmem>>, vector<1x1x16xf32>,
    }
    %scan3A_308 = arith.constant 1000 : i32
    %add3A_309 = arith.constant 4000 : i32
    %add3A_310 = arith.addi %mul3A_2, %add3A_309 : i32
    %dma_start3A_311 = arith.constant 0 : i32
    %dma_start3A_312 = arith.constant 0 : i32
    %dma_start3A_313 = arith.constant 0 : i32
    %dma_start3A_314 = tpu.memref_slice %arg6[%dma_start3A_311, %dma_start3A_312, %dma_start3A_313] : memref<2x2000x16xf32, #tpu.memory_space<vmem>> -> memref<1x1000x16xf32, #tpu.memory_space<vmem>>
    %dma_start3A_315 = tpu.memref_squeeze %dma_start3A_314 : memref<1x1000x16xf32, #tpu.memory_space<vmem>> -> memref<1000x16xf32, #tpu.memory_space<vmem>>
    %dma_start3A_316 = arith.constant 0 : i32
    %dma_start3A_317 = tpu.memref_slice %arg4[%add3A_310, %dma_start3A_316] : memref<320000x16xf32, #tpu.memory_space<hbm>> -> memref<1000x16xf32, #tpu.memory_space<hbm>>
    %dma_start3A_318 = arith.constant 0 : i32
    %dma_start3A_319 = tpu.memref_slice %arg4[%add3A_310, %dma_start3A_318] : memref<320000x16xf32, #tpu.memory_space<hbm>> -> memref<1000x16xf32, #tpu.memory_space<hbm>>
    %dma_start3A_320 = arith.constant 0 : i32
    %dma_start3A_321 = arith.constant 0 : i32
    %dma_start3A_322 = tpu.memref_slice %arg6[%dma_start3A_311, %dma_start3A_320, %dma_start3A_321] : memref<2x2000x16xf32, #tpu.memory_space<vmem>> -> memref<1x1000x16xf32, #tpu.memory_space<vmem>>
    %dma_start3A_323 = tpu.memref_squeeze %dma_start3A_322 : memref<1x1000x16xf32, #tpu.memory_space<vmem>> -> memref<1000x16xf32, #tpu.memory_space<vmem>>
    tpu.enqueue_dma source(%dma_start3A_323 : memref<1000x16xf32, #tpu.memory_space<vmem>>) target(%dma_start3A_319 : memref<1000x16xf32, #tpu.memory_space<hbm>>) target_semaphore(%arg9 : memref<!tpu.dma_semaphore, #tpu.memory_space<semaphore_mem>>)
    %dma_wait3A_324 = arith.constant 0 : i32
    %dma_wait3A_325 = arith.constant 0 : i32
    %dma_wait3A_326 = arith.constant 0 : i32
    %dma_wait3A_327 = tpu.memref_slice %arg6[%dma_wait3A_324, %dma_wait3A_325, %dma_wait3A_326] : memref<2x2000x16xf32, #tpu.memory_space<vmem>> -> memref<1x1000x16xf32, #tpu.memory_space<vmem>>
    %dma_wait3A_328 = tpu.memref_squeeze %dma_wait3A_327 : memref<1x1000x16xf32, #tpu.memory_space<vmem>> -> memref<1000x16xf32, #tpu.memory_space<vmem>>
    %dma_wait3A_329 = arith.constant 0 : i32
    %dma_wait3A_330 = tpu.memref_slice %arg4[%add3A_310, %dma_wait3A_329] : memref<320000x16xf32, #tpu.memory_space<hbm>> -> memref<1000x16xf32, #tpu.memory_space<hbm>>
    %dma_wait3A_331 = arith.constant 0 : i32
    %dma_wait3A_332 = tpu.memref_slice %arg4[%add3A_310, %dma_wait3A_331] : memref<320000x16xf32, #tpu.memory_space<hbm>> -> memref<1000x16xf32, #tpu.memory_space<hbm>>
    %dma_wait3A_333 = arith.constant 0 : i32
    %dma_wait3A_334 = arith.constant 0 : i32
    %dma_wait3A_335 = tpu.memref_slice %arg6[%dma_wait3A_324, %dma_wait3A_333, %dma_wait3A_334] : memref<2x2000x16xf32, #tpu.memory_space<vmem>> -> memref<1x1000x16xf32, #tpu.memory_space<vmem>>
    %dma_wait3A_336 = tpu.memref_squeeze %dma_wait3A_335 : memref<1x1000x16xf32, #tpu.memory_space<vmem>> -> memref<1000x16xf32, #tpu.memory_space<vmem>>
    tpu.wait_dma2 semaphore(%arg9 : memref<!tpu.dma_semaphore, #tpu.memory_space<semaphore_mem>>) src(%dma_wait3A_336 : memref<1000x16xf32, #tpu.memory_space<vmem>>) dst(%dma_wait3A_332 : memref<1000x16xf32, #tpu.memory_space<hbm>>)
    %add3A_337 = arith.constant 6000 : i32
    %add3A_338 = arith.addi %mul3A_2, %add3A_337 : i32
    %run_scoped3A_339 = arith.constant 0 : i32
    %run_scoped3A_340 = arith.constant 0 : i32
    "tpu.region"() ({
      %run_scoped3A_639 = tpu.sem_alloc : memref<!tpu.dma_semaphore, #tpu.memory_space<semaphore_mem>>
      %dma_start3A_640 = arith.constant 0 : i32
      %dma_start3A_641 = tpu.memref_slice %arg5[%run_scoped3A_340, %dma_start3A_640] : memref<2x2000xi32, #tpu.memory_space<vmem>> -> memref<1x1000xi32, #tpu.memory_space<vmem>>
      %dma_start3A_642 = tpu.memref_squeeze %dma_start3A_641 : memref<1x1000xi32, #tpu.memory_space<vmem>> -> memref<1000xi32, #tpu.memory_space<vmem>>
      %dma_start3A_643 = tpu.memref_slice %arg3[%run_scoped3A_339, %add3A_338] : memref<2x320000xi32, #tpu.memory_space<hbm>> -> memref<1x1000xi32, #tpu.memory_space<hbm>>
      %dma_start3A_644 = tpu.memref_squeeze %dma_start3A_643 : memref<1x1000xi32, #tpu.memory_space<hbm>> -> memref<1000xi32, #tpu.memory_space<hbm>>
      %dma_start3A_645 = arith.constant 0 : i32
      %dma_start3A_646 = tpu.memref_slice %arg5[%run_scoped3A_340, %dma_start3A_645] : memref<2x2000xi32, #tpu.memory_space<vmem>> -> memref<1x1000xi32, #tpu.memory_space<vmem>>
      %dma_start3A_647 = tpu.memref_squeeze %dma_start3A_646 : memref<1x1000xi32, #tpu.memory_space<vmem>> -> memref<1000xi32, #tpu.memory_space<vmem>>
      %dma_start3A_648 = tpu.memref_slice %arg3[%run_scoped3A_339, %add3A_338] : memref<2x320000xi32, #tpu.memory_space<hbm>> -> memref<1x1000xi32, #tpu.memory_space<hbm>>
      %dma_start3A_649 = tpu.memref_squeeze %dma_start3A_648 : memref<1x1000xi32, #tpu.memory_space<hbm>> -> memref<1000xi32, #tpu.memory_space<hbm>>
      tpu.enqueue_dma source(%dma_start3A_649 : memref<1000xi32, #tpu.memory_space<hbm>>) target(%dma_start3A_647 : memref<1000xi32, #tpu.memory_space<vmem>>) target_semaphore(%run_scoped3A_639 : memref<!tpu.dma_semaphore, #tpu.memory_space<semaphore_mem>>)
      %dma_wait3A_650 = arith.constant 0 : i32
      %dma_wait3A_651 = tpu.memref_slice %arg5[%run_scoped3A_340, %dma_wait3A_650] : memref<2x2000xi32, #tpu.memory_space<vmem>> -> memref<1x1000xi32, #tpu.memory_space<vmem>>
      %dma_wait3A_652 = tpu.memref_squeeze %dma_wait3A_651 : memref<1x1000xi32, #tpu.memory_space<vmem>> -> memref<1000xi32, #tpu.memory_space<vmem>>
      %dma_wait3A_653 = tpu.memref_slice %arg3[%run_scoped3A_339, %add3A_338] : memref<2x320000xi32, #tpu.memory_space<hbm>> -> memref<1x1000xi32, #tpu.memory_space<hbm>>
      %dma_wait3A_654 = tpu.memref_squeeze %dma_wait3A_653 : memref<1x1000xi32, #tpu.memory_space<hbm>> -> memref<1000xi32, #tpu.memory_space<hbm>>
      %dma_wait3A_655 = arith.constant 0 : i32
      %dma_wait3A_656 = tpu.memref_slice %arg5[%run_scoped3A_340, %dma_wait3A_655] : memref<2x2000xi32, #tpu.memory_space<vmem>> -> memref<1x1000xi32, #tpu.memory_space<vmem>>
      %dma_wait3A_657 = tpu.memref_squeeze %dma_wait3A_656 : memref<1x1000xi32, #tpu.memory_space<vmem>> -> memref<1000xi32, #tpu.memory_space<vmem>>
      %dma_wait3A_658 = tpu.memref_slice %arg3[%run_scoped3A_339, %add3A_338] : memref<2x320000xi32, #tpu.memory_space<hbm>> -> memref<1x1000xi32, #tpu.memory_space<hbm>>
      %dma_wait3A_659 = tpu.memref_squeeze %dma_wait3A_658 : memref<1x1000xi32, #tpu.memory_space<hbm>> -> memref<1000xi32, #tpu.memory_space<hbm>>
      tpu.wait_dma2 semaphore(%run_scoped3A_639 : memref<!tpu.dma_semaphore, #tpu.memory_space<semaphore_mem>>) src(%dma_wait3A_659 : memref<1000xi32, #tpu.memory_space<hbm>>) dst(%dma_wait3A_657 : memref<1000xi32, #tpu.memory_space<vmem>>)
      tpu.yield
    }) : () -> ()
    %run_scoped3A_341 = arith.constant 1 : i32
    %run_scoped3A_342 = arith.constant 0 : i32
    "tpu.region"() ({
      %run_scoped3A_639 = tpu.sem_alloc : memref<!tpu.dma_semaphore, #tpu.memory_space<semaphore_mem>>
      %dma_start3A_640 = arith.constant 1000 : i32
      %dma_start3A_641 = tpu.memref_slice %arg5[%run_scoped3A_342, %dma_start3A_640] : memref<2x2000xi32, #tpu.memory_space<vmem>> -> memref<1x1000xi32, #tpu.memory_space<vmem>>
      %dma_start3A_642 = tpu.memref_squeeze %dma_start3A_641 : memref<1x1000xi32, #tpu.memory_space<vmem>> -> memref<1000xi32, #tpu.memory_space<vmem>>
      %dma_start3A_643 = tpu.memref_slice %arg3[%run_scoped3A_341, %add3A_338] : memref<2x320000xi32, #tpu.memory_space<hbm>> -> memref<1x1000xi32, #tpu.memory_space<hbm>>
      %dma_start3A_644 = tpu.memref_squeeze %dma_start3A_643 : memref<1x1000xi32, #tpu.memory_space<hbm>> -> memref<1000xi32, #tpu.memory_space<hbm>>
      %dma_start3A_645 = arith.constant 1000 : i32
      %dma_start3A_646 = tpu.memref_slice %arg5[%run_scoped3A_342, %dma_start3A_645] : memref<2x2000xi32, #tpu.memory_space<vmem>> -> memref<1x1000xi32, #tpu.memory_space<vmem>>
      %dma_start3A_647 = tpu.memref_squeeze %dma_start3A_646 : memref<1x1000xi32, #tpu.memory_space<vmem>> -> memref<1000xi32, #tpu.memory_space<vmem>>
      %dma_start3A_648 = tpu.memref_slice %arg3[%run_scoped3A_341, %add3A_338] : memref<2x320000xi32, #tpu.memory_space<hbm>> -> memref<1x1000xi32, #tpu.memory_space<hbm>>
      %dma_start3A_649 = tpu.memref_squeeze %dma_start3A_648 : memref<1x1000xi32, #tpu.memory_space<hbm>> -> memref<1000xi32, #tpu.memory_space<hbm>>
      tpu.enqueue_dma source(%dma_start3A_649 : memref<1000xi32, #tpu.memory_space<hbm>>) target(%dma_start3A_647 : memref<1000xi32, #tpu.memory_space<vmem>>) target_semaphore(%run_scoped3A_639 : memref<!tpu.dma_semaphore, #tpu.memory_space<semaphore_mem>>)
      %dma_wait3A_650 = arith.constant 1000 : i32
      %dma_wait3A_651 = tpu.memref_slice %arg5[%run_scoped3A_342, %dma_wait3A_650] : memref<2x2000xi32, #tpu.memory_space<vmem>> -> memref<1x1000xi32, #tpu.memory_space<vmem>>
      %dma_wait3A_652 = tpu.memref_squeeze %dma_wait3A_651 : memref<1x1000xi32, #tpu.memory_space<vmem>> -> memref<1000xi32, #tpu.memory_space<vmem>>
      %dma_wait3A_653 = tpu.memref_slice %arg3[%run_scoped3A_341, %add3A_338] : memref<2x320000xi32, #tpu.memory_space<hbm>> -> memref<1x1000xi32, #tpu.memory_space<hbm>>
      %dma_wait3A_654 = tpu.memref_squeeze %dma_wait3A_653 : memref<1x1000xi32, #tpu.memory_space<hbm>> -> memref<1000xi32, #tpu.memory_space<hbm>>
      %dma_wait3A_655 = arith.constant 1000 : i32
      %dma_wait3A_656 = tpu.memref_slice %arg5[%run_scoped3A_342, %dma_wait3A_655] : memref<2x2000xi32, #tpu.memory_space<vmem>> -> memref<1x1000xi32, #tpu.memory_space<vmem>>
      %dma_wait3A_657 = tpu.memref_squeeze %dma_wait3A_656 : memref<1x1000xi32, #tpu.memory_space<vmem>> -> memref<1000xi32, #tpu.memory_space<vmem>>
      %dma_wait3A_658 = tpu.memref_slice %arg3[%run_scoped3A_341, %add3A_338] : memref<2x320000xi32, #tpu.memory_space<hbm>> -> memref<1x1000xi32, #tpu.memory_space<hbm>>
      %dma_wait3A_659 = tpu.memref_squeeze %dma_wait3A_658 : memref<1x1000xi32, #tpu.memory_space<hbm>> -> memref<1000xi32, #tpu.memory_space<hbm>>
      tpu.wait_dma2 semaphore(%run_scoped3A_639 : memref<!tpu.dma_semaphore, #tpu.memory_space<semaphore_mem>>) src(%dma_wait3A_659 : memref<1000xi32, #tpu.memory_space<hbm>>) dst(%dma_wait3A_657 : memref<1000xi32, #tpu.memory_space<vmem>>)
      tpu.yield
    }) : () -> ()
    %dma_start3A_343 = arith.constant 0 : i32
    %dma_start3A_344 = arith.constant 0 : i32
    %dma_start3A_345 = arith.constant 0 : i32
    %dma_start3A_346 = arith.constant 0 : i32
    %dma_start3A_347 = tpu.memref_slice %arg6[%dma_start3A_344, %dma_start3A_345, %dma_start3A_346] : memref<2x2000x16xf32, #tpu.memory_space<vmem>> -> memref<1x2000x16xf32, #tpu.memory_space<vmem>>
    %dma_start3A_348 = tpu.memref_squeeze %dma_start3A_347 : memref<1x2000x16xf32, #tpu.memory_space<vmem>> -> memref<2000x16xf32, #tpu.memory_space<vmem>>
    %dma_start3A_349 = arith.constant 0 : i32
    %dma_start3A_350 = tpu.memref_slice %arg5[%dma_start3A_343, %dma_start3A_349] : memref<2x2000xi32, #tpu.memory_space<vmem>> -> memref<1x2000xi32, #tpu.memory_space<vmem>>
    %dma_start3A_351 = tpu.memref_squeeze %dma_start3A_350 : memref<1x2000xi32, #tpu.memory_space<vmem>> -> memref<2000xi32, #tpu.memory_space<vmem>>
    %dma_start3A_352 = arith.constant 0 : i32
    %dma_start3A_353 = arith.constant 0 : i32
    %dma_start3A_354 = tpu.memref_slice %arg2[%dma_start3A_352, %dma_start3A_353] : memref<10000x16xf32, #tpu.memory_space<hbm>> -> memref<10000x16xf32, #tpu.memory_space<hbm>>
    tpu.enqueue_indirect_dma source(%dma_start3A_354 : memref<10000x16xf32, #tpu.memory_space<hbm>>) target(%dma_start3A_348 : memref<2000x16xf32, #tpu.memory_space<vmem>>) offsets(%dma_start3A_351 : memref<2000xi32, #tpu.memory_space<vmem>>) semaphore(%arg7 : memref<!tpu.dma_semaphore, #tpu.memory_space<semaphore_mem>>)
    %dma_wait3A_355 = arith.constant 1 : i32
    %dma_wait3A_356 = arith.constant 1 : i32
    %dma_wait3A_357 = arith.constant 0 : i32
    %dma_wait3A_358 = arith.constant 0 : i32
    %dma_wait3A_359 = tpu.memref_slice %arg6[%dma_wait3A_356, %dma_wait3A_357, %dma_wait3A_358] : memref<2x2000x16xf32, #tpu.memory_space<vmem>> -> memref<1x2000x16xf32, #tpu.memory_space<vmem>>
    %dma_wait3A_360 = tpu.memref_squeeze %dma_wait3A_359 : memref<1x2000x16xf32, #tpu.memory_space<vmem>> -> memref<2000x16xf32, #tpu.memory_space<vmem>>
    %dma_wait3A_361 = arith.constant 0 : i32
    %dma_wait3A_362 = tpu.memref_slice %arg5[%dma_wait3A_355, %dma_wait3A_361] : memref<2x2000xi32, #tpu.memory_space<vmem>> -> memref<1x2000xi32, #tpu.memory_space<vmem>>
    %dma_wait3A_363 = tpu.memref_squeeze %dma_wait3A_362 : memref<1x2000xi32, #tpu.memory_space<vmem>> -> memref<2000xi32, #tpu.memory_space<vmem>>
    %dma_wait3A_364 = arith.constant 0 : i32
    %dma_wait3A_365 = arith.constant 0 : i32
    %dma_wait3A_366 = tpu.memref_slice %arg2[%dma_wait3A_364, %dma_wait3A_365] : memref<10000x16xf32, #tpu.memory_space<hbm>> -> memref<10000x16xf32, #tpu.memory_space<hbm>>
    tpu.wait_indirect_dma semaphore(%arg8 : memref<!tpu.dma_semaphore, #tpu.memory_space<semaphore_mem>>) src(%dma_wait3A_366 : memref<10000x16xf32, #tpu.memory_space<hbm>>) dst(%dma_wait3A_360 : memref<2000x16xf32, #tpu.memory_space<vmem>>)
    %scan3A_367 = arith.constant 0 : i32
    %scan3A_368 = arith.constant 0 : i32
    %scan3A_369 = arith.constant 1000 : i32
    %scan3A_370 = arith.addi %scan3A_368, %scan3A_369 : i32
    %scan3A_371 = arith.constant 1 : i32
    scf.for %scan3A_639 = %scan3A_368 to %scan3A_370 step %scan3A_371  : i32 {
      %get3A = arith.constant 1 : i32
      %get3A_640 = arith.index_cast %get3A : i32 to index
      %get3A_641 = arith.index_cast %scan3A_639 : i32 to index
      %get3A_642 = arith.constant 0 : index
      %get3A_643 = tpu.vector_load %arg6[%get3A_640, %get3A_641, %get3A_642] {strides = array<i32>} : memref<2x2000x16xf32, #tpu.memory_space<vmem>>, vector<1x1x16xf32>,
      %get3A_644 = vector.shape_cast %get3A_643 : vector<1x1x16xf32> to vector<16xf32>
      %add3A_645 = arith.constant 1000 : i32
      %add3A_646 = arith.addi %add3A_645, %scan3A_639 : i32
      %get3A_647 = arith.constant 1 : i32
      %get3A_648 = arith.index_cast %get3A_647 : i32 to index
      %get3A_649 = arith.index_cast %add3A_646 : i32 to index
      %get3A_650 = arith.constant 0 : index
      %get3A_651 = tpu.vector_load %arg6[%get3A_648, %get3A_649, %get3A_650] {strides = array<i32>} : memref<2x2000x16xf32, #tpu.memory_space<vmem>>, vector<1x1x16xf32>,
      %get3A_652 = vector.shape_cast %get3A_651 : vector<1x1x16xf32> to vector<16xf32>
      %add3A_653 = arith.addf %get3A_644, %get3A_652 : vector<16xf32>
      %swap3A = arith.constant 1 : i32
      %swap3A_654 = arith.index_cast %swap3A : i32 to index
      %swap3A_655 = arith.index_cast %scan3A_639 : i32 to index
      %swap3A_656 = arith.constant 0 : index
      %swap3A_657 = tpu.vector_load %arg6[%swap3A_654, %swap3A_655, %swap3A_656] {strides = array<i32>} : memref<2x2000x16xf32, #tpu.memory_space<vmem>>, vector<1x1x16xf32>,
      %swap3A_658 = vector.shape_cast %swap3A_657 : vector<1x1x16xf32> to vector<16xf32>
      %swap3A_659 = vector.shape_cast %add3A_653 : vector<16xf32> to vector<1x1x16xf32>
      tpu.vector_store %arg6[%swap3A_654, %swap3A_655, %swap3A_656], %swap3A_659 {strides = array<i32>} : memref<2x2000x16xf32, #tpu.memory_space<vmem>>, vector<1x1x16xf32>,
    }
    %scan3A_372 = arith.constant 1000 : i32
    %add3A_373 = arith.constant 5000 : i32
    %add3A_374 = arith.addi %mul3A_2, %add3A_373 : i32
    %dma_start3A_375 = arith.constant 1 : i32
    %dma_start3A_376 = arith.constant 0 : i32
    %dma_start3A_377 = arith.constant 0 : i32
    %dma_start3A_378 = tpu.memref_slice %arg6[%dma_start3A_375, %dma_start3A_376, %dma_start3A_377] : memref<2x2000x16xf32, #tpu.memory_space<vmem>> -> memref<1x1000x16xf32, #tpu.memory_space<vmem>>
    %dma_start3A_379 = tpu.memref_squeeze %dma_start3A_378 : memref<1x1000x16xf32, #tpu.memory_space<vmem>> -> memref<1000x16xf32, #tpu.memory_space<vmem>>
    %dma_start3A_380 = arith.constant 0 : i32
    %dma_start3A_381 = tpu.memref_slice %arg4[%add3A_374, %dma_start3A_380] : memref<320000x16xf32, #tpu.memory_space<hbm>> -> memref<1000x16xf32, #tpu.memory_space<hbm>>
    %dma_start3A_382 = arith.constant 0 : i32
    %dma_start3A_383 = tpu.memref_slice %arg4[%add3A_374, %dma_start3A_382] : memref<320000x16xf32, #tpu.memory_space<hbm>> -> memref<1000x16xf32, #tpu.memory_space<hbm>>
    %dma_start3A_384 = arith.constant 0 : i32
    %dma_start3A_385 = arith.constant 0 : i32
    %dma_start3A_386 = tpu.memref_slice %arg6[%dma_start3A_375, %dma_start3A_384, %dma_start3A_385] : memref<2x2000x16xf32, #tpu.memory_space<vmem>> -> memref<1x1000x16xf32, #tpu.memory_space<vmem>>
    %dma_start3A_387 = tpu.memref_squeeze %dma_start3A_386 : memref<1x1000x16xf32, #tpu.memory_space<vmem>> -> memref<1000x16xf32, #tpu.memory_space<vmem>>
    tpu.enqueue_dma source(%dma_start3A_387 : memref<1000x16xf32, #tpu.memory_space<vmem>>) target(%dma_start3A_383 : memref<1000x16xf32, #tpu.memory_space<hbm>>) target_semaphore(%arg10 : memref<!tpu.dma_semaphore, #tpu.memory_space<semaphore_mem>>)
    %dma_wait3A_388 = arith.constant 1 : i32
    %dma_wait3A_389 = arith.constant 0 : i32
    %dma_wait3A_390 = arith.constant 0 : i32
    %dma_wait3A_391 = tpu.memref_slice %arg6[%dma_wait3A_388, %dma_wait3A_389, %dma_wait3A_390] : memref<2x2000x16xf32, #tpu.memory_space<vmem>> -> memref<1x1000x16xf32, #tpu.memory_space<vmem>>
    %dma_wait3A_392 = tpu.memref_squeeze %dma_wait3A_391 : memref<1x1000x16xf32, #tpu.memory_space<vmem>> -> memref<1000x16xf32, #tpu.memory_space<vmem>>
    %dma_wait3A_393 = arith.constant 0 : i32
    %dma_wait3A_394 = tpu.memref_slice %arg4[%add3A_374, %dma_wait3A_393] : memref<320000x16xf32, #tpu.memory_space<hbm>> -> memref<1000x16xf32, #tpu.memory_space<hbm>>
    %dma_wait3A_395 = arith.constant 0 : i32
    %dma_wait3A_396 = tpu.memref_slice %arg4[%add3A_374, %dma_wait3A_395] : memref<320000x16xf32, #tpu.memory_space<hbm>> -> memref<1000x16xf32, #tpu.memory_space<hbm>>
    %dma_wait3A_397 = arith.constant 0 : i32
    %dma_wait3A_398 = arith.constant 0 : i32
    %dma_wait3A_399 = tpu.memref_slice %arg6[%dma_wait3A_388, %dma_wait3A_397, %dma_wait3A_398] : memref<2x2000x16xf32, #tpu.memory_space<vmem>> -> memref<1x1000x16xf32, #tpu.memory_space<vmem>>
    %dma_wait3A_400 = tpu.memref_squeeze %dma_wait3A_399 : memref<1x1000x16xf32, #tpu.memory_space<vmem>> -> memref<1000x16xf32, #tpu.memory_space<vmem>>
    tpu.wait_dma2 semaphore(%arg10 : memref<!tpu.dma_semaphore, #tpu.memory_space<semaphore_mem>>) src(%dma_wait3A_400 : memref<1000x16xf32, #tpu.memory_space<vmem>>) dst(%dma_wait3A_396 : memref<1000x16xf32, #tpu.memory_space<hbm>>)
    %add3A_401 = arith.constant 7000 : i32
    %add3A_402 = arith.addi %mul3A_2, %add3A_401 : i32
    %run_scoped3A_403 = arith.constant 0 : i32
    %run_scoped3A_404 = arith.constant 1 : i32
    "tpu.region"() ({
      %run_scoped3A_639 = tpu.sem_alloc : memref<!tpu.dma_semaphore, #tpu.memory_space<semaphore_mem>>
      %dma_start3A_640 = arith.constant 0 : i32
      %dma_start3A_641 = tpu.memref_slice %arg5[%run_scoped3A_404, %dma_start3A_640] : memref<2x2000xi32, #tpu.memory_space<vmem>> -> memref<1x1000xi32, #tpu.memory_space<vmem>>
      %dma_start3A_642 = tpu.memref_squeeze %dma_start3A_641 : memref<1x1000xi32, #tpu.memory_space<vmem>> -> memref<1000xi32, #tpu.memory_space<vmem>>
      %dma_start3A_643 = tpu.memref_slice %arg3[%run_scoped3A_403, %add3A_402] : memref<2x320000xi32, #tpu.memory_space<hbm>> -> memref<1x1000xi32, #tpu.memory_space<hbm>>
      %dma_start3A_644 = tpu.memref_squeeze %dma_start3A_643 : memref<1x1000xi32, #tpu.memory_space<hbm>> -> memref<1000xi32, #tpu.memory_space<hbm>>
      %dma_start3A_645 = arith.constant 0 : i32
      %dma_start3A_646 = tpu.memref_slice %arg5[%run_scoped3A_404, %dma_start3A_645] : memref<2x2000xi32, #tpu.memory_space<vmem>> -> memref<1x1000xi32, #tpu.memory_space<vmem>>
      %dma_start3A_647 = tpu.memref_squeeze %dma_start3A_646 : memref<1x1000xi32, #tpu.memory_space<vmem>> -> memref<1000xi32, #tpu.memory_space<vmem>>
      %dma_start3A_648 = tpu.memref_slice %arg3[%run_scoped3A_403, %add3A_402] : memref<2x320000xi32, #tpu.memory_space<hbm>> -> memref<1x1000xi32, #tpu.memory_space<hbm>>
      %dma_start3A_649 = tpu.memref_squeeze %dma_start3A_648 : memref<1x1000xi32, #tpu.memory_space<hbm>> -> memref<1000xi32, #tpu.memory_space<hbm>>
      tpu.enqueue_dma source(%dma_start3A_649 : memref<1000xi32, #tpu.memory_space<hbm>>) target(%dma_start3A_647 : memref<1000xi32, #tpu.memory_space<vmem>>) target_semaphore(%run_scoped3A_639 : memref<!tpu.dma_semaphore, #tpu.memory_space<semaphore_mem>>)
      %dma_wait3A_650 = arith.constant 0 : i32
      %dma_wait3A_651 = tpu.memref_slice %arg5[%run_scoped3A_404, %dma_wait3A_650] : memref<2x2000xi32, #tpu.memory_space<vmem>> -> memref<1x1000xi32, #tpu.memory_space<vmem>>
      %dma_wait3A_652 = tpu.memref_squeeze %dma_wait3A_651 : memref<1x1000xi32, #tpu.memory_space<vmem>> -> memref<1000xi32, #tpu.memory_space<vmem>>
      %dma_wait3A_653 = tpu.memref_slice %arg3[%run_scoped3A_403, %add3A_402] : memref<2x320000xi32, #tpu.memory_space<hbm>> -> memref<1x1000xi32, #tpu.memory_space<hbm>>
      %dma_wait3A_654 = tpu.memref_squeeze %dma_wait3A_653 : memref<1x1000xi32, #tpu.memory_space<hbm>> -> memref<1000xi32, #tpu.memory_space<hbm>>
      %dma_wait3A_655 = arith.constant 0 : i32
      %dma_wait3A_656 = tpu.memref_slice %arg5[%run_scoped3A_404, %dma_wait3A_655] : memref<2x2000xi32, #tpu.memory_space<vmem>> -> memref<1x1000xi32, #tpu.memory_space<vmem>>
      %dma_wait3A_657 = tpu.memref_squeeze %dma_wait3A_656 : memref<1x1000xi32, #tpu.memory_space<vmem>> -> memref<1000xi32, #tpu.memory_space<vmem>>
      %dma_wait3A_658 = tpu.memref_slice %arg3[%run_scoped3A_403, %add3A_402] : memref<2x320000xi32, #tpu.memory_space<hbm>> -> memref<1x1000xi32, #tpu.memory_space<hbm>>
      %dma_wait3A_659 = tpu.memref_squeeze %dma_wait3A_658 : memref<1x1000xi32, #tpu.memory_space<hbm>> -> memref<1000xi32, #tpu.memory_space<hbm>>
      tpu.wait_dma2 semaphore(%run_scoped3A_639 : memref<!tpu.dma_semaphore, #tpu.memory_space<semaphore_mem>>) src(%dma_wait3A_659 : memref<1000xi32, #tpu.memory_space<hbm>>) dst(%dma_wait3A_657 : memref<1000xi32, #tpu.memory_space<vmem>>)
      tpu.yield
    }) : () -> ()
    %run_scoped3A_405 = arith.constant 1 : i32
    %run_scoped3A_406 = arith.constant 1 : i32
    "tpu.region"() ({
      %run_scoped3A_639 = tpu.sem_alloc : memref<!tpu.dma_semaphore, #tpu.memory_space<semaphore_mem>>
      %dma_start3A_640 = arith.constant 1000 : i32
      %dma_start3A_641 = tpu.memref_slice %arg5[%run_scoped3A_406, %dma_start3A_640] : memref<2x2000xi32, #tpu.memory_space<vmem>> -> memref<1x1000xi32, #tpu.memory_space<vmem>>
      %dma_start3A_642 = tpu.memref_squeeze %dma_start3A_641 : memref<1x1000xi32, #tpu.memory_space<vmem>> -> memref<1000xi32, #tpu.memory_space<vmem>>
      %dma_start3A_643 = tpu.memref_slice %arg3[%run_scoped3A_405, %add3A_402] : memref<2x320000xi32, #tpu.memory_space<hbm>> -> memref<1x1000xi32, #tpu.memory_space<hbm>>
      %dma_start3A_644 = tpu.memref_squeeze %dma_start3A_643 : memref<1x1000xi32, #tpu.memory_space<hbm>> -> memref<1000xi32, #tpu.memory_space<hbm>>
      %dma_start3A_645 = arith.constant 1000 : i32
      %dma_start3A_646 = tpu.memref_slice %arg5[%run_scoped3A_406, %dma_start3A_645] : memref<2x2000xi32, #tpu.memory_space<vmem>> -> memref<1x1000xi32, #tpu.memory_space<vmem>>
      %dma_start3A_647 = tpu.memref_squeeze %dma_start3A_646 : memref<1x1000xi32, #tpu.memory_space<vmem>> -> memref<1000xi32, #tpu.memory_space<vmem>>
      %dma_start3A_648 = tpu.memref_slice %arg3[%run_scoped3A_405, %add3A_402] : memref<2x320000xi32, #tpu.memory_space<hbm>> -> memref<1x1000xi32, #tpu.memory_space<hbm>>
      %dma_start3A_649 = tpu.memref_squeeze %dma_start3A_648 : memref<1x1000xi32, #tpu.memory_space<hbm>> -> memref<1000xi32, #tpu.memory_space<hbm>>
      tpu.enqueue_dma source(%dma_start3A_649 : memref<1000xi32, #tpu.memory_space<hbm>>) target(%dma_start3A_647 : memref<1000xi32, #tpu.memory_space<vmem>>) target_semaphore(%run_scoped3A_639 : memref<!tpu.dma_semaphore, #tpu.memory_space<semaphore_mem>>)
      %dma_wait3A_650 = arith.constant 1000 : i32
      %dma_wait3A_651 = tpu.memref_slice %arg5[%run_scoped3A_406, %dma_wait3A_650] : memref<2x2000xi32, #tpu.memory_space<vmem>> -> memref<1x1000xi32, #tpu.memory_space<vmem>>
      %dma_wait3A_652 = tpu.memref_squeeze %dma_wait3A_651 : memref<1x1000xi32, #tpu.memory_space<vmem>> -> memref<1000xi32, #tpu.memory_space<vmem>>
      %dma_wait3A_653 = tpu.memref_slice %arg3[%run_scoped3A_405, %add3A_402] : memref<2x320000xi32, #tpu.memory_space<hbm>> -> memref<1x1000xi32, #tpu.memory_space<hbm>>
      %dma_wait3A_654 = tpu.memref_squeeze %dma_wait3A_653 : memref<1x1000xi32, #tpu.memory_space<hbm>> -> memref<1000xi32, #tpu.memory_space<hbm>>
      %dma_wait3A_655 = arith.constant 1000 : i32
      %dma_wait3A_656 = tpu.memref_slice %arg5[%run_scoped3A_406, %dma_wait3A_655] : memref<2x2000xi32, #tpu.memory_space<vmem>> -> memref<1x1000xi32, #tpu.memory_space<vmem>>
      %dma_wait3A_657 = tpu.memref_squeeze %dma_wait3A_656 : memref<1x1000xi32, #tpu.memory_space<vmem>> -> memref<1000xi32, #tpu.memory_space<vmem>>
      %dma_wait3A_658 = tpu.memref_slice %arg3[%run_scoped3A_405, %add3A_402] : memref<2x320000xi32, #tpu.memory_space<hbm>> -> memref<1x1000xi32, #tpu.memory_space<hbm>>
      %dma_wait3A_659 = tpu.memref_squeeze %dma_wait3A_658 : memref<1x1000xi32, #tpu.memory_space<hbm>> -> memref<1000xi32, #tpu.memory_space<hbm>>
      tpu.wait_dma2 semaphore(%run_scoped3A_639 : memref<!tpu.dma_semaphore, #tpu.memory_space<semaphore_mem>>) src(%dma_wait3A_659 : memref<1000xi32, #tpu.memory_space<hbm>>) dst(%dma_wait3A_657 : memref<1000xi32, #tpu.memory_space<vmem>>)
      tpu.yield
    }) : () -> ()
    %dma_start3A_407 = arith.constant 1 : i32
    %dma_start3A_408 = arith.constant 1 : i32
    %dma_start3A_409 = arith.constant 0 : i32
    %dma_start3A_410 = arith.constant 0 : i32
    %dma_start3A_411 = tpu.memref_slice %arg6[%dma_start3A_408, %dma_start3A_409, %dma_start3A_410] : memref<2x2000x16xf32, #tpu.memory_space<vmem>> -> memref<1x2000x16xf32, #tpu.memory_space<vmem>>
    %dma_start3A_412 = tpu.memref_squeeze %dma_start3A_411 : memref<1x2000x16xf32, #tpu.memory_space<vmem>> -> memref<2000x16xf32, #tpu.memory_space<vmem>>
    %dma_start3A_413 = arith.constant 0 : i32
    %dma_start3A_414 = tpu.memref_slice %arg5[%dma_start3A_407, %dma_start3A_413] : memref<2x2000xi32, #tpu.memory_space<vmem>> -> memref<1x2000xi32, #tpu.memory_space<vmem>>
    %dma_start3A_415 = tpu.memref_squeeze %dma_start3A_414 : memref<1x2000xi32, #tpu.memory_space<vmem>> -> memref<2000xi32, #tpu.memory_space<vmem>>
    %dma_start3A_416 = arith.constant 0 : i32
    %dma_start3A_417 = arith.constant 0 : i32
    %dma_start3A_418 = tpu.memref_slice %arg2[%dma_start3A_416, %dma_start3A_417] : memref<10000x16xf32, #tpu.memory_space<hbm>> -> memref<10000x16xf32, #tpu.memory_space<hbm>>
    tpu.enqueue_indirect_dma source(%dma_start3A_418 : memref<10000x16xf32, #tpu.memory_space<hbm>>) target(%dma_start3A_412 : memref<2000x16xf32, #tpu.memory_space<vmem>>) offsets(%dma_start3A_415 : memref<2000xi32, #tpu.memory_space<vmem>>) semaphore(%arg8 : memref<!tpu.dma_semaphore, #tpu.memory_space<semaphore_mem>>)
    %dma_wait3A_419 = arith.constant 0 : i32
    %dma_wait3A_420 = arith.constant 0 : i32
    %dma_wait3A_421 = arith.constant 0 : i32
    %dma_wait3A_422 = arith.constant 0 : i32
    %dma_wait3A_423 = tpu.memref_slice %arg6[%dma_wait3A_420, %dma_wait3A_421, %dma_wait3A_422] : memref<2x2000x16xf32, #tpu.memory_space<vmem>> -> memref<1x2000x16xf32, #tpu.memory_space<vmem>>
    %dma_wait3A_424 = tpu.memref_squeeze %dma_wait3A_423 : memref<1x2000x16xf32, #tpu.memory_space<vmem>> -> memref<2000x16xf32, #tpu.memory_space<vmem>>
    %dma_wait3A_425 = arith.constant 0 : i32
    %dma_wait3A_426 = tpu.memref_slice %arg5[%dma_wait3A_419, %dma_wait3A_425] : memref<2x2000xi32, #tpu.memory_space<vmem>> -> memref<1x2000xi32, #tpu.memory_space<vmem>>
    %dma_wait3A_427 = tpu.memref_squeeze %dma_wait3A_426 : memref<1x2000xi32, #tpu.memory_space<vmem>> -> memref<2000xi32, #tpu.memory_space<vmem>>
    %dma_wait3A_428 = arith.constant 0 : i32
    %dma_wait3A_429 = arith.constant 0 : i32
    %dma_wait3A_430 = tpu.memref_slice %arg2[%dma_wait3A_428, %dma_wait3A_429] : memref<10000x16xf32, #tpu.memory_space<hbm>> -> memref<10000x16xf32, #tpu.memory_space<hbm>>
    tpu.wait_indirect_dma semaphore(%arg7 : memref<!tpu.dma_semaphore, #tpu.memory_space<semaphore_mem>>) src(%dma_wait3A_430 : memref<10000x16xf32, #tpu.memory_space<hbm>>) dst(%dma_wait3A_424 : memref<2000x16xf32, #tpu.memory_space<vmem>>)
    %scan3A_431 = arith.constant 0 : i32
    %scan3A_432 = arith.constant 0 : i32
    %scan3A_433 = arith.constant 1000 : i32
    %scan3A_434 = arith.addi %scan3A_432, %scan3A_433 : i32
    %scan3A_435 = arith.constant 1 : i32
    scf.for %scan3A_639 = %scan3A_432 to %scan3A_434 step %scan3A_435  : i32 {
      %get3A = arith.constant 0 : i32
      %get3A_640 = arith.index_cast %get3A : i32 to index
      %get3A_641 = arith.index_cast %scan3A_639 : i32 to index
      %get3A_642 = arith.constant 0 : index
      %get3A_643 = tpu.vector_load %arg6[%get3A_640, %get3A_641, %get3A_642] {strides = array<i32>} : memref<2x2000x16xf32, #tpu.memory_space<vmem>>, vector<1x1x16xf32>,
      %get3A_644 = vector.shape_cast %get3A_643 : vector<1x1x16xf32> to vector<16xf32>
      %add3A_645 = arith.constant 1000 : i32
      %add3A_646 = arith.addi %add3A_645, %scan3A_639 : i32
      %get3A_647 = arith.constant 0 : i32
      %get3A_648 = arith.index_cast %get3A_647 : i32 to index
      %get3A_649 = arith.index_cast %add3A_646 : i32 to index
      %get3A_650 = arith.constant 0 : index
      %get3A_651 = tpu.vector_load %arg6[%get3A_648, %get3A_649, %get3A_650] {strides = array<i32>} : memref<2x2000x16xf32, #tpu.memory_space<vmem>>, vector<1x1x16xf32>,
      %get3A_652 = vector.shape_cast %get3A_651 : vector<1x1x16xf32> to vector<16xf32>
      %add3A_653 = arith.addf %get3A_644, %get3A_652 : vector<16xf32>
      %swap3A = arith.constant 0 : i32
      %swap3A_654 = arith.index_cast %swap3A : i32 to index
      %swap3A_655 = arith.index_cast %scan3A_639 : i32 to index
      %swap3A_656 = arith.constant 0 : index
      %swap3A_657 = tpu.vector_load %arg6[%swap3A_654, %swap3A_655, %swap3A_656] {strides = array<i32>} : memref<2x2000x16xf32, #tpu.memory_space<vmem>>, vector<1x1x16xf32>,
      %swap3A_658 = vector.shape_cast %swap3A_657 : vector<1x1x16xf32> to vector<16xf32>
      %swap3A_659 = vector.shape_cast %add3A_653 : vector<16xf32> to vector<1x1x16xf32>
      tpu.vector_store %arg6[%swap3A_654, %swap3A_655, %swap3A_656], %swap3A_659 {strides = array<i32>} : memref<2x2000x16xf32, #tpu.memory_space<vmem>>, vector<1x1x16xf32>,
    }
    %scan3A_436 = arith.constant 1000 : i32
    %add3A_437 = arith.constant 6000 : i32
    %add3A_438 = arith.addi %mul3A_2, %add3A_437 : i32
    %dma_start3A_439 = arith.constant 0 : i32
    %dma_start3A_440 = arith.constant 0 : i32
    %dma_start3A_441 = arith.constant 0 : i32
    %dma_start3A_442 = tpu.memref_slice %arg6[%dma_start3A_439, %dma_start3A_440, %dma_start3A_441] : memref<2x2000x16xf32, #tpu.memory_space<vmem>> -> memref<1x1000x16xf32, #tpu.memory_space<vmem>>
    %dma_start3A_443 = tpu.memref_squeeze %dma_start3A_442 : memref<1x1000x16xf32, #tpu.memory_space<vmem>> -> memref<1000x16xf32, #tpu.memory_space<vmem>>
    %dma_start3A_444 = arith.constant 0 : i32
    %dma_start3A_445 = tpu.memref_slice %arg4[%add3A_438, %dma_start3A_444] : memref<320000x16xf32, #tpu.memory_space<hbm>> -> memref<1000x16xf32, #tpu.memory_space<hbm>>
    %dma_start3A_446 = arith.constant 0 : i32
    %dma_start3A_447 = tpu.memref_slice %arg4[%add3A_438, %dma_start3A_446] : memref<320000x16xf32, #tpu.memory_space<hbm>> -> memref<1000x16xf32, #tpu.memory_space<hbm>>
    %dma_start3A_448 = arith.constant 0 : i32
    %dma_start3A_449 = arith.constant 0 : i32
    %dma_start3A_450 = tpu.memref_slice %arg6[%dma_start3A_439, %dma_start3A_448, %dma_start3A_449] : memref<2x2000x16xf32, #tpu.memory_space<vmem>> -> memref<1x1000x16xf32, #tpu.memory_space<vmem>>
    %dma_start3A_451 = tpu.memref_squeeze %dma_start3A_450 : memref<1x1000x16xf32, #tpu.memory_space<vmem>> -> memref<1000x16xf32, #tpu.memory_space<vmem>>
    tpu.enqueue_dma source(%dma_start3A_451 : memref<1000x16xf32, #tpu.memory_space<vmem>>) target(%dma_start3A_447 : memref<1000x16xf32, #tpu.memory_space<hbm>>) target_semaphore(%arg9 : memref<!tpu.dma_semaphore, #tpu.memory_space<semaphore_mem>>)
    %dma_wait3A_452 = arith.constant 0 : i32
    %dma_wait3A_453 = arith.constant 0 : i32
    %dma_wait3A_454 = arith.constant 0 : i32
    %dma_wait3A_455 = tpu.memref_slice %arg6[%dma_wait3A_452, %dma_wait3A_453, %dma_wait3A_454] : memref<2x2000x16xf32, #tpu.memory_space<vmem>> -> memref<1x1000x16xf32, #tpu.memory_space<vmem>>
    %dma_wait3A_456 = tpu.memref_squeeze %dma_wait3A_455 : memref<1x1000x16xf32, #tpu.memory_space<vmem>> -> memref<1000x16xf32, #tpu.memory_space<vmem>>
    %dma_wait3A_457 = arith.constant 0 : i32
    %dma_wait3A_458 = tpu.memref_slice %arg4[%add3A_438, %dma_wait3A_457] : memref<320000x16xf32, #tpu.memory_space<hbm>> -> memref<1000x16xf32, #tpu.memory_space<hbm>>
    %dma_wait3A_459 = arith.constant 0 : i32
    %dma_wait3A_460 = tpu.memref_slice %arg4[%add3A_438, %dma_wait3A_459] : memref<320000x16xf32, #tpu.memory_space<hbm>> -> memref<1000x16xf32, #tpu.memory_space<hbm>>
    %dma_wait3A_461 = arith.constant 0 : i32
    %dma_wait3A_462 = arith.constant 0 : i32
    %dma_wait3A_463 = tpu.memref_slice %arg6[%dma_wait3A_452, %dma_wait3A_461, %dma_wait3A_462] : memref<2x2000x16xf32, #tpu.memory_space<vmem>> -> memref<1x1000x16xf32, #tpu.memory_space<vmem>>
    %dma_wait3A_464 = tpu.memref_squeeze %dma_wait3A_463 : memref<1x1000x16xf32, #tpu.memory_space<vmem>> -> memref<1000x16xf32, #tpu.memory_space<vmem>>
    tpu.wait_dma2 semaphore(%arg9 : memref<!tpu.dma_semaphore, #tpu.memory_space<semaphore_mem>>) src(%dma_wait3A_464 : memref<1000x16xf32, #tpu.memory_space<vmem>>) dst(%dma_wait3A_460 : memref<1000x16xf32, #tpu.memory_space<hbm>>)
    %add3A_465 = arith.constant 8000 : i32
    %add3A_466 = arith.addi %mul3A_2, %add3A_465 : i32
    %run_scoped3A_467 = arith.constant 0 : i32
    %run_scoped3A_468 = arith.constant 0 : i32
    "tpu.region"() ({
      %run_scoped3A_639 = tpu.sem_alloc : memref<!tpu.dma_semaphore, #tpu.memory_space<semaphore_mem>>
      %dma_start3A_640 = arith.constant 0 : i32
      %dma_start3A_641 = tpu.memref_slice %arg5[%run_scoped3A_468, %dma_start3A_640] : memref<2x2000xi32, #tpu.memory_space<vmem>> -> memref<1x1000xi32, #tpu.memory_space<vmem>>
      %dma_start3A_642 = tpu.memref_squeeze %dma_start3A_641 : memref<1x1000xi32, #tpu.memory_space<vmem>> -> memref<1000xi32, #tpu.memory_space<vmem>>
      %dma_start3A_643 = tpu.memref_slice %arg3[%run_scoped3A_467, %add3A_466] : memref<2x320000xi32, #tpu.memory_space<hbm>> -> memref<1x1000xi32, #tpu.memory_space<hbm>>
      %dma_start3A_644 = tpu.memref_squeeze %dma_start3A_643 : memref<1x1000xi32, #tpu.memory_space<hbm>> -> memref<1000xi32, #tpu.memory_space<hbm>>
      %dma_start3A_645 = arith.constant 0 : i32
      %dma_start3A_646 = tpu.memref_slice %arg5[%run_scoped3A_468, %dma_start3A_645] : memref<2x2000xi32, #tpu.memory_space<vmem>> -> memref<1x1000xi32, #tpu.memory_space<vmem>>
      %dma_start3A_647 = tpu.memref_squeeze %dma_start3A_646 : memref<1x1000xi32, #tpu.memory_space<vmem>> -> memref<1000xi32, #tpu.memory_space<vmem>>
      %dma_start3A_648 = tpu.memref_slice %arg3[%run_scoped3A_467, %add3A_466] : memref<2x320000xi32, #tpu.memory_space<hbm>> -> memref<1x1000xi32, #tpu.memory_space<hbm>>
      %dma_start3A_649 = tpu.memref_squeeze %dma_start3A_648 : memref<1x1000xi32, #tpu.memory_space<hbm>> -> memref<1000xi32, #tpu.memory_space<hbm>>
      tpu.enqueue_dma source(%dma_start3A_649 : memref<1000xi32, #tpu.memory_space<hbm>>) target(%dma_start3A_647 : memref<1000xi32, #tpu.memory_space<vmem>>) target_semaphore(%run_scoped3A_639 : memref<!tpu.dma_semaphore, #tpu.memory_space<semaphore_mem>>)
      %dma_wait3A_650 = arith.constant 0 : i32
      %dma_wait3A_651 = tpu.memref_slice %arg5[%run_scoped3A_468, %dma_wait3A_650] : memref<2x2000xi32, #tpu.memory_space<vmem>> -> memref<1x1000xi32, #tpu.memory_space<vmem>>
      %dma_wait3A_652 = tpu.memref_squeeze %dma_wait3A_651 : memref<1x1000xi32, #tpu.memory_space<vmem>> -> memref<1000xi32, #tpu.memory_space<vmem>>
      %dma_wait3A_653 = tpu.memref_slice %arg3[%run_scoped3A_467, %add3A_466] : memref<2x320000xi32, #tpu.memory_space<hbm>> -> memref<1x1000xi32, #tpu.memory_space<hbm>>
      %dma_wait3A_654 = tpu.memref_squeeze %dma_wait3A_653 : memref<1x1000xi32, #tpu.memory_space<hbm>> -> memref<1000xi32, #tpu.memory_space<hbm>>
      %dma_wait3A_655 = arith.constant 0 : i32
      %dma_wait3A_656 = tpu.memref_slice %arg5[%run_scoped3A_468, %dma_wait3A_655] : memref<2x2000xi32, #tpu.memory_space<vmem>> -> memref<1x1000xi32, #tpu.memory_space<vmem>>
      %dma_wait3A_657 = tpu.memref_squeeze %dma_wait3A_656 : memref<1x1000xi32, #tpu.memory_space<vmem>> -> memref<1000xi32, #tpu.memory_space<vmem>>
      %dma_wait3A_658 = tpu.memref_slice %arg3[%run_scoped3A_467, %add3A_466] : memref<2x320000xi32, #tpu.memory_space<hbm>> -> memref<1x1000xi32, #tpu.memory_space<hbm>>
      %dma_wait3A_659 = tpu.memref_squeeze %dma_wait3A_658 : memref<1x1000xi32, #tpu.memory_space<hbm>> -> memref<1000xi32, #tpu.memory_space<hbm>>
      tpu.wait_dma2 semaphore(%run_scoped3A_639 : memref<!tpu.dma_semaphore, #tpu.memory_space<semaphore_mem>>) src(%dma_wait3A_659 : memref<1000xi32, #tpu.memory_space<hbm>>) dst(%dma_wait3A_657 : memref<1000xi32, #tpu.memory_space<vmem>>)
      tpu.yield
    }) : () -> ()
    %run_scoped3A_469 = arith.constant 1 : i32
    %run_scoped3A_470 = arith.constant 0 : i32
    "tpu.region"() ({
      %run_scoped3A_639 = tpu.sem_alloc : memref<!tpu.dma_semaphore, #tpu.memory_space<semaphore_mem>>
      %dma_start3A_640 = arith.constant 1000 : i32
      %dma_start3A_641 = tpu.memref_slice %arg5[%run_scoped3A_470, %dma_start3A_640] : memref<2x2000xi32, #tpu.memory_space<vmem>> -> memref<1x1000xi32, #tpu.memory_space<vmem>>
      %dma_start3A_642 = tpu.memref_squeeze %dma_start3A_641 : memref<1x1000xi32, #tpu.memory_space<vmem>> -> memref<1000xi32, #tpu.memory_space<vmem>>
      %dma_start3A_643 = tpu.memref_slice %arg3[%run_scoped3A_469, %add3A_466] : memref<2x320000xi32, #tpu.memory_space<hbm>> -> memref<1x1000xi32, #tpu.memory_space<hbm>>
      %dma_start3A_644 = tpu.memref_squeeze %dma_start3A_643 : memref<1x1000xi32, #tpu.memory_space<hbm>> -> memref<1000xi32, #tpu.memory_space<hbm>>
      %dma_start3A_645 = arith.constant 1000 : i32
      %dma_start3A_646 = tpu.memref_slice %arg5[%run_scoped3A_470, %dma_start3A_645] : memref<2x2000xi32, #tpu.memory_space<vmem>> -> memref<1x1000xi32, #tpu.memory_space<vmem>>
      %dma_start3A_647 = tpu.memref_squeeze %dma_start3A_646 : memref<1x1000xi32, #tpu.memory_space<vmem>> -> memref<1000xi32, #tpu.memory_space<vmem>>
      %dma_start3A_648 = tpu.memref_slice %arg3[%run_scoped3A_469, %add3A_466] : memref<2x320000xi32, #tpu.memory_space<hbm>> -> memref<1x1000xi32, #tpu.memory_space<hbm>>
      %dma_start3A_649 = tpu.memref_squeeze %dma_start3A_648 : memref<1x1000xi32, #tpu.memory_space<hbm>> -> memref<1000xi32, #tpu.memory_space<hbm>>
      tpu.enqueue_dma source(%dma_start3A_649 : memref<1000xi32, #tpu.memory_space<hbm>>) target(%dma_start3A_647 : memref<1000xi32, #tpu.memory_space<vmem>>) target_semaphore(%run_scoped3A_639 : memref<!tpu.dma_semaphore, #tpu.memory_space<semaphore_mem>>)
      %dma_wait3A_650 = arith.constant 1000 : i32
      %dma_wait3A_651 = tpu.memref_slice %arg5[%run_scoped3A_470, %dma_wait3A_650] : memref<2x2000xi32, #tpu.memory_space<vmem>> -> memref<1x1000xi32, #tpu.memory_space<vmem>>
      %dma_wait3A_652 = tpu.memref_squeeze %dma_wait3A_651 : memref<1x1000xi32, #tpu.memory_space<vmem>> -> memref<1000xi32, #tpu.memory_space<vmem>>
      %dma_wait3A_653 = tpu.memref_slice %arg3[%run_scoped3A_469, %add3A_466] : memref<2x320000xi32, #tpu.memory_space<hbm>> -> memref<1x1000xi32, #tpu.memory_space<hbm>>
      %dma_wait3A_654 = tpu.memref_squeeze %dma_wait3A_653 : memref<1x1000xi32, #tpu.memory_space<hbm>> -> memref<1000xi32, #tpu.memory_space<hbm>>
      %dma_wait3A_655 = arith.constant 1000 : i32
      %dma_wait3A_656 = tpu.memref_slice %arg5[%run_scoped3A_470, %dma_wait3A_655] : memref<2x2000xi32, #tpu.memory_space<vmem>> -> memref<1x1000xi32, #tpu.memory_space<vmem>>
      %dma_wait3A_657 = tpu.memref_squeeze %dma_wait3A_656 : memref<1x1000xi32, #tpu.memory_space<vmem>> -> memref<1000xi32, #tpu.memory_space<vmem>>
      %dma_wait3A_658 = tpu.memref_slice %arg3[%run_scoped3A_469, %add3A_466] : memref<2x320000xi32, #tpu.memory_space<hbm>> -> memref<1x1000xi32, #tpu.memory_space<hbm>>
      %dma_wait3A_659 = tpu.memref_squeeze %dma_wait3A_658 : memref<1x1000xi32, #tpu.memory_space<hbm>> -> memref<1000xi32, #tpu.memory_space<hbm>>
      tpu.wait_dma2 semaphore(%run_scoped3A_639 : memref<!tpu.dma_semaphore, #tpu.memory_space<semaphore_mem>>) src(%dma_wait3A_659 : memref<1000xi32, #tpu.memory_space<hbm>>) dst(%dma_wait3A_657 : memref<1000xi32, #tpu.memory_space<vmem>>)
      tpu.yield
    }) : () -> ()
    %dma_start3A_471 = arith.constant 0 : i32
    %dma_start3A_472 = arith.constant 0 : i32
    %dma_start3A_473 = arith.constant 0 : i32
    %dma_start3A_474 = arith.constant 0 : i32
    %dma_start3A_475 = tpu.memref_slice %arg6[%dma_start3A_472, %dma_start3A_473, %dma_start3A_474] : memref<2x2000x16xf32, #tpu.memory_space<vmem>> -> memref<1x2000x16xf32, #tpu.memory_space<vmem>>
    %dma_start3A_476 = tpu.memref_squeeze %dma_start3A_475 : memref<1x2000x16xf32, #tpu.memory_space<vmem>> -> memref<2000x16xf32, #tpu.memory_space<vmem>>
    %dma_start3A_477 = arith.constant 0 : i32
    %dma_start3A_478 = tpu.memref_slice %arg5[%dma_start3A_471, %dma_start3A_477] : memref<2x2000xi32, #tpu.memory_space<vmem>> -> memref<1x2000xi32, #tpu.memory_space<vmem>>
    %dma_start3A_479 = tpu.memref_squeeze %dma_start3A_478 : memref<1x2000xi32, #tpu.memory_space<vmem>> -> memref<2000xi32, #tpu.memory_space<vmem>>
    %dma_start3A_480 = arith.constant 0 : i32
    %dma_start3A_481 = arith.constant 0 : i32
    %dma_start3A_482 = tpu.memref_slice %arg2[%dma_start3A_480, %dma_start3A_481] : memref<10000x16xf32, #tpu.memory_space<hbm>> -> memref<10000x16xf32, #tpu.memory_space<hbm>>
    tpu.enqueue_indirect_dma source(%dma_start3A_482 : memref<10000x16xf32, #tpu.memory_space<hbm>>) target(%dma_start3A_476 : memref<2000x16xf32, #tpu.memory_space<vmem>>) offsets(%dma_start3A_479 : memref<2000xi32, #tpu.memory_space<vmem>>) semaphore(%arg7 : memref<!tpu.dma_semaphore, #tpu.memory_space<semaphore_mem>>)
    %dma_wait3A_483 = arith.constant 1 : i32
    %dma_wait3A_484 = arith.constant 1 : i32
    %dma_wait3A_485 = arith.constant 0 : i32
    %dma_wait3A_486 = arith.constant 0 : i32
    %dma_wait3A_487 = tpu.memref_slice %arg6[%dma_wait3A_484, %dma_wait3A_485, %dma_wait3A_486] : memref<2x2000x16xf32, #tpu.memory_space<vmem>> -> memref<1x2000x16xf32, #tpu.memory_space<vmem>>
    %dma_wait3A_488 = tpu.memref_squeeze %dma_wait3A_487 : memref<1x2000x16xf32, #tpu.memory_space<vmem>> -> memref<2000x16xf32, #tpu.memory_space<vmem>>
    %dma_wait3A_489 = arith.constant 0 : i32
    %dma_wait3A_490 = tpu.memref_slice %arg5[%dma_wait3A_483, %dma_wait3A_489] : memref<2x2000xi32, #tpu.memory_space<vmem>> -> memref<1x2000xi32, #tpu.memory_space<vmem>>
    %dma_wait3A_491 = tpu.memref_squeeze %dma_wait3A_490 : memref<1x2000xi32, #tpu.memory_space<vmem>> -> memref<2000xi32, #tpu.memory_space<vmem>>
    %dma_wait3A_492 = arith.constant 0 : i32
    %dma_wait3A_493 = arith.constant 0 : i32
    %dma_wait3A_494 = tpu.memref_slice %arg2[%dma_wait3A_492, %dma_wait3A_493] : memref<10000x16xf32, #tpu.memory_space<hbm>> -> memref<10000x16xf32, #tpu.memory_space<hbm>>
    tpu.wait_indirect_dma semaphore(%arg8 : memref<!tpu.dma_semaphore, #tpu.memory_space<semaphore_mem>>) src(%dma_wait3A_494 : memref<10000x16xf32, #tpu.memory_space<hbm>>) dst(%dma_wait3A_488 : memref<2000x16xf32, #tpu.memory_space<vmem>>)
    %scan3A_495 = arith.constant 0 : i32
    %scan3A_496 = arith.constant 0 : i32
    %scan3A_497 = arith.constant 1000 : i32
    %scan3A_498 = arith.addi %scan3A_496, %scan3A_497 : i32
    %scan3A_499 = arith.constant 1 : i32
    scf.for %scan3A_639 = %scan3A_496 to %scan3A_498 step %scan3A_499  : i32 {
      %get3A = arith.constant 1 : i32
      %get3A_640 = arith.index_cast %get3A : i32 to index
      %get3A_641 = arith.index_cast %scan3A_639 : i32 to index
      %get3A_642 = arith.constant 0 : index
      %get3A_643 = tpu.vector_load %arg6[%get3A_640, %get3A_641, %get3A_642] {strides = array<i32>} : memref<2x2000x16xf32, #tpu.memory_space<vmem>>, vector<1x1x16xf32>,
      %get3A_644 = vector.shape_cast %get3A_643 : vector<1x1x16xf32> to vector<16xf32>
      %add3A_645 = arith.constant 1000 : i32
      %add3A_646 = arith.addi %add3A_645, %scan3A_639 : i32
      %get3A_647 = arith.constant 1 : i32
      %get3A_648 = arith.index_cast %get3A_647 : i32 to index
      %get3A_649 = arith.index_cast %add3A_646 : i32 to index
      %get3A_650 = arith.constant 0 : index
      %get3A_651 = tpu.vector_load %arg6[%get3A_648, %get3A_649, %get3A_650] {strides = array<i32>} : memref<2x2000x16xf32, #tpu.memory_space<vmem>>, vector<1x1x16xf32>,
      %get3A_652 = vector.shape_cast %get3A_651 : vector<1x1x16xf32> to vector<16xf32>
      %add3A_653 = arith.addf %get3A_644, %get3A_652 : vector<16xf32>
      %swap3A = arith.constant 1 : i32
      %swap3A_654 = arith.index_cast %swap3A : i32 to index
      %swap3A_655 = arith.index_cast %scan3A_639 : i32 to index
      %swap3A_656 = arith.constant 0 : index
      %swap3A_657 = tpu.vector_load %arg6[%swap3A_654, %swap3A_655, %swap3A_656] {strides = array<i32>} : memref<2x2000x16xf32, #tpu.memory_space<vmem>>, vector<1x1x16xf32>,
      %swap3A_658 = vector.shape_cast %swap3A_657 : vector<1x1x16xf32> to vector<16xf32>
      %swap3A_659 = vector.shape_cast %add3A_653 : vector<16xf32> to vector<1x1x16xf32>
      tpu.vector_store %arg6[%swap3A_654, %swap3A_655, %swap3A_656], %swap3A_659 {strides = array<i32>} : memref<2x2000x16xf32, #tpu.memory_space<vmem>>, vector<1x1x16xf32>,
    }
    %scan3A_500 = arith.constant 1000 : i32
    %add3A_501 = arith.constant 7000 : i32
    %add3A_502 = arith.addi %mul3A_2, %add3A_501 : i32
    %dma_start3A_503 = arith.constant 1 : i32
    %dma_start3A_504 = arith.constant 0 : i32
    %dma_start3A_505 = arith.constant 0 : i32
    %dma_start3A_506 = tpu.memref_slice %arg6[%dma_start3A_503, %dma_start3A_504, %dma_start3A_505] : memref<2x2000x16xf32, #tpu.memory_space<vmem>> -> memref<1x1000x16xf32, #tpu.memory_space<vmem>>
    %dma_start3A_507 = tpu.memref_squeeze %dma_start3A_506 : memref<1x1000x16xf32, #tpu.memory_space<vmem>> -> memref<1000x16xf32, #tpu.memory_space<vmem>>
    %dma_start3A_508 = arith.constant 0 : i32
    %dma_start3A_509 = tpu.memref_slice %arg4[%add3A_502, %dma_start3A_508] : memref<320000x16xf32, #tpu.memory_space<hbm>> -> memref<1000x16xf32, #tpu.memory_space<hbm>>
    %dma_start3A_510 = arith.constant 0 : i32
    %dma_start3A_511 = tpu.memref_slice %arg4[%add3A_502, %dma_start3A_510] : memref<320000x16xf32, #tpu.memory_space<hbm>> -> memref<1000x16xf32, #tpu.memory_space<hbm>>
    %dma_start3A_512 = arith.constant 0 : i32
    %dma_start3A_513 = arith.constant 0 : i32
    %dma_start3A_514 = tpu.memref_slice %arg6[%dma_start3A_503, %dma_start3A_512, %dma_start3A_513] : memref<2x2000x16xf32, #tpu.memory_space<vmem>> -> memref<1x1000x16xf32, #tpu.memory_space<vmem>>
    %dma_start3A_515 = tpu.memref_squeeze %dma_start3A_514 : memref<1x1000x16xf32, #tpu.memory_space<vmem>> -> memref<1000x16xf32, #tpu.memory_space<vmem>>
    tpu.enqueue_dma source(%dma_start3A_515 : memref<1000x16xf32, #tpu.memory_space<vmem>>) target(%dma_start3A_511 : memref<1000x16xf32, #tpu.memory_space<hbm>>) target_semaphore(%arg10 : memref<!tpu.dma_semaphore, #tpu.memory_space<semaphore_mem>>)
    %dma_wait3A_516 = arith.constant 1 : i32
    %dma_wait3A_517 = arith.constant 0 : i32
    %dma_wait3A_518 = arith.constant 0 : i32
    %dma_wait3A_519 = tpu.memref_slice %arg6[%dma_wait3A_516, %dma_wait3A_517, %dma_wait3A_518] : memref<2x2000x16xf32, #tpu.memory_space<vmem>> -> memref<1x1000x16xf32, #tpu.memory_space<vmem>>
    %dma_wait3A_520 = tpu.memref_squeeze %dma_wait3A_519 : memref<1x1000x16xf32, #tpu.memory_space<vmem>> -> memref<1000x16xf32, #tpu.memory_space<vmem>>
    %dma_wait3A_521 = arith.constant 0 : i32
    %dma_wait3A_522 = tpu.memref_slice %arg4[%add3A_502, %dma_wait3A_521] : memref<320000x16xf32, #tpu.memory_space<hbm>> -> memref<1000x16xf32, #tpu.memory_space<hbm>>
    %dma_wait3A_523 = arith.constant 0 : i32
    %dma_wait3A_524 = tpu.memref_slice %arg4[%add3A_502, %dma_wait3A_523] : memref<320000x16xf32, #tpu.memory_space<hbm>> -> memref<1000x16xf32, #tpu.memory_space<hbm>>
    %dma_wait3A_525 = arith.constant 0 : i32
    %dma_wait3A_526 = arith.constant 0 : i32
    %dma_wait3A_527 = tpu.memref_slice %arg6[%dma_wait3A_516, %dma_wait3A_525, %dma_wait3A_526] : memref<2x2000x16xf32, #tpu.memory_space<vmem>> -> memref<1x1000x16xf32, #tpu.memory_space<vmem>>
    %dma_wait3A_528 = tpu.memref_squeeze %dma_wait3A_527 : memref<1x1000x16xf32, #tpu.memory_space<vmem>> -> memref<1000x16xf32, #tpu.memory_space<vmem>>
    tpu.wait_dma2 semaphore(%arg10 : memref<!tpu.dma_semaphore, #tpu.memory_space<semaphore_mem>>) src(%dma_wait3A_528 : memref<1000x16xf32, #tpu.memory_space<vmem>>) dst(%dma_wait3A_524 : memref<1000x16xf32, #tpu.memory_space<hbm>>)
    %add3A_529 = arith.constant 9000 : i32
    %add3A_530 = arith.addi %mul3A_2, %add3A_529 : i32
    %run_scoped3A_531 = arith.constant 0 : i32
    %run_scoped3A_532 = arith.constant 1 : i32
    "tpu.region"() ({
      %run_scoped3A_639 = tpu.sem_alloc : memref<!tpu.dma_semaphore, #tpu.memory_space<semaphore_mem>>
      %dma_start3A_640 = arith.constant 0 : i32
      %dma_start3A_641 = tpu.memref_slice %arg5[%run_scoped3A_532, %dma_start3A_640] : memref<2x2000xi32, #tpu.memory_space<vmem>> -> memref<1x1000xi32, #tpu.memory_space<vmem>>
      %dma_start3A_642 = tpu.memref_squeeze %dma_start3A_641 : memref<1x1000xi32, #tpu.memory_space<vmem>> -> memref<1000xi32, #tpu.memory_space<vmem>>
      %dma_start3A_643 = tpu.memref_slice %arg3[%run_scoped3A_531, %add3A_530] : memref<2x320000xi32, #tpu.memory_space<hbm>> -> memref<1x1000xi32, #tpu.memory_space<hbm>>
      %dma_start3A_644 = tpu.memref_squeeze %dma_start3A_643 : memref<1x1000xi32, #tpu.memory_space<hbm>> -> memref<1000xi32, #tpu.memory_space<hbm>>
      %dma_start3A_645 = arith.constant 0 : i32
      %dma_start3A_646 = tpu.memref_slice %arg5[%run_scoped3A_532, %dma_start3A_645] : memref<2x2000xi32, #tpu.memory_space<vmem>> -> memref<1x1000xi32, #tpu.memory_space<vmem>>
      %dma_start3A_647 = tpu.memref_squeeze %dma_start3A_646 : memref<1x1000xi32, #tpu.memory_space<vmem>> -> memref<1000xi32, #tpu.memory_space<vmem>>
      %dma_start3A_648 = tpu.memref_slice %arg3[%run_scoped3A_531, %add3A_530] : memref<2x320000xi32, #tpu.memory_space<hbm>> -> memref<1x1000xi32, #tpu.memory_space<hbm>>
      %dma_start3A_649 = tpu.memref_squeeze %dma_start3A_648 : memref<1x1000xi32, #tpu.memory_space<hbm>> -> memref<1000xi32, #tpu.memory_space<hbm>>
      tpu.enqueue_dma source(%dma_start3A_649 : memref<1000xi32, #tpu.memory_space<hbm>>) target(%dma_start3A_647 : memref<1000xi32, #tpu.memory_space<vmem>>) target_semaphore(%run_scoped3A_639 : memref<!tpu.dma_semaphore, #tpu.memory_space<semaphore_mem>>)
      %dma_wait3A_650 = arith.constant 0 : i32
      %dma_wait3A_651 = tpu.memref_slice %arg5[%run_scoped3A_532, %dma_wait3A_650] : memref<2x2000xi32, #tpu.memory_space<vmem>> -> memref<1x1000xi32, #tpu.memory_space<vmem>>
      %dma_wait3A_652 = tpu.memref_squeeze %dma_wait3A_651 : memref<1x1000xi32, #tpu.memory_space<vmem>> -> memref<1000xi32, #tpu.memory_space<vmem>>
      %dma_wait3A_653 = tpu.memref_slice %arg3[%run_scoped3A_531, %add3A_530] : memref<2x320000xi32, #tpu.memory_space<hbm>> -> memref<1x1000xi32, #tpu.memory_space<hbm>>
      %dma_wait3A_654 = tpu.memref_squeeze %dma_wait3A_653 : memref<1x1000xi32, #tpu.memory_space<hbm>> -> memref<1000xi32, #tpu.memory_space<hbm>>
      %dma_wait3A_655 = arith.constant 0 : i32
      %dma_wait3A_656 = tpu.memref_slice %arg5[%run_scoped3A_532, %dma_wait3A_655] : memref<2x2000xi32, #tpu.memory_space<vmem>> -> memref<1x1000xi32, #tpu.memory_space<vmem>>
      %dma_wait3A_657 = tpu.memref_squeeze %dma_wait3A_656 : memref<1x1000xi32, #tpu.memory_space<vmem>> -> memref<1000xi32, #tpu.memory_space<vmem>>
      %dma_wait3A_658 = tpu.memref_slice %arg3[%run_scoped3A_531, %add3A_530] : memref<2x320000xi32, #tpu.memory_space<hbm>> -> memref<1x1000xi32, #tpu.memory_space<hbm>>
      %dma_wait3A_659 = tpu.memref_squeeze %dma_wait3A_658 : memref<1x1000xi32, #tpu.memory_space<hbm>> -> memref<1000xi32, #tpu.memory_space<hbm>>
      tpu.wait_dma2 semaphore(%run_scoped3A_639 : memref<!tpu.dma_semaphore, #tpu.memory_space<semaphore_mem>>) src(%dma_wait3A_659 : memref<1000xi32, #tpu.memory_space<hbm>>) dst(%dma_wait3A_657 : memref<1000xi32, #tpu.memory_space<vmem>>)
      tpu.yield
    }) : () -> ()
    %run_scoped3A_533 = arith.constant 1 : i32
    %run_scoped3A_534 = arith.constant 1 : i32
    "tpu.region"() ({
      %run_scoped3A_639 = tpu.sem_alloc : memref<!tpu.dma_semaphore, #tpu.memory_space<semaphore_mem>>
      %dma_start3A_640 = arith.constant 1000 : i32
      %dma_start3A_641 = tpu.memref_slice %arg5[%run_scoped3A_534, %dma_start3A_640] : memref<2x2000xi32, #tpu.memory_space<vmem>> -> memref<1x1000xi32, #tpu.memory_space<vmem>>
      %dma_start3A_642 = tpu.memref_squeeze %dma_start3A_641 : memref<1x1000xi32, #tpu.memory_space<vmem>> -> memref<1000xi32, #tpu.memory_space<vmem>>
      %dma_start3A_643 = tpu.memref_slice %arg3[%run_scoped3A_533, %add3A_530] : memref<2x320000xi32, #tpu.memory_space<hbm>> -> memref<1x1000xi32, #tpu.memory_space<hbm>>
      %dma_start3A_644 = tpu.memref_squeeze %dma_start3A_643 : memref<1x1000xi32, #tpu.memory_space<hbm>> -> memref<1000xi32, #tpu.memory_space<hbm>>
      %dma_start3A_645 = arith.constant 1000 : i32
      %dma_start3A_646 = tpu.memref_slice %arg5[%run_scoped3A_534, %dma_start3A_645] : memref<2x2000xi32, #tpu.memory_space<vmem>> -> memref<1x1000xi32, #tpu.memory_space<vmem>>
      %dma_start3A_647 = tpu.memref_squeeze %dma_start3A_646 : memref<1x1000xi32, #tpu.memory_space<vmem>> -> memref<1000xi32, #tpu.memory_space<vmem>>
      %dma_start3A_648 = tpu.memref_slice %arg3[%run_scoped3A_533, %add3A_530] : memref<2x320000xi32, #tpu.memory_space<hbm>> -> memref<1x1000xi32, #tpu.memory_space<hbm>>
      %dma_start3A_649 = tpu.memref_squeeze %dma_start3A_648 : memref<1x1000xi32, #tpu.memory_space<hbm>> -> memref<1000xi32, #tpu.memory_space<hbm>>
      tpu.enqueue_dma source(%dma_start3A_649 : memref<1000xi32, #tpu.memory_space<hbm>>) target(%dma_start3A_647 : memref<1000xi32, #tpu.memory_space<vmem>>) target_semaphore(%run_scoped3A_639 : memref<!tpu.dma_semaphore, #tpu.memory_space<semaphore_mem>>)
      %dma_wait3A_650 = arith.constant 1000 : i32
      %dma_wait3A_651 = tpu.memref_slice %arg5[%run_scoped3A_534, %dma_wait3A_650] : memref<2x2000xi32, #tpu.memory_space<vmem>> -> memref<1x1000xi32, #tpu.memory_space<vmem>>
      %dma_wait3A_652 = tpu.memref_squeeze %dma_wait3A_651 : memref<1x1000xi32, #tpu.memory_space<vmem>> -> memref<1000xi32, #tpu.memory_space<vmem>>
      %dma_wait3A_653 = tpu.memref_slice %arg3[%run_scoped3A_533, %add3A_530] : memref<2x320000xi32, #tpu.memory_space<hbm>> -> memref<1x1000xi32, #tpu.memory_space<hbm>>
      %dma_wait3A_654 = tpu.memref_squeeze %dma_wait3A_653 : memref<1x1000xi32, #tpu.memory_space<hbm>> -> memref<1000xi32, #tpu.memory_space<hbm>>
      %dma_wait3A_655 = arith.constant 1000 : i32
      %dma_wait3A_656 = tpu.memref_slice %arg5[%run_scoped3A_534, %dma_wait3A_655] : memref<2x2000xi32, #tpu.memory_space<vmem>> -> memref<1x1000xi32, #tpu.memory_space<vmem>>
      %dma_wait3A_657 = tpu.memref_squeeze %dma_wait3A_656 : memref<1x1000xi32, #tpu.memory_space<vmem>> -> memref<1000xi32, #tpu.memory_space<vmem>>
      %dma_wait3A_658 = tpu.memref_slice %arg3[%run_scoped3A_533, %add3A_530] : memref<2x320000xi32, #tpu.memory_space<hbm>> -> memref<1x1000xi32, #tpu.memory_space<hbm>>
      %dma_wait3A_659 = tpu.memref_squeeze %dma_wait3A_658 : memref<1x1000xi32, #tpu.memory_space<hbm>> -> memref<1000xi32, #tpu.memory_space<hbm>>
      tpu.wait_dma2 semaphore(%run_scoped3A_639 : memref<!tpu.dma_semaphore, #tpu.memory_space<semaphore_mem>>) src(%dma_wait3A_659 : memref<1000xi32, #tpu.memory_space<hbm>>) dst(%dma_wait3A_657 : memref<1000xi32, #tpu.memory_space<vmem>>)
      tpu.yield
    }) : () -> ()
    %dma_start3A_535 = arith.constant 1 : i32
    %dma_start3A_536 = arith.constant 1 : i32
    %dma_start3A_537 = arith.constant 0 : i32
    %dma_start3A_538 = arith.constant 0 : i32
    %dma_start3A_539 = tpu.memref_slice %arg6[%dma_start3A_536, %dma_start3A_537, %dma_start3A_538] : memref<2x2000x16xf32, #tpu.memory_space<vmem>> -> memref<1x2000x16xf32, #tpu.memory_space<vmem>>
    %dma_start3A_540 = tpu.memref_squeeze %dma_start3A_539 : memref<1x2000x16xf32, #tpu.memory_space<vmem>> -> memref<2000x16xf32, #tpu.memory_space<vmem>>
    %dma_start3A_541 = arith.constant 0 : i32
    %dma_start3A_542 = tpu.memref_slice %arg5[%dma_start3A_535, %dma_start3A_541] : memref<2x2000xi32, #tpu.memory_space<vmem>> -> memref<1x2000xi32, #tpu.memory_space<vmem>>
    %dma_start3A_543 = tpu.memref_squeeze %dma_start3A_542 : memref<1x2000xi32, #tpu.memory_space<vmem>> -> memref<2000xi32, #tpu.memory_space<vmem>>
    %dma_start3A_544 = arith.constant 0 : i32
    %dma_start3A_545 = arith.constant 0 : i32
    %dma_start3A_546 = tpu.memref_slice %arg2[%dma_start3A_544, %dma_start3A_545] : memref<10000x16xf32, #tpu.memory_space<hbm>> -> memref<10000x16xf32, #tpu.memory_space<hbm>>
    tpu.enqueue_indirect_dma source(%dma_start3A_546 : memref<10000x16xf32, #tpu.memory_space<hbm>>) target(%dma_start3A_540 : memref<2000x16xf32, #tpu.memory_space<vmem>>) offsets(%dma_start3A_543 : memref<2000xi32, #tpu.memory_space<vmem>>) semaphore(%arg8 : memref<!tpu.dma_semaphore, #tpu.memory_space<semaphore_mem>>)
    %dma_wait3A_547 = arith.constant 0 : i32
    %dma_wait3A_548 = arith.constant 0 : i32
    %dma_wait3A_549 = arith.constant 0 : i32
    %dma_wait3A_550 = arith.constant 0 : i32
    %dma_wait3A_551 = tpu.memref_slice %arg6[%dma_wait3A_548, %dma_wait3A_549, %dma_wait3A_550] : memref<2x2000x16xf32, #tpu.memory_space<vmem>> -> memref<1x2000x16xf32, #tpu.memory_space<vmem>>
    %dma_wait3A_552 = tpu.memref_squeeze %dma_wait3A_551 : memref<1x2000x16xf32, #tpu.memory_space<vmem>> -> memref<2000x16xf32, #tpu.memory_space<vmem>>
    %dma_wait3A_553 = arith.constant 0 : i32
    %dma_wait3A_554 = tpu.memref_slice %arg5[%dma_wait3A_547, %dma_wait3A_553] : memref<2x2000xi32, #tpu.memory_space<vmem>> -> memref<1x2000xi32, #tpu.memory_space<vmem>>
    %dma_wait3A_555 = tpu.memref_squeeze %dma_wait3A_554 : memref<1x2000xi32, #tpu.memory_space<vmem>> -> memref<2000xi32, #tpu.memory_space<vmem>>
    %dma_wait3A_556 = arith.constant 0 : i32
    %dma_wait3A_557 = arith.constant 0 : i32
    %dma_wait3A_558 = tpu.memref_slice %arg2[%dma_wait3A_556, %dma_wait3A_557] : memref<10000x16xf32, #tpu.memory_space<hbm>> -> memref<10000x16xf32, #tpu.memory_space<hbm>>
    tpu.wait_indirect_dma semaphore(%arg7 : memref<!tpu.dma_semaphore, #tpu.memory_space<semaphore_mem>>) src(%dma_wait3A_558 : memref<10000x16xf32, #tpu.memory_space<hbm>>) dst(%dma_wait3A_552 : memref<2000x16xf32, #tpu.memory_space<vmem>>)
    %scan3A_559 = arith.constant 0 : i32
    %scan3A_560 = arith.constant 0 : i32
    %scan3A_561 = arith.constant 1000 : i32
    %scan3A_562 = arith.addi %scan3A_560, %scan3A_561 : i32
    %scan3A_563 = arith.constant 1 : i32
    scf.for %scan3A_639 = %scan3A_560 to %scan3A_562 step %scan3A_563  : i32 {
      %get3A = arith.constant 0 : i32
      %get3A_640 = arith.index_cast %get3A : i32 to index
      %get3A_641 = arith.index_cast %scan3A_639 : i32 to index
      %get3A_642 = arith.constant 0 : index
      %get3A_643 = tpu.vector_load %arg6[%get3A_640, %get3A_641, %get3A_642] {strides = array<i32>} : memref<2x2000x16xf32, #tpu.memory_space<vmem>>, vector<1x1x16xf32>,
      %get3A_644 = vector.shape_cast %get3A_643 : vector<1x1x16xf32> to vector<16xf32>
      %add3A_645 = arith.constant 1000 : i32
      %add3A_646 = arith.addi %add3A_645, %scan3A_639 : i32
      %get3A_647 = arith.constant 0 : i32
      %get3A_648 = arith.index_cast %get3A_647 : i32 to index
      %get3A_649 = arith.index_cast %add3A_646 : i32 to index
      %get3A_650 = arith.constant 0 : index
      %get3A_651 = tpu.vector_load %arg6[%get3A_648, %get3A_649, %get3A_650] {strides = array<i32>} : memref<2x2000x16xf32, #tpu.memory_space<vmem>>, vector<1x1x16xf32>,
      %get3A_652 = vector.shape_cast %get3A_651 : vector<1x1x16xf32> to vector<16xf32>
      %add3A_653 = arith.addf %get3A_644, %get3A_652 : vector<16xf32>
      %swap3A = arith.constant 0 : i32
      %swap3A_654 = arith.index_cast %swap3A : i32 to index
      %swap3A_655 = arith.index_cast %scan3A_639 : i32 to index
      %swap3A_656 = arith.constant 0 : index
      %swap3A_657 = tpu.vector_load %arg6[%swap3A_654, %swap3A_655, %swap3A_656] {strides = array<i32>} : memref<2x2000x16xf32, #tpu.memory_space<vmem>>, vector<1x1x16xf32>,
      %swap3A_658 = vector.shape_cast %swap3A_657 : vector<1x1x16xf32> to vector<16xf32>
      %swap3A_659 = vector.shape_cast %add3A_653 : vector<16xf32> to vector<1x1x16xf32>
      tpu.vector_store %arg6[%swap3A_654, %swap3A_655, %swap3A_656], %swap3A_659 {strides = array<i32>} : memref<2x2000x16xf32, #tpu.memory_space<vmem>>, vector<1x1x16xf32>,
    }
    %scan3A_564 = arith.constant 1000 : i32
    %add3A_565 = arith.constant 8000 : i32
    %add3A_566 = arith.addi %mul3A_2, %add3A_565 : i32
    %dma_start3A_567 = arith.constant 0 : i32
    %dma_start3A_568 = arith.constant 0 : i32
    %dma_start3A_569 = arith.constant 0 : i32
    %dma_start3A_570 = tpu.memref_slice %arg6[%dma_start3A_567, %dma_start3A_568, %dma_start3A_569] : memref<2x2000x16xf32, #tpu.memory_space<vmem>> -> memref<1x1000x16xf32, #tpu.memory_space<vmem>>
    %dma_start3A_571 = tpu.memref_squeeze %dma_start3A_570 : memref<1x1000x16xf32, #tpu.memory_space<vmem>> -> memref<1000x16xf32, #tpu.memory_space<vmem>>
    %dma_start3A_572 = arith.constant 0 : i32
    %dma_start3A_573 = tpu.memref_slice %arg4[%add3A_566, %dma_start3A_572] : memref<320000x16xf32, #tpu.memory_space<hbm>> -> memref<1000x16xf32, #tpu.memory_space<hbm>>
    %dma_start3A_574 = arith.constant 0 : i32
    %dma_start3A_575 = tpu.memref_slice %arg4[%add3A_566, %dma_start3A_574] : memref<320000x16xf32, #tpu.memory_space<hbm>> -> memref<1000x16xf32, #tpu.memory_space<hbm>>
    %dma_start3A_576 = arith.constant 0 : i32
    %dma_start3A_577 = arith.constant 0 : i32
    %dma_start3A_578 = tpu.memref_slice %arg6[%dma_start3A_567, %dma_start3A_576, %dma_start3A_577] : memref<2x2000x16xf32, #tpu.memory_space<vmem>> -> memref<1x1000x16xf32, #tpu.memory_space<vmem>>
    %dma_start3A_579 = tpu.memref_squeeze %dma_start3A_578 : memref<1x1000x16xf32, #tpu.memory_space<vmem>> -> memref<1000x16xf32, #tpu.memory_space<vmem>>
    tpu.enqueue_dma source(%dma_start3A_579 : memref<1000x16xf32, #tpu.memory_space<vmem>>) target(%dma_start3A_575 : memref<1000x16xf32, #tpu.memory_space<hbm>>) target_semaphore(%arg9 : memref<!tpu.dma_semaphore, #tpu.memory_space<semaphore_mem>>)
    %dma_wait3A_580 = arith.constant 1 : i32
    %dma_wait3A_581 = arith.constant 1 : i32
    %dma_wait3A_582 = arith.constant 0 : i32
    %dma_wait3A_583 = arith.constant 0 : i32
    %dma_wait3A_584 = tpu.memref_slice %arg6[%dma_wait3A_581, %dma_wait3A_582, %dma_wait3A_583] : memref<2x2000x16xf32, #tpu.memory_space<vmem>> -> memref<1x2000x16xf32, #tpu.memory_space<vmem>>
    %dma_wait3A_585 = tpu.memref_squeeze %dma_wait3A_584 : memref<1x2000x16xf32, #tpu.memory_space<vmem>> -> memref<2000x16xf32, #tpu.memory_space<vmem>>
    %dma_wait3A_586 = arith.constant 0 : i32
    %dma_wait3A_587 = tpu.memref_slice %arg5[%dma_wait3A_580, %dma_wait3A_586] : memref<2x2000xi32, #tpu.memory_space<vmem>> -> memref<1x2000xi32, #tpu.memory_space<vmem>>
    %dma_wait3A_588 = tpu.memref_squeeze %dma_wait3A_587 : memref<1x2000xi32, #tpu.memory_space<vmem>> -> memref<2000xi32, #tpu.memory_space<vmem>>
    %dma_wait3A_589 = arith.constant 0 : i32
    %dma_wait3A_590 = arith.constant 0 : i32
    %dma_wait3A_591 = tpu.memref_slice %arg2[%dma_wait3A_589, %dma_wait3A_590] : memref<10000x16xf32, #tpu.memory_space<hbm>> -> memref<10000x16xf32, #tpu.memory_space<hbm>>
    tpu.wait_indirect_dma semaphore(%arg8 : memref<!tpu.dma_semaphore, #tpu.memory_space<semaphore_mem>>) src(%dma_wait3A_591 : memref<10000x16xf32, #tpu.memory_space<hbm>>) dst(%dma_wait3A_585 : memref<2000x16xf32, #tpu.memory_space<vmem>>)
    %scan3A_592 = arith.constant 0 : i32
    %scan3A_593 = arith.constant 0 : i32
    %scan3A_594 = arith.constant 1000 : i32
    %scan3A_595 = arith.addi %scan3A_593, %scan3A_594 : i32
    %scan3A_596 = arith.constant 1 : i32
    scf.for %scan3A_639 = %scan3A_593 to %scan3A_595 step %scan3A_596  : i32 {
      %get3A = arith.constant 1 : i32
      %get3A_640 = arith.index_cast %get3A : i32 to index
      %get3A_641 = arith.index_cast %scan3A_639 : i32 to index
      %get3A_642 = arith.constant 0 : index
      %get3A_643 = tpu.vector_load %arg6[%get3A_640, %get3A_641, %get3A_642] {strides = array<i32>} : memref<2x2000x16xf32, #tpu.memory_space<vmem>>, vector<1x1x16xf32>,
      %get3A_644 = vector.shape_cast %get3A_643 : vector<1x1x16xf32> to vector<16xf32>
      %add3A_645 = arith.constant 1000 : i32
      %add3A_646 = arith.addi %add3A_645, %scan3A_639 : i32
      %get3A_647 = arith.constant 1 : i32
      %get3A_648 = arith.index_cast %get3A_647 : i32 to index
      %get3A_649 = arith.index_cast %add3A_646 : i32 to index
      %get3A_650 = arith.constant 0 : index
      %get3A_651 = tpu.vector_load %arg6[%get3A_648, %get3A_649, %get3A_650] {strides = array<i32>} : memref<2x2000x16xf32, #tpu.memory_space<vmem>>, vector<1x1x16xf32>,
      %get3A_652 = vector.shape_cast %get3A_651 : vector<1x1x16xf32> to vector<16xf32>
      %add3A_653 = arith.addf %get3A_644, %get3A_652 : vector<16xf32>
      %swap3A = arith.constant 1 : i32
      %swap3A_654 = arith.index_cast %swap3A : i32 to index
      %swap3A_655 = arith.index_cast %scan3A_639 : i32 to index
      %swap3A_656 = arith.constant 0 : index
      %swap3A_657 = tpu.vector_load %arg6[%swap3A_654, %swap3A_655, %swap3A_656] {strides = array<i32>} : memref<2x2000x16xf32, #tpu.memory_space<vmem>>, vector<1x1x16xf32>,
      %swap3A_658 = vector.shape_cast %swap3A_657 : vector<1x1x16xf32> to vector<16xf32>
      %swap3A_659 = vector.shape_cast %add3A_653 : vector<16xf32> to vector<1x1x16xf32>
      tpu.vector_store %arg6[%swap3A_654, %swap3A_655, %swap3A_656], %swap3A_659 {strides = array<i32>} : memref<2x2000x16xf32, #tpu.memory_space<vmem>>, vector<1x1x16xf32>,
    }
    %scan3A_597 = arith.constant 1000 : i32
    %add3A_598 = arith.constant 9000 : i32
    %add3A_599 = arith.addi %mul3A_2, %add3A_598 : i32
    %dma_start3A_600 = arith.constant 1 : i32
    %dma_start3A_601 = arith.constant 0 : i32
    %dma_start3A_602 = arith.constant 0 : i32
    %dma_start3A_603 = tpu.memref_slice %arg6[%dma_start3A_600, %dma_start3A_601, %dma_start3A_602] : memref<2x2000x16xf32, #tpu.memory_space<vmem>> -> memref<1x1000x16xf32, #tpu.memory_space<vmem>>
    %dma_start3A_604 = tpu.memref_squeeze %dma_start3A_603 : memref<1x1000x16xf32, #tpu.memory_space<vmem>> -> memref<1000x16xf32, #tpu.memory_space<vmem>>
    %dma_start3A_605 = arith.constant 0 : i32
    %dma_start3A_606 = tpu.memref_slice %arg4[%add3A_599, %dma_start3A_605] : memref<320000x16xf32, #tpu.memory_space<hbm>> -> memref<1000x16xf32, #tpu.memory_space<hbm>>
    %dma_start3A_607 = arith.constant 0 : i32
    %dma_start3A_608 = tpu.memref_slice %arg4[%add3A_599, %dma_start3A_607] : memref<320000x16xf32, #tpu.memory_space<hbm>> -> memref<1000x16xf32, #tpu.memory_space<hbm>>
    %dma_start3A_609 = arith.constant 0 : i32
    %dma_start3A_610 = arith.constant 0 : i32
    %dma_start3A_611 = tpu.memref_slice %arg6[%dma_start3A_600, %dma_start3A_609, %dma_start3A_610] : memref<2x2000x16xf32, #tpu.memory_space<vmem>> -> memref<1x1000x16xf32, #tpu.memory_space<vmem>>
    %dma_start3A_612 = tpu.memref_squeeze %dma_start3A_611 : memref<1x1000x16xf32, #tpu.memory_space<vmem>> -> memref<1000x16xf32, #tpu.memory_space<vmem>>
    tpu.enqueue_dma source(%dma_start3A_612 : memref<1000x16xf32, #tpu.memory_space<vmem>>) target(%dma_start3A_608 : memref<1000x16xf32, #tpu.memory_space<hbm>>) target_semaphore(%arg10 : memref<!tpu.dma_semaphore, #tpu.memory_space<semaphore_mem>>)
    %dma_wait3A_613 = arith.constant 0 : i32
    %dma_wait3A_614 = arith.constant 0 : i32
    %dma_wait3A_615 = arith.constant 0 : i32
    %dma_wait3A_616 = tpu.memref_slice %arg6[%dma_wait3A_613, %dma_wait3A_614, %dma_wait3A_615] : memref<2x2000x16xf32, #tpu.memory_space<vmem>> -> memref<1x1000x16xf32, #tpu.memory_space<vmem>>
    %dma_wait3A_617 = tpu.memref_squeeze %dma_wait3A_616 : memref<1x1000x16xf32, #tpu.memory_space<vmem>> -> memref<1000x16xf32, #tpu.memory_space<vmem>>
    %dma_wait3A_618 = arith.constant 0 : i32
    %dma_wait3A_619 = tpu.memref_slice %arg4[%add3A_566, %dma_wait3A_618] : memref<320000x16xf32, #tpu.memory_space<hbm>> -> memref<1000x16xf32, #tpu.memory_space<hbm>>
    %dma_wait3A_620 = arith.constant 0 : i32
    %dma_wait3A_621 = tpu.memref_slice %arg4[%add3A_566, %dma_wait3A_620] : memref<320000x16xf32, #tpu.memory_space<hbm>> -> memref<1000x16xf32, #tpu.memory_space<hbm>>
    %dma_wait3A_622 = arith.constant 0 : i32
    %dma_wait3A_623 = arith.constant 0 : i32
    %dma_wait3A_624 = tpu.memref_slice %arg6[%dma_wait3A_613, %dma_wait3A_622, %dma_wait3A_623] : memref<2x2000x16xf32, #tpu.memory_space<vmem>> -> memref<1x1000x16xf32, #tpu.memory_space<vmem>>
    %dma_wait3A_625 = tpu.memref_squeeze %dma_wait3A_624 : memref<1x1000x16xf32, #tpu.memory_space<vmem>> -> memref<1000x16xf32, #tpu.memory_space<vmem>>
    tpu.wait_dma2 semaphore(%arg9 : memref<!tpu.dma_semaphore, #tpu.memory_space<semaphore_mem>>) src(%dma_wait3A_625 : memref<1000x16xf32, #tpu.memory_space<vmem>>) dst(%dma_wait3A_621 : memref<1000x16xf32, #tpu.memory_space<hbm>>)
    %dma_wait3A_626 = arith.constant 1 : i32
    %dma_wait3A_627 = arith.constant 0 : i32
    %dma_wait3A_628 = arith.constant 0 : i32
    %dma_wait3A_629 = tpu.memref_slice %arg6[%dma_wait3A_626, %dma_wait3A_627, %dma_wait3A_628] : memref<2x2000x16xf32, #tpu.memory_space<vmem>> -> memref<1x1000x16xf32, #tpu.memory_space<vmem>>
    %dma_wait3A_630 = tpu.memref_squeeze %dma_wait3A_629 : memref<1x1000x16xf32, #tpu.memory_space<vmem>> -> memref<1000x16xf32, #tpu.memory_space<vmem>>
    %dma_wait3A_631 = arith.constant 0 : i32
    %dma_wait3A_632 = tpu.memref_slice %arg4[%add3A_599, %dma_wait3A_631] : memref<320000x16xf32, #tpu.memory_space<hbm>> -> memref<1000x16xf32, #tpu.memory_space<hbm>>
    %dma_wait3A_633 = arith.constant 0 : i32
    %dma_wait3A_634 = tpu.memref_slice %arg4[%add3A_599, %dma_wait3A_633] : memref<320000x16xf32, #tpu.memory_space<hbm>> -> memref<1000x16xf32, #tpu.memory_space<hbm>>
    %dma_wait3A_635 = arith.constant 0 : i32
    %dma_wait3A_636 = arith.constant 0 : i32
    %dma_wait3A_637 = tpu.memref_slice %arg6[%dma_wait3A_626, %dma_wait3A_635, %dma_wait3A_636] : memref<2x2000x16xf32, #tpu.memory_space<vmem>> -> memref<1x1000x16xf32, #tpu.memory_space<vmem>>
    %dma_wait3A_638 = tpu.memref_squeeze %dma_wait3A_637 : memref<1x1000x16xf32, #tpu.memory_space<vmem>> -> memref<1000x16xf32, #tpu.memory_space<vmem>>
    tpu.wait_dma2 semaphore(%arg10 : memref<!tpu.dma_semaphore, #tpu.memory_space<semaphore_mem>>) src(%dma_wait3A_638 : memref<1000x16xf32, #tpu.memory_space<vmem>>) dst(%dma_wait3A_634 : memref<1000x16xf32, #tpu.memory_space<hbm>>)
    return
  }
}

module attributes {stable_mosaic.version = 14 : i64} {
  func.func @_node_proj_body(%arg0: memref<10000x132xf32, #tpu.memory_space<vmem>>, %arg1: memref<132x16xf32, #tpu.memory_space<vmem>>, %arg2: memref<1x16xf32, #tpu.memory_space<vmem>>, %arg3: memref<16x16xf32, #tpu.memory_space<vmem>>, %arg4: memref<10000x16xf32, #tpu.memory_space<vmem>>) attributes {dimension_semantics = [], scalar_prefetch = 0 : i64, scratch_operands = 0 : i64, tpu.core_type = #tpu.core_type<tc>} {
    %get3A = arith.constant 0 : index
    %get3A_0 = arith.constant 0 : index
    %get3A_1 = vector.load %arg0[%get3A, %get3A_0] : memref<10000x132xf32, #tpu.memory_space<vmem>>, vector<10000x132xf32>
    %get3A_2 = arith.constant 0 : index
    %get3A_3 = arith.constant 0 : index
    %get3A_4 = vector.load %arg1[%get3A_2, %get3A_3] : memref<132x16xf32, #tpu.memory_space<vmem>>, vector<132x16xf32>
    %dot_general3A = arith.constant dense<0.000000e+00> : vector<10000x16xf32>
    %dot_general3A_5 = tpu.matmul %get3A_1, %get3A_4, %dot_general3A {dimension_numbers = #tpu.dot_dimension_numbers<[1], [0], [0], [1], [0, 0, 1, 1], [], []>, transpose_lhs_hint = false} : vector<10000x132xf32>, vector<132x16xf32>, vector<10000x16xf32> -> vector<10000x16xf32>
    %get3A_6 = arith.constant 0 : index
    %get3A_7 = arith.constant 0 : index
    %get3A_8 = vector.load %arg2[%get3A_6, %get3A_7] : memref<1x16xf32, #tpu.memory_space<vmem>>, vector<1x16xf32>
    %add3A = vector.broadcast %get3A_8 : vector<1x16xf32> to vector<10000x16xf32>
    %add3A_9 = arith.addf %dot_general3A_5, %add3A : vector<10000x16xf32>
    %max3A = arith.constant 0.000000e+00 : f32
    %max3A_10 = vector.broadcast %max3A : f32 to vector<10000x16xf32>
    %max3A_11 = arith.maximumf %add3A_9, %max3A_10 : vector<10000x16xf32>
    %get3A_12 = arith.constant 0 : index
    %get3A_13 = arith.constant 0 : index
    %get3A_14 = vector.load %arg3[%get3A_12, %get3A_13] : memref<16x16xf32, #tpu.memory_space<vmem>>, vector<16x16xf32>
    %dot_general3A_15 = arith.constant dense<0.000000e+00> : vector<10000x16xf32>
    %dot_general3A_16 = tpu.matmul %max3A_11, %get3A_14, %dot_general3A_15 {dimension_numbers = #tpu.dot_dimension_numbers<[1], [0], [0], [1], [0, 0, 1, 1], [], []>, transpose_lhs_hint = false} : vector<10000x16xf32>, vector<16x16xf32>, vector<10000x16xf32> -> vector<10000x16xf32>
    %swap3A = arith.constant 0 : index
    %swap3A_17 = arith.constant 0 : index
    %swap3A_18 = vector.load %arg4[%swap3A, %swap3A_17] : memref<10000x16xf32, #tpu.memory_space<vmem>>, vector<10000x16xf32>
    tpu.vector_store %arg4[%swap3A, %swap3A_17], %dot_general3A_16 {strides = array<i32>} : memref<10000x16xf32, #tpu.memory_space<vmem>>, vector<10000x16xf32>,
    return
  }
}

module attributes {stable_mosaic.version = 14 : i64} {
  func.func @_fused_body(%arg0: i32, %arg1: memref<1000x128xf32, #tpu.memory_space<vmem>>, %arg2: memref<1000x128xf32, #tpu.memory_space<vmem>>, %arg3: memref<1000x64xf32, #tpu.memory_space<vmem>>, %arg4: memref<1000x64xf32, #tpu.memory_space<vmem>>, %arg5: memref<1000x128xf32, #tpu.memory_space<vmem>>, %arg6: memref<1000x128xf32, #tpu.memory_space<vmem>>, %arg7: memref<64x128xf32, #tpu.memory_space<vmem>>, %arg8: memref<64x128xf32, #tpu.memory_space<vmem>>, %arg9: memref<128x128xf32, #tpu.memory_space<vmem>>, %arg10: memref<128x128xf32, #tpu.memory_space<vmem>>, %arg11: memref<128x128xf32, #tpu.memory_space<vmem>>, %arg12: memref<128x128xf32, #tpu.memory_space<vmem>>, %arg13: memref<128x128xf32, #tpu.memory_space<vmem>>, %arg14: memref<1x128xf32, #tpu.memory_space<vmem>>, %arg15: memref<1x128xf32, #tpu.memory_space<vmem>>, %arg16: memref<1x128xf32, #tpu.memory_space<vmem>>, %arg17: memref<1x128xf32, #tpu.memory_space<vmem>>, %arg18: memref<2x1000x128xf32, #tpu.memory_space<vmem>>) attributes {dimension_semantics = [#tpu.dimension_semantics<arbitrary>], iteration_bounds = array<i64: 20>, scalar_prefetch = 0 : i64, scratch_operands = 0 : i64, tpu.core_type = #tpu.core_type<tc>, window_params = [{transform_indices = @transform_0, window_bounds = array<i64: 1000, 128>}, {transform_indices = @transform_1, window_bounds = array<i64: 1000, 128>}, {transform_indices = @transform_2, window_bounds = array<i64: 1000, 64>}, {transform_indices = @transform_3, window_bounds = array<i64: 1000, 64>}, {transform_indices = @transform_4, window_bounds = array<i64: 1000, 128>}, {transform_indices = @transform_5, window_bounds = array<i64: 1000, 128>}, {pipeline_mode = #tpu.pipeline_mode<synchronous>, transform_indices = @transform_6, window_bounds = array<i64: 64, 128>}, {pipeline_mode = #tpu.pipeline_mode<synchronous>, transform_indices = @transform_7, window_bounds = array<i64: 64, 128>}, {pipeline_mode = #tpu.pipeline_mode<synchronous>, transform_indices = @transform_8, window_bounds = array<i64: 128, 128>}, {pipeline_mode = #tpu.pipeline_mode<synchronous>, transform_indices = @transform_9, window_bounds = array<i64: 128, 128>}, {pipeline_mode = #tpu.pipeline_mode<synchronous>, transform_indices = @transform_10, window_bounds = array<i64: 128, 128>}, {pipeline_mode = #tpu.pipeline_mode<synchronous>, transform_indices = @transform_11, window_bounds = array<i64: 128, 128>}, {pipeline_mode = #tpu.pipeline_mode<synchronous>, transform_indices = @transform_12, window_bounds = array<i64: 128, 128>}, {pipeline_mode = #tpu.pipeline_mode<synchronous>, transform_indices = @transform_13, window_bounds = array<i64: 1, 128>}, {pipeline_mode = #tpu.pipeline_mode<synchronous>, transform_indices = @transform_14, window_bounds = array<i64: 1, 128>}, {pipeline_mode = #tpu.pipeline_mode<synchronous>, transform_indices = @transform_15, window_bounds = array<i64: 1, 128>}, {pipeline_mode = #tpu.pipeline_mode<synchronous>, transform_indices = @transform_16, window_bounds = array<i64: 1, 128>}, {transform_indices = @transform_17, window_bounds = array<i64: 2, 1000, 128>}]} {
    %get3A = arith.constant 0 : index
    %get3A_0 = arith.constant 0 : index
    %get3A_1 = vector.load %arg7[%get3A, %get3A_0] : memref<64x128xf32, #tpu.memory_space<vmem>>, vector<64x128xf32>
    %get3A_2 = arith.constant 0 : index
    %get3A_3 = arith.constant 0 : index
    %get3A_4 = vector.load %arg8[%get3A_2, %get3A_3] : memref<64x128xf32, #tpu.memory_space<vmem>>, vector<64x128xf32>
    %get3A_5 = arith.constant 0 : index
    %get3A_6 = arith.constant 0 : index
    %get3A_7 = vector.load %arg9[%get3A_5, %get3A_6] : memref<128x128xf32, #tpu.memory_space<vmem>>, vector<128x128xf32>
    %get3A_8 = arith.constant 0 : index
    %get3A_9 = arith.constant 0 : index
    %get3A_10 = vector.load %arg10[%get3A_8, %get3A_9] : memref<128x128xf32, #tpu.memory_space<vmem>>, vector<128x128xf32>
    %get3A_11 = arith.constant 0 : index
    %get3A_12 = arith.constant 0 : index
    %get3A_13 = vector.load %arg11[%get3A_11, %get3A_12] : memref<128x128xf32, #tpu.memory_space<vmem>>, vector<128x128xf32>
    %get3A_14 = arith.constant 0 : index
    %get3A_15 = arith.constant 0 : index
    %get3A_16 = vector.load %arg12[%get3A_14, %get3A_15] : memref<128x128xf32, #tpu.memory_space<vmem>>, vector<128x128xf32>
    %get3A_17 = arith.constant 0 : index
    %get3A_18 = arith.constant 0 : index
    %get3A_19 = vector.load %arg13[%get3A_17, %get3A_18] : memref<128x128xf32, #tpu.memory_space<vmem>>, vector<128x128xf32>
    %get3A_20 = arith.constant 0 : index
    %get3A_21 = arith.constant 0 : index
    %get3A_22 = vector.load %arg14[%get3A_20, %get3A_21] : memref<1x128xf32, #tpu.memory_space<vmem>>, vector<1x128xf32>
    %get3A_23 = arith.constant 0 : index
    %get3A_24 = arith.constant 0 : index
    %get3A_25 = vector.load %arg15[%get3A_23, %get3A_24] : memref<1x128xf32, #tpu.memory_space<vmem>>, vector<1x128xf32>
    %get3A_26 = arith.constant 0 : index
    %get3A_27 = arith.constant 0 : index
    %get3A_28 = vector.load %arg16[%get3A_26, %get3A_27] : memref<1x128xf32, #tpu.memory_space<vmem>>, vector<1x128xf32>
    %get3A_29 = arith.constant 0 : index
    %get3A_30 = arith.constant 0 : index
    %get3A_31 = vector.load %arg17[%get3A_29, %get3A_30] : memref<1x128xf32, #tpu.memory_space<vmem>>, vector<1x128xf32>
    %get3A_32 = arith.constant 0 : index
    %get3A_33 = arith.constant 0 : index
    %get3A_34 = vector.load %arg1[%get3A_32, %get3A_33] : memref<1000x128xf32, #tpu.memory_space<vmem>>, vector<1000x128xf32>
    %get3A_35 = arith.constant 0 : index
    %get3A_36 = arith.constant 0 : index
    %get3A_37 = vector.load %arg3[%get3A_35, %get3A_36] : memref<1000x64xf32, #tpu.memory_space<vmem>>, vector<1000x64xf32>
    %get3A_38 = arith.constant 0 : index
    %get3A_39 = arith.constant 0 : index
    %get3A_40 = vector.load %arg5[%get3A_38, %get3A_39] : memref<1000x128xf32, #tpu.memory_space<vmem>>, vector<1000x128xf32>
    %dot_general3A = arith.constant dense<0.000000e+00> : vector<1000x128xf32>
    %dot_general3A_41 = tpu.matmul %get3A_37, %get3A_1, %dot_general3A {dimension_numbers = #tpu.dot_dimension_numbers<[1], [0], [0], [1], [0, 0, 1, 1], [], []>, transpose_lhs_hint = false} : vector<1000x64xf32>, vector<64x128xf32>, vector<1000x128xf32> -> vector<1000x128xf32>
    %add3A = vector.broadcast %get3A_22 : vector<1x128xf32> to vector<1000x128xf32>
    %add3A_42 = arith.addf %dot_general3A_41, %add3A : vector<1000x128xf32>
    %max3A = arith.constant 0.000000e+00 : f32
    %max3A_43 = vector.broadcast %max3A : f32 to vector<1000x128xf32>
    %max3A_44 = arith.maximumf %add3A_42, %max3A_43 : vector<1000x128xf32>
    %dot_general3A_45 = arith.constant dense<0.000000e+00> : vector<1000x128xf32>
    %dot_general3A_46 = tpu.matmul %get3A_37, %get3A_4, %dot_general3A_45 {dimension_numbers = #tpu.dot_dimension_numbers<[1], [0], [0], [1], [0, 0, 1, 1], [], []>, transpose_lhs_hint = false} : vector<1000x64xf32>, vector<64x128xf32>, vector<1000x128xf32> -> vector<1000x128xf32>
    %add3A_47 = vector.broadcast %get3A_22 : vector<1x128xf32> to vector<1000x128xf32>
    %add3A_48 = arith.addf %dot_general3A_46, %add3A_47 : vector<1000x128xf32>
    %max3A_49 = arith.constant 0.000000e+00 : f32
    %max3A_50 = vector.broadcast %max3A_49 : f32 to vector<1000x128xf32>
    %max3A_51 = arith.maximumf %add3A_48, %max3A_50 : vector<1000x128xf32>
    %dot_general3A_52 = arith.constant dense<0.000000e+00> : vector<1000x128xf32>
    %dot_general3A_53 = tpu.matmul %max3A_44, %get3A_7, %dot_general3A_52 {dimension_numbers = #tpu.dot_dimension_numbers<[1], [0], [0], [1], [0, 0, 1, 1], [], []>, transpose_lhs_hint = false} : vector<1000x128xf32>, vector<128x128xf32>, vector<1000x128xf32> -> vector<1000x128xf32>
    %dot_general3A_54 = arith.constant dense<0.000000e+00> : vector<1000x128xf32>
    %dot_general3A_55 = tpu.matmul %max3A_51, %get3A_10, %dot_general3A_54 {dimension_numbers = #tpu.dot_dimension_numbers<[1], [0], [0], [1], [0, 0, 1, 1], [], []>, transpose_lhs_hint = false} : vector<1000x128xf32>, vector<128x128xf32>, vector<1000x128xf32> -> vector<1000x128xf32>
    %add3A_56 = arith.addf %dot_general3A_53, %dot_general3A_55 : vector<1000x128xf32>
    %add3A_57 = vector.broadcast %get3A_25 : vector<1x128xf32> to vector<1000x128xf32>
    %add3A_58 = arith.addf %add3A_56, %add3A_57 : vector<1000x128xf32>
    %add3A_59 = arith.addf %get3A_34, %add3A_58 : vector<1000x128xf32>
    %dot_general3A_60 = arith.constant dense<0.000000e+00> : vector<1000x128xf32>
    %dot_general3A_61 = tpu.matmul %get3A_40, %get3A_13, %dot_general3A_60 {dimension_numbers = #tpu.dot_dimension_numbers<[1], [0], [0], [1], [0, 0, 1, 1], [], []>, transpose_lhs_hint = false} : vector<1000x128xf32>, vector<128x128xf32>, vector<1000x128xf32> -> vector<1000x128xf32>
    %add3A_62 = vector.broadcast %get3A_28 : vector<1x128xf32> to vector<1000x128xf32>
    %add3A_63 = arith.addf %dot_general3A_61, %add3A_62 : vector<1000x128xf32>
    %dot_general3A_64 = arith.constant dense<0.000000e+00> : vector<1000x128xf32>
    %dot_general3A_65 = tpu.matmul %get3A_40, %get3A_16, %dot_general3A_64 {dimension_numbers = #tpu.dot_dimension_numbers<[1], [0], [0], [1], [0, 0, 1, 1], [], []>, transpose_lhs_hint = false} : vector<1000x128xf32>, vector<128x128xf32>, vector<1000x128xf32> -> vector<1000x128xf32>
    %add3A_66 = vector.broadcast %get3A_31 : vector<1x128xf32> to vector<1000x128xf32>
    %add3A_67 = arith.addf %dot_general3A_65, %add3A_66 : vector<1000x128xf32>
    %dot_general3A_68 = arith.constant dense<0.000000e+00> : vector<1000x128xf32>
    %dot_general3A_69 = tpu.matmul %add3A_59, %get3A_19, %dot_general3A_68 {dimension_numbers = #tpu.dot_dimension_numbers<[1], [0], [0], [1], [0, 0, 1, 1], [], []>, transpose_lhs_hint = false} : vector<1000x128xf32>, vector<128x128xf32>, vector<1000x128xf32> -> vector<1000x128xf32>
    %mul3A = arith.mulf %add3A_59, %add3A_59 : vector<1000x128xf32>
    %dot_general3A_70 = arith.constant dense<0.000000e+00> : vector<1000x128xf32>
    %dot_general3A_71 = tpu.matmul %mul3A, %get3A_19, %dot_general3A_70 {dimension_numbers = #tpu.dot_dimension_numbers<[1], [0], [0], [1], [0, 0, 1, 1], [], []>, transpose_lhs_hint = false} : vector<1000x128xf32>, vector<128x128xf32>, vector<1000x128xf32> -> vector<1000x128xf32>
    %mul3A_72 = arith.mulf %dot_general3A_69, %dot_general3A_69 : vector<1000x128xf32>
    %sub3A = arith.subf %dot_general3A_71, %mul3A_72 : vector<1000x128xf32>
    %sub3A_73 = arith.subf %add3A_59, %dot_general3A_69 : vector<1000x128xf32>
    %add3A_74 = arith.constant 9.99999974E-6 : f32
    %add3A_75 = vector.broadcast %add3A_74 : f32 to vector<1000x128xf32>
    %add3A_76 = arith.addf %sub3A, %add3A_75 : vector<1000x128xf32>
    %rsqrt3A = math.rsqrt %add3A_76 : vector<1000x128xf32>
    %mul3A_77 = arith.mulf %sub3A_73, %rsqrt3A : vector<1000x128xf32>
    %mul3A_78 = arith.mulf %mul3A_77, %add3A_63 : vector<1000x128xf32>
    %add3A_79 = arith.addf %mul3A_78, %add3A_67 : vector<1000x128xf32>
    %max3A_80 = arith.constant 0.000000e+00 : f32
    %max3A_81 = vector.broadcast %max3A_80 : f32 to vector<1000x128xf32>
    %max3A_82 = arith.maximumf %add3A_79, %max3A_81 : vector<1000x128xf32>
    %swap3A = arith.constant 0 : index
    %swap3A_83 = arith.constant 0 : index
    %swap3A_84 = arith.constant 0 : index
    %swap3A_85 = vector.load %arg18[%swap3A, %swap3A_83, %swap3A_84] : memref<2x1000x128xf32, #tpu.memory_space<vmem>>, vector<1x1000x128xf32>
    %swap3A_86 = vector.shape_cast %swap3A_85 : vector<1x1000x128xf32> to vector<1000x128xf32>
    %swap3A_87 = vector.shape_cast %max3A_82 : vector<1000x128xf32> to vector<1x1000x128xf32>
    tpu.vector_store %arg18[%swap3A, %swap3A_83, %swap3A_84], %swap3A_87 {strides = array<i32>} : memref<2x1000x128xf32, #tpu.memory_space<vmem>>, vector<1x1000x128xf32>,
    %get3A_88 = arith.constant 0 : index
    %get3A_89 = arith.constant 0 : index
    %get3A_90 = vector.load %arg2[%get3A_88, %get3A_89] : memref<1000x128xf32, #tpu.memory_space<vmem>>, vector<1000x128xf32>
    %get3A_91 = arith.constant 0 : index
    %get3A_92 = arith.constant 0 : index
    %get3A_93 = vector.load %arg4[%get3A_91, %get3A_92] : memref<1000x64xf32, #tpu.memory_space<vmem>>, vector<1000x64xf32>
    %get3A_94 = arith.constant 0 : index
    %get3A_95 = arith.constant 0 : index
    %get3A_96 = vector.load %arg6[%get3A_94, %get3A_95] : memref<1000x128xf32, #tpu.memory_space<vmem>>, vector<1000x128xf32>
    %dot_general3A_97 = arith.constant dense<0.000000e+00> : vector<1000x128xf32>
    %dot_general3A_98 = tpu.matmul %get3A_93, %get3A_1, %dot_general3A_97 {dimension_numbers = #tpu.dot_dimension_numbers<[1], [0], [0], [1], [0, 0, 1, 1], [], []>, transpose_lhs_hint = false} : vector<1000x64xf32>, vector<64x128xf32>, vector<1000x128xf32> -> vector<1000x128xf32>
    %add3A_99 = vector.broadcast %get3A_22 : vector<1x128xf32> to vector<1000x128xf32>
    %add3A_100 = arith.addf %dot_general3A_98, %add3A_99 : vector<1000x128xf32>
    %max3A_101 = arith.constant 0.000000e+00 : f32
    %max3A_102 = vector.broadcast %max3A_101 : f32 to vector<1000x128xf32>
    %max3A_103 = arith.maximumf %add3A_100, %max3A_102 : vector<1000x128xf32>
    %dot_general3A_104 = arith.constant dense<0.000000e+00> : vector<1000x128xf32>
    %dot_general3A_105 = tpu.matmul %get3A_93, %get3A_4, %dot_general3A_104 {dimension_numbers = #tpu.dot_dimension_numbers<[1], [0], [0], [1], [0, 0, 1, 1], [], []>, transpose_lhs_hint = false} : vector<1000x64xf32>, vector<64x128xf32>, vector<1000x128xf32> -> vector<1000x128xf32>
    %add3A_106 = vector.broadcast %get3A_22 : vector<1x128xf32> to vector<1000x128xf32>
    %add3A_107 = arith.addf %dot_general3A_105, %add3A_106 : vector<1000x128xf32>
    %max3A_108 = arith.constant 0.000000e+00 : f32
    %max3A_109 = vector.broadcast %max3A_108 : f32 to vector<1000x128xf32>
    %max3A_110 = arith.maximumf %add3A_107, %max3A_109 : vector<1000x128xf32>
    %dot_general3A_111 = arith.constant dense<0.000000e+00> : vector<1000x128xf32>
    %dot_general3A_112 = tpu.matmul %max3A_103, %get3A_7, %dot_general3A_111 {dimension_numbers = #tpu.dot_dimension_numbers<[1], [0], [0], [1], [0, 0, 1, 1], [], []>, transpose_lhs_hint = false} : vector<1000x128xf32>, vector<128x128xf32>, vector<1000x128xf32> -> vector<1000x128xf32>
    %dot_general3A_113 = arith.constant dense<0.000000e+00> : vector<1000x128xf32>
    %dot_general3A_114 = tpu.matmul %max3A_110, %get3A_10, %dot_general3A_113 {dimension_numbers = #tpu.dot_dimension_numbers<[1], [0], [0], [1], [0, 0, 1, 1], [], []>, transpose_lhs_hint = false} : vector<1000x128xf32>, vector<128x128xf32>, vector<1000x128xf32> -> vector<1000x128xf32>
    %add3A_115 = arith.addf %dot_general3A_112, %dot_general3A_114 : vector<1000x128xf32>
    %add3A_116 = vector.broadcast %get3A_25 : vector<1x128xf32> to vector<1000x128xf32>
    %add3A_117 = arith.addf %add3A_115, %add3A_116 : vector<1000x128xf32>
    %add3A_118 = arith.addf %get3A_90, %add3A_117 : vector<1000x128xf32>
    %dot_general3A_119 = arith.constant dense<0.000000e+00> : vector<1000x128xf32>
    %dot_general3A_120 = tpu.matmul %get3A_96, %get3A_13, %dot_general3A_119 {dimension_numbers = #tpu.dot_dimension_numbers<[1], [0], [0], [1], [0, 0, 1, 1], [], []>, transpose_lhs_hint = false} : vector<1000x128xf32>, vector<128x128xf32>, vector<1000x128xf32> -> vector<1000x128xf32>
    %add3A_121 = vector.broadcast %get3A_28 : vector<1x128xf32> to vector<1000x128xf32>
    %add3A_122 = arith.addf %dot_general3A_120, %add3A_121 : vector<1000x128xf32>
    %dot_general3A_123 = arith.constant dense<0.000000e+00> : vector<1000x128xf32>
    %dot_general3A_124 = tpu.matmul %get3A_96, %get3A_16, %dot_general3A_123 {dimension_numbers = #tpu.dot_dimension_numbers<[1], [0], [0], [1], [0, 0, 1, 1], [], []>, transpose_lhs_hint = false} : vector<1000x128xf32>, vector<128x128xf32>, vector<1000x128xf32> -> vector<1000x128xf32>
    %add3A_125 = vector.broadcast %get3A_31 : vector<1x128xf32> to vector<1000x128xf32>
    %add3A_126 = arith.addf %dot_general3A_124, %add3A_125 : vector<1000x128xf32>
    %dot_general3A_127 = arith.constant dense<0.000000e+00> : vector<1000x128xf32>
    %dot_general3A_128 = tpu.matmul %add3A_118, %get3A_19, %dot_general3A_127 {dimension_numbers = #tpu.dot_dimension_numbers<[1], [0], [0], [1], [0, 0, 1, 1], [], []>, transpose_lhs_hint = false} : vector<1000x128xf32>, vector<128x128xf32>, vector<1000x128xf32> -> vector<1000x128xf32>
    %mul3A_129 = arith.mulf %add3A_118, %add3A_118 : vector<1000x128xf32>
    %dot_general3A_130 = arith.constant dense<0.000000e+00> : vector<1000x128xf32>
    %dot_general3A_131 = tpu.matmul %mul3A_129, %get3A_19, %dot_general3A_130 {dimension_numbers = #tpu.dot_dimension_numbers<[1], [0], [0], [1], [0, 0, 1, 1], [], []>, transpose_lhs_hint = false} : vector<1000x128xf32>, vector<128x128xf32>, vector<1000x128xf32> -> vector<1000x128xf32>
    %mul3A_132 = arith.mulf %dot_general3A_128, %dot_general3A_128 : vector<1000x128xf32>
    %sub3A_133 = arith.subf %dot_general3A_131, %mul3A_132 : vector<1000x128xf32>
    %sub3A_134 = arith.subf %add3A_118, %dot_general3A_128 : vector<1000x128xf32>
    %add3A_135 = arith.constant 9.99999974E-6 : f32
    %add3A_136 = vector.broadcast %add3A_135 : f32 to vector<1000x128xf32>
    %add3A_137 = arith.addf %sub3A_133, %add3A_136 : vector<1000x128xf32>
    %rsqrt3A_138 = math.rsqrt %add3A_137 : vector<1000x128xf32>
    %mul3A_139 = arith.mulf %sub3A_134, %rsqrt3A_138 : vector<1000x128xf32>
    %mul3A_140 = arith.mulf %mul3A_139, %add3A_122 : vector<1000x128xf32>
    %add3A_141 = arith.addf %mul3A_140, %add3A_126 : vector<1000x128xf32>
    %max3A_142 = arith.constant 0.000000e+00 : f32
    %max3A_143 = vector.broadcast %max3A_142 : f32 to vector<1000x128xf32>
    %max3A_144 = arith.maximumf %add3A_141, %max3A_143 : vector<1000x128xf32>
    %swap3A_145 = arith.constant 1 : index
    %swap3A_146 = arith.constant 0 : index
    %swap3A_147 = arith.constant 0 : index
    %swap3A_148 = vector.load %arg18[%swap3A_145, %swap3A_146, %swap3A_147] : memref<2x1000x128xf32, #tpu.memory_space<vmem>>, vector<1x1000x128xf32>
    %swap3A_149 = vector.shape_cast %swap3A_148 : vector<1x1000x128xf32> to vector<1000x128xf32>
    %swap3A_150 = vector.shape_cast %max3A_144 : vector<1000x128xf32> to vector<1x1000x128xf32>
    tpu.vector_store %arg18[%swap3A_145, %swap3A_146, %swap3A_147], %swap3A_150 {strides = array<i32>} : memref<2x1000x128xf32, #tpu.memory_space<vmem>>, vector<1x1000x128xf32>,
    return
  }
  func.func @transform_0(%arg0: i32) -> (i32, i32) {
    %c0_i32 = arith.constant 0 : i32
    %c0_i32_0 = arith.constant 0 : i32
    return %arg0, %c0_i32 : i32, i32
  }
  func.func @transform_1(%arg0: i32) -> (i32, i32) {
    %add3A = arith.constant 20 : i32
    %add3A_0 = arith.addi %arg0, %add3A : i32
    %c0_i32 = arith.constant 0 : i32
    %c0_i32_1 = arith.constant 0 : i32
    return %add3A_0, %c0_i32 : i32, i32
  }
  func.func @transform_2(%arg0: i32) -> (i32, i32) {
    %c0_i32 = arith.constant 0 : i32
    %c0_i32_0 = arith.constant 0 : i32
    return %arg0, %c0_i32 : i32, i32
  }
  func.func @transform_3(%arg0: i32) -> (i32, i32) {
    %add3A = arith.constant 20 : i32
    %add3A_0 = arith.addi %arg0, %add3A : i32
    %c0_i32 = arith.constant 0 : i32
    %c0_i32_1 = arith.constant 0 : i32
    return %add3A_0, %c0_i32 : i32, i32
  }
  func.func @transform_4(%arg0: i32) -> (i32, i32) {
    %c0_i32 = arith.constant 0 : i32
    %c0_i32_0 = arith.constant 0 : i32
    return %arg0, %c0_i32 : i32, i32
  }
  func.func @transform_5(%arg0: i32) -> (i32, i32) {
    %add3A = arith.constant 20 : i32
    %add3A_0 = arith.addi %arg0, %add3A : i32
    %c0_i32 = arith.constant 0 : i32
    %c0_i32_1 = arith.constant 0 : i32
    return %add3A_0, %c0_i32 : i32, i32
  }
  func.func @transform_6(%arg0: i32) -> (i32, i32) {
    %c0_i32 = arith.constant 0 : i32
    %c0_i32_0 = arith.constant 0 : i32
    %c0_i32_1 = arith.constant 0 : i32
    return %c0_i32, %c0_i32_0 : i32, i32
  }
  func.func @transform_7(%arg0: i32) -> (i32, i32) {
    %c0_i32 = arith.constant 0 : i32
    %c0_i32_0 = arith.constant 0 : i32
    %c0_i32_1 = arith.constant 0 : i32
    return %c0_i32, %c0_i32_0 : i32, i32
  }
  func.func @transform_8(%arg0: i32) -> (i32, i32) {
    %c0_i32 = arith.constant 0 : i32
    %c0_i32_0 = arith.constant 0 : i32
    %c0_i32_1 = arith.constant 0 : i32
    return %c0_i32, %c0_i32_0 : i32, i32
  }
  func.func @transform_9(%arg0: i32) -> (i32, i32) {
    %c0_i32 = arith.constant 0 : i32
    %c0_i32_0 = arith.constant 0 : i32
    %c0_i32_1 = arith.constant 0 : i32
    return %c0_i32, %c0_i32_0 : i32, i32
  }
  func.func @transform_10(%arg0: i32) -> (i32, i32) {
    %c0_i32 = arith.constant 0 : i32
    %c0_i32_0 = arith.constant 0 : i32
    %c0_i32_1 = arith.constant 0 : i32
    return %c0_i32, %c0_i32_0 : i32, i32
  }
  func.func @transform_11(%arg0: i32) -> (i32, i32) {
    %c0_i32 = arith.constant 0 : i32
    %c0_i32_0 = arith.constant 0 : i32
    %c0_i32_1 = arith.constant 0 : i32
    return %c0_i32, %c0_i32_0 : i32, i32
  }
  func.func @transform_12(%arg0: i32) -> (i32, i32) {
    %c0_i32 = arith.constant 0 : i32
    %c0_i32_0 = arith.constant 0 : i32
    %c0_i32_1 = arith.constant 0 : i32
    return %c0_i32, %c0_i32_0 : i32, i32
  }
  func.func @transform_13(%arg0: i32) -> (i32, i32) {
    %c0_i32 = arith.constant 0 : i32
    %c0_i32_0 = arith.constant 0 : i32
    %c0_i32_1 = arith.constant 0 : i32
    return %c0_i32, %c0_i32_0 : i32, i32
  }
  func.func @transform_14(%arg0: i32) -> (i32, i32) {
    %c0_i32 = arith.constant 0 : i32
    %c0_i32_0 = arith.constant 0 : i32
    %c0_i32_1 = arith.constant 0 : i32
    return %c0_i32, %c0_i32_0 : i32, i32
  }
  func.func @transform_15(%arg0: i32) -> (i32, i32) {
    %c0_i32 = arith.constant 0 : i32
    %c0_i32_0 = arith.constant 0 : i32
    %c0_i32_1 = arith.constant 0 : i32
    return %c0_i32, %c0_i32_0 : i32, i32
  }
  func.func @transform_16(%arg0: i32) -> (i32, i32) {
    %c0_i32 = arith.constant 0 : i32
    %c0_i32_0 = arith.constant 0 : i32
    %c0_i32_1 = arith.constant 0 : i32
    return %c0_i32, %c0_i32_0 : i32, i32
  }
  func.func @transform_17(%arg0: i32) -> (i32, i32, i32) {
    %c0_i32 = arith.constant 0 : i32
    %c0_i32_0 = arith.constant 0 : i32
    %c0_i32_1 = arith.constant 0 : i32
    return %c0_i32, %arg0, %c0_i32_0 : i32, i32, i32
  }
}

</mosaic_0001>

<sc_bundles>
// kernel: kernel.5.cloned.1.call-start
scs
__scs_entry_jumppad:
0x0: {  	(pc) =	sbr.rel $0x88, $3  }
0x1: {  	(tag) =	ssettag $0x0;
	lr =	simm.s32 $0x1  }
0x2: {  	[smem:$0x3F95] =	sst lr;
	_ =	strace $0xD0000000  }
0x3: {  	_ = 	snop  }
0x4: {  	_ = 	snop  }
0x5: {  	_ = 	snop  }
0x6: {  	_ = 	snop  }
0x7: {  	_ = 	snop  }
__scs_overlays_trampoline_lowered:
0x8: {  	[smem:$0x3FA4] =	sst s0  }
0x9: {  	[smem:$0x3FA5] =	sst s1  }
0xa: {  	[smem:$0x3FA6] =	sst s2  }
0xb: {  	[smem:$0x3FA7] =	sst s3  }
0xc: {  	[smem:$0x3FA8] =	sst s4  }
0xd: {  	[smem:$0x3FA9] =	sst s5  }
0xe: {  	[smem:$0x3FAA] =	sst s6  }
0xf: {  	[smem:$0x3FAB] =	sst s7  }
0x10: {  	[smem:$0x3FAC] =	sst s8  }
0x11: {  	[smem:$0x3FAD] =	sst s9;
	s0 =	simm.s32 @!p0 $0x0  }
0x12: {  	s1 =	sld [smem:$0x3F93];
	s0 =	simm.s32 @p0 $0x1  }
0x13: {  	[smem:$0x3FAE] =	sst s0;
	s0 =	simm.s32 @!p1 $0x0  }
0x14: {  	s2 =	sld [smem:$0x3F92];
	s0 =	simm.s32 @p1 $0x1  }
0x15: {  	[smem:$0x3FAF] =	sst s0;
	s0 =	simm.s32 @!p2 $0x0  }
0x16: {  	s3 =	sld [smem:$0x3FDB];
	s0 =	simm.s32 @p2 $0x1  }
0x17: {  	s4 =	simm.s32 $0x1BF5;
	[smem:$0x3FB1] =	sst s0  }
0x18: {  	s0 =	sld [smem:$0x3F94];
	_ =	swait.ge [sflag:s4], $0x0  }
0x19: {  	s7 =	sld [smem:$0x3F95]  }
0x1a: {  	s8 =	sadd.s32 $0xFFFFE003, lr  }
0x1b: {  	s9 =	sadd.s32 $0xFFFFFEF7, lr;
	s5 =	simm.s32 $0xFFFFFFFF;
	p2 =	slt.u32 s8, $0xFFFFF086  }
0x1c: {  	p1 =	slt.u32 s9, $0xF7A;
	s5 =	simm.s32 @!p2 $0x0  }
0x1d: {  	s5 =	simm.s32 @p1 $0x1;
	p0 =	seq.s32 s7, s2  }
0x1e: {  	s7 =	smul.u32 @!p0 $0xF7A, s2;
	p2 =	seq.s32 @!p0 s5, $0x0  }
0x1f: {  	s9 =	smul.u32 $0xF7A, s1;
	s8 =	simm.s32 @!p0 $0x1BF5;
	p2 =	por !p2, p0  }
0x20: {  	[sflag:s8] =	ssyncset.s32 @!p0 $0xFFFFF086;
	s6 =	sadd.s32 @!p0 s3, s7;
	s7 =	simm.s32 @!p0 $0x108  }
0x21: {  	s3 =	sadd.s32 s3, s9;
	s6 =	sadd.s32 @!p0 $0x88, s6;
	s7 =	simm.s32 @p2 $0x1082  }
0x22: {  	[simem:s7], [sflag:s8] =	dma.local @!p0 [hbm:s6], $0xF7A  }
0x23: {  	s9 =	sor.u32 $0xD0000000, s2;
	s6 =	simm.s32 $0x108;
	_ =	swait.ge @!p0 [sflag:s8], $0x0  }
0x24: {  	s3 =	sadd.s32 $0x88, s3;
	s6 =	simm.s32 @!p1 $0x1082;
	[sflag:s4] =	ssyncset.s32 $0xFFFFF086  }
0x25: {  	[simem:s6], [sflag:s4] =	dma.local [hbm:s3], $0xF7A  }
0x26: {  	[smem:$0x3F95] =	sst s1;
	(tag) =	ssettag s2;
	_ =	strace s9  }
0x27: {  	s1 =	sld [smem:$0x3FA5]  }
0x28: {  	s2 =	sld [smem:$0x3FA6]  }
0x29: {  	s4 =	sld [smem:$0x3FA8]  }
0x2a: {  	p0 =	seq.s32 s5, $0x0;
	s5 =	sld [smem:$0x3FA9]  }
0x2b: {  	s6 =	sld [smem:$0x3FAA]  }
0x2c: {  	s7 =	sld [smem:$0x3FAB]  }
0x2d: {  	s3 =	simm.s32 $0x108;
	s8 =	sld [smem:$0x3FAC]  }
0x2e: {  	s3 =	simm.s32 @!p0 $0x1082;
	s9 =	sld [smem:$0x3FAD]  }
0x2f: {  	lr =	sadd.s32 s0, s3;
	s0 =	sld [smem:$0x3FA4]  }
0x30: {  	s3 =	sld [smem:$0x3FA7]  }
0x31: {  	[smem:$0x3FB0] =	sst s10  }
0x32: {  	s10 =	sld [smem:$0x3FAE];
	_ =	sdelay $0x3  }
0x33: {  	p0 =	seq.s32 s10, $0x1;
	s10 =	sld [smem:$0x3FB0];
	_ =	sdelay $0x3  }
0x34: {  	[smem:$0x3FB0] =	sst s10  }
0x35: {  	s10 =	sld [smem:$0x3FAF];
	_ =	sdelay $0x3  }
0x36: {  	p1 =	seq.s32 s10, $0x1;
	s10 =	sld [smem:$0x3FB0];
	_ =	sdelay $0x3  }
0x37: {  	[smem:$0x3FB0] =	sst s10  }
0x38: {  	s10 =	sld [smem:$0x3FB1]  }
0x39: {  	_ = 	snop;
	(pc) =	sbr.ind lr, $3  }
0x3a: {  	_ = 	snop  }
0x3b: {  	_ = 	snop  }
0x3c: {  	p2 =	seq.s32 s10, $0x1;
	s10 =	sld [smem:$0x3FB0]  }
0x3d: {  	_ =	shalt  }
0x3e: {  	_ =	shalt  }
0x3f: {  	_ =	shalt  }
0x40: {  	_ =	shalt  }
0x41: {  	_ =	shalt  }
0x42: {  	_ =	shalt  }
0x43: {  	_ =	shalt  }
0x44: {  	_ =	shalt  }
0x45: {  	_ =	shalt  }
0x46: {  	_ =	shalt  }
0x47: {  	_ =	shalt  }
0x48: {  	_ =	shalt  }
0x49: {  	_ =	shalt  }
0x4a: {  	_ =	shalt  }
0x4b: {  	_ =	shalt  }
0x4c: {  	_ =	shalt  }
0x4d: {  	_ =	shalt  }
0x4e: {  	_ =	shalt  }
0x4f: {  	_ =	shalt  }
0x50: {  	_ =	shalt  }
0x51: {  	_ =	shalt  }
0x52: {  	_ =	shalt  }
0x53: {  	_ =	shalt  }
0x54: {  	_ =	shalt  }
0x55: {  	_ =	shalt  }
0x56: {  	_ =	shalt  }
0x57: {  	_ =	shalt  }
0x58: {  	_ =	shalt  }
0x59: {  	_ =	shalt  }
0x5a: {  	_ =	shalt  }
0x5b: {  	_ =	shalt  }
0x5c: {  	_ =	shalt  }
0x5d: {  	_ =	shalt  }
0x5e: {  	_ =	shalt  }
0x5f: {  	_ =	shalt  }
0x60: {  	_ =	shalt  }
0x61: {  	_ =	shalt  }
0x62: {  	_ =	shalt  }
0x63: {  	_ =	shalt  }
0x64: {  	_ =	shalt  }
0x65: {  	_ =	shalt  }
0x66: {  	_ =	shalt  }
0x67: {  	_ =	shalt  }
0x68: {  	_ =	shalt  }
0x69: {  	_ =	shalt  }
0x6a: {  	_ =	shalt  }
0x6b: {  	_ =	shalt  }
0x6c: {  	_ =	shalt  }
0x6d: {  	_ =	shalt  }
0x6e: {  	_ =	shalt  }
0x6f: {  	_ =	shalt  }
0x70: {  	_ =	shalt  }
0x71: {  	_ =	shalt  }
0x72: {  	_ =	shalt  }
0x73: {  	_ =	shalt  }
0x74: {  	_ =	shalt  }
0x75: {  	_ =	shalt  }
0x76: {  	_ =	shalt  }
0x77: {  	_ =	shalt  }
0x78: {  	_ =	shalt  }
0x79: {  	_ =	shalt  }
0x7a: {  	_ =	shalt  }
0x7b: {  	_ =	shalt  }
0x7c: {  	_ =	shalt  }
0x7d: {  	_ =	shalt  }
0x7e: {  	_ =	shalt  }
0x7f: {  	_ =	shalt  }
0x80: {  	_ =	shalt  }
0x81: {  	_ =	shalt  }
0x82: {  	_ =	shalt  }
0x83: {  	_ =	shalt  }
0x84: {  	_ =	shalt  }
0x85: {  	_ =	shalt  }
0x86: {  	_ =	shalt  }
0x87: {  	_ =	shalt  }
.Lfunc_end0:
.L_simem_size_0:
called_computation_lowered:
.L_overlay_start_0:
0x88: {  	s2 =	sld [smem:$0x3FD9]  }
0x89: {  	s3 =	sld [smem:$0x3FFE];
	_ =	sdelay $0x1  }
0x8a: {  	s1 =	srdreg.scid  }
0x8b: {  	s0 =	sand.u32 $0x1, s1  }
0x8c: {  	s16 =	sshll.u32 s0, $0xA;
	s2 =	sadd.s32 s3, s2  }
0x8d: {  	s2 =	sadd.s32 s2, s16  }
0x8e: {  	[smem:$0x3FBC] =	sst s2  }
0x8f: {  	_ = 	snop  }
0x90: {  	(tm) =	ssettm $0x1  }
0x91: {  	s17 =	sld [smem:$0x3FFB];
	_ =	sdelay $0x3  }
0x92: {  	_ =	strace s17  }
0x93: {  	s2 =	sld [smem:$0x3FFC];
	_ =	sdelay $0x3  }
0x94: {  	_ =	strace s2  }
0x95: {  	s2 =	sld [smem:$0x3FFD];
	_ =	sdelay $0x3  }
0x96: {  	_ =	strace s2  }
0x97: {  	_ =	strace $0x8FFFFFFF  }
0x98: {  	s18 =	sld [smem:$0x3FDB];
	_ =	sdelay $0x1  }
0x99: {  	s19 =	simm.s32 $_scs_section_size  }
0x9a: {  	s4 =	simm.s32 $_size__tile_overlayer_lowered;
	s5 =	simm.s32 $_tile_overlayer_lowered  }
0x9b: {  	s22 =	simm.s32 $0x1BFF;
	s21 =	sshll.u32 s5, $0x1;
	s2 =	sadd.s32 s19, s18  }
0x9c: {  	s6 =	simm.s32 $0x0;
	s20 =	sshll.u32 s4, $0x1;
	s4 =	sadd.s32 s21, s2  }
0x9d: {  	[timem:s6], [sflag:s22] =	dma.local [hbm:s4], s20  }
0x9e: {  	_ =	swait.ge [sflag:s22], s20  }
0x9f: {  	s3 =	ssub.s32 $0x0, s20;
	[sflag:s22] =	ssyncset.done $0x0  }
0xa0: {  	[sflag:s22] =	ssyncadd.s32 s3;
	_ =	sdelay $0x1  }
0xa1: {  	s23 =	simm.s32 $0x1B8B  }
0xa2: {  	_ =	swait.ge [sflag:s23], $0x1  }
0xa3: {  	[sflag:s23] =	ssyncset.done $0x0  }
0xa4: {  	s25 =	simm.s32 $0x1B8E;
	s24 =	sld [smem:$0x3FFE];
	[sflag:s23] =	ssyncadd.s32 $0xFFFFFFFF  }
0xa5: {  	s26 =	simm.s32 $execute0_lowered;
	[smem:$0x3FD2] =	sst s25  }
0xa6: {  	s4 =	sshll.u32 s26, $0x1;
	_ =	strace $0x80000046;
	[dreg:$0x1] =	wrdreg $0xFFFFFFFF  }
0xa7: {  	s28 =	simm.s32 $_size_execute0_lowered;
	s2 =	sadd.s32 s2, s4;
	[dreg:$0x0] =	wrdreg $0x0  }
0xa8: {  	s4 =	sshll.u32 s28, $0x1;
	[dreg:$0x2] =	wrdreg s2  }
0xa9: {  	[dreg:$0x3] =	wrdreg s4  }
0xaa: {  	[dreg:$0x4] =	wrdreg $0xC0  }
0xab: {  	_ =	task [dreg:s6], $0x5FFFF  }
0xac: {  	[dreg:$0x1] =	wrdreg $0xFFFFFFFF  }
0xad: {  	[dreg:$0x0] =	wrdreg $0x60  }
0xae: {  	[dreg:$0x2] =	wrdreg s24  }
0xaf: {  	[dreg:$0x3] =	wrdreg $0x9  }
0xb0: {  	_ =	task.clear_ibuf [dreg:s6], $0x4FFFF;
	_ =	strace $0x90000046  }
0xb1: {  	s29 =	simm.s32 $0x9;
	_ =	strace $0x80000048  }
0xb2: {  	_ =	swait.ge [sflag:s29], $0x1  }
0xb3: {  	[sflag:s29] =	ssyncadd.s32 $0xFFFFFFFF  }
0xb4: {  	_ =	strace $0x90000048  }
0xb5: {  	_ =	sfence  }
0xb6: {  	s30 =	sld [smem:$0x0];
	_ =	sdelay $0x2  }
0xb7: {  	s31 =	sshll.u32 s1, $0xD;
	s1 =	sshrl.u32 s1, $0x2  }
0xb8: {  	s3 =	sand.u32 $0x4000, s31;
	s1 =	sadd.s32 s1, s30  }
0xb9: {  	s0 =	sor.u32 s3, s0;
	s1 =	sshll.u32 s1, $0x11  }
0xba: {  	s0 =	sor.u32 s1, s0  }
0xbb: {  	s0 =	sadd.s32 $0x8F2B, s0  }
0xbc: {  	[sflag:s0] =	ssyncadd.remote.s32 $0x1  }
0xbd: {  	_ =	sfence.sel $0xFFFF  }
0xbe: {  	[dreg:$0x0] =	wrdreg $0xFFFFFFFF;
	(pc) =	sbr.abs _section_cstart, $3  }
0xbf: {  	[dreg:$0x1] =	wrdreg $0xFFFFFFFF  }
0xc0: {  	_ =	task.clear_ibuf [dreg:s6], $0x2FFFF;
	_ =	strace $0x9FFFFFFF  }
0xc1: {  	(tm) =	ssettm $0x7FFFFFFF  }
tec
execute0_lowered:
.L_overlay_start_1:
0x0: {  	(tag) =	ssettag $0x1  }
0x1: {  	s0 =	srdreg.scid;
	s1 =	stileid.u32  }
0x2: {  	s0 =	sand.u32 $0x1, s0;
	s1 =	sshll.u32 s1, $0x1  }
0x3: {  	s3 =	sor.u32 s0, s1  }
0x4: {  	s2 =	ssub.s32 $0x2, s0;
	s0 =	rddreg [dreg:$0x0];
	s4 =	smul.u32 $0x2710, s3  }
0x5: {  	s15 =	sshrl.u32 s2, $0x1;
	s5 =	sadd.s32 $0xAA00, s0;
	s3 =	smul.u32 $0x4E20, s3  }
0x6: {  	s29 =	sadd.s32 $0x5A00, s0;
	s2 =	ssub.s32 s2, s15;
	s16 =	sshrl.u32 s4, $0x3  }
0x7: {  	s6 =	sadd.s32 $0x3E8, s4;
	s7 =	sadd.s32 $0x4E5E8, s4;
	s9 =	sadd.s32 $0xBB8, s4  }
0x8: {  	s10 =	sadd.s32 $0x4EDB8, s4;
	s20 =	sadd.s32 $0xFA0, s4;
	s11 =	sadd.s32 $0x1388, s4  }
0x9: {  	s12 =	sadd.s32 $0x4F588, s4;
	s24 =	sadd.s32 $0x1770, s4;
	s13 =	sadd.s32 $0x1B58, s4  }
0xa: {  	s14 =	sadd.s32 $0x4FD58, s4;
	s30 =	smax.u32 s2, $0x1;
	s1 =	sadd.s32 s5, s16  }
0xb: {  	s8 =	sshrl.u32 s6, $0x3;
	s7 =	sshrl.u32 s7, $0x3;
	s18 =	sshrl.u32 s9, $0x3  }
0xc: {  	s10 =	sshrl.u32 s10, $0x3;
	s21 =	sshrl.u32 s20, $0x3;
	s22 =	sshrl.u32 s11, $0x3  }
0xd: {  	s12 =	sshrl.u32 s12, $0x3;
	s15 =	sshrl.u32 s24, $0x3;
	s8 =	sadd.s32 s5, s8  }
0xe: {  	s16 =	sshrl.u32 s13, $0x3;
	s7 =	sadd.s32 s5, s7;
	[dreg:$0x2] =	wrdreg s8  }
0xf: {  	s14 =	sshrl.u32 s14, $0x3;
	s19 =	sadd.s32 s5, s10;
	[dreg:$0x3] =	wrdreg s7  }
0x10: {  	s26 =	sshll.u32 s6, $0x1;
	s10 =	sadd.s32 s5, s21;
	[dreg:$0x6] =	wrdreg s19  }
0x11: {  	s11 =	sshll.u32 s11, $0x1;
	s23 =	sadd.s32 s5, s12;
	[dreg:$0x7] =	wrdreg s10  }
0x12: {  	s12 =	sadd.s32 s5, s15;
	s31 =	sadd.s32 $0x9C40, s1;
	[dreg:$0x9] =	wrdreg s23  }
0x13: {  	s2 =	sadd.s32 $0x9F2E, s1;
	s10 =	sadd.s32 s5, s22;
	[dreg:$0xa] =	wrdreg s12  }
0x14: {  	s7 =	sadd.s32 $0x7D0, s4;
	s12 =	sadd.s32 s5, s16;
	[dreg:$0x8] =	wrdreg s10  }
0x15: {  	s22 =	sadd.s32 $0x2328, s4;
	s16 =	simm.s32 $0x0;
	[dreg:$0xb] =	wrdreg s12  }
0x16: {  	s17 =	sshrl.u32 s7, $0x3;
	s25 =	sshrl.u32 s22, $0x3;
	[smem:$0x7FF] =	sst s16  }
0x17: {  	s6 =	sshll.u32 s7, $0x1;
	s7 =	sshll.u32 s9, $0x1;
	s9 =	sshll.u32 s20, $0x1  }
0x18: {  	s22 =	sshll.u32 s22, $0x1;
	s10 =	simm.s32 $0x1;
	s8 =	sadd.s32 s5, s17  }
0x19: {  	s12 =	simm.s32 $0x2;
	s17 =	sadd.s32 s5, s14;
	[dreg:$0x4] =	wrdreg s8  }
0x1a: {  	s14 =	simm.s32 $0x0;
	s8 =	sadd.s32 s5, s18;
	[dreg:$0xc] =	wrdreg s17  }
0x1b: {  	s18 =	sadd.s32 $0x1F40, s4;
	s4 =	sadd.s32 $0x50528, s4;
	s17 =	sshll.u32 s13, $0x1  }
0x1c: {  	s13 =	simm.s32 $0x4;
	[dreg:$0x5] =	wrdreg s8;
	s15 =	sshrl.u32 s18, $0x3  }
0x1d: {  	s4 =	sshrl.u32 s4, $0x3;
	s18 =	sshll.u32 s18, $0x1;
	s15 =	sadd.s32 s5, s15  }
0x1e: {  	s8 =	simm.s32 $0xBB8;
	s4 =	sadd.s32 s5, s4;
	[dreg:$0xd] =	wrdreg s15  }
0x1f: {  	s15 =	sadd.s32 s5, s25;
	[dreg:$0xf] =	wrdreg s4;
	s5 =	sadd.s32 $0x1E400, s0  }
0x20: {  	s0 =	sadd.s32 $0x9E34, s1;
	[dreg:$0xe] =	wrdreg s15;
	s3 =	sadd.s32 s5, s3  }
0x21: {  	s4 =	sadd.s32 s5, s26;
	s19 =	sadd.s32 s5, s6;
	s20 =	sadd.s32 s5, s7  }
0x22: {  	s21 =	sadd.s32 s5, s9;
	s15 =	sshll.u32 s24, $0x1;
	s23 =	sadd.s32 s5, s11  }
0x23: {  	s25 =	sadd.s32 s5, s17;
	s26 =	sadd.s32 s5, s18;
	s28 =	sadd.s32 s5, s22  }
0x24: {  	s22 =	sadd.s32 $0x9D3A, s1;
	s6 =	simm.s32 $0x7D0;
	s7 =	simm.s32 $0xFA0  }
0x25: {  	s9 =	simm.s32 $0x8CA0;
	s11 =	simm.s32 $0x3;
	[dreg:$0x10] =	wrdreg s3  }
0x26: {  	[dreg:$0x11] =	wrdreg s4;
	s24 =	sadd.s32 s5, s15;
	s3 =	sadd.s32 $0xA028, s1  }
0x27: {  	s4 =	simm.s32 $0x5;
	s5 =	simm.s32 $0x3E8;
	_ =	strace $0x80000047  }
.LBB2_1:
0x28: {  	[tilespmem:s16], [sflag:$0x5] =	stream.linear.gather [hbm4b:s1+s16], $0x3E8, $0x38;
	[tilespmem:$0x109A0] =	vst v63  }
0x29: {  	_ =	swait.ge [sflag:s4], $0x3E8  }
0x2a: {  	[sflag:s4] =	ssyncset.done $0x0  }
0x2b: {  	[sflag:s4] =	ssyncadd.s32 $0xFFFFFC18  }
0x2c: {  	[tilespmem:s5], [sflag:$0x5] =	stream.linear.gather [hbm4b:s31+s16], $0x3E8, $0x38;
	[tilespmem:$0x109A0] =	vst v63  }
0x2d: {  	_ =	swait.ge [sflag:s4], $0x3E8  }
0x2e: {  	[sflag:s4] =	ssyncset.done $0x0  }
0x2f: {  	[sflag:s4] =	ssyncadd.s32 $0xFFFFFC18  }
0x30: {  	[tilespmem:s7], [sflag:$0x1] =	stream.indirect.gather [hbm4b:s29+s6], $0x10, s16, s6, $0xb8;
	[tilespmem:$0x109A0] =	vst v63  }
0x31: {  	s15 =	rddreg [dreg:$0x2]  }
0x32: {  	[tilespmem:s6], [sflag:$0x5] =	stream.linear.gather [hbm4b:s15+s16], $0x3E8, $0x38;
	[tilespmem:$0x109A0] =	vst v63  }
0x33: {  	_ =	swait.ge [sflag:s4], $0x3E8  }
0x34: {  	[sflag:s4] =	ssyncset.done $0x0  }
0x35: {  	s18 =	rddreg [dreg:$0x3];
	[sflag:s4] =	ssyncadd.s32 $0xFFFFFC18  }
0x36: {  	[tilespmem:s8], [sflag:$0x5] =	stream.linear.gather [hbm4b:s18+s16], $0x3E8, $0x38;
	[tilespmem:$0x109A0] =	vst v63  }
0x37: {  	_ =	swait.ge [sflag:s4], $0x3E8  }
0x38: {  	[sflag:s4] =	ssyncset.done $0x0  }
0x39: {  	[sflag:s4] =	ssyncadd.s32 $0xFFFFFC18  }
0x3a: {  	[tilespmem:s9], [sflag:$0x2] =	stream.indirect.gather [hbm4b:s29+s6], $0x10, s6, s6, $0xb8;
	[tilespmem:$0x109A0] =	vst v63  }
0x3b: {  	_ =	swait.ge [sflag:s10], $0x7D00  }
0x3c: {  	[sflag:s10] =	ssyncset.done $0x0  }
0x3d: {  	s15 =	simm.s32 $0x0;
	[sflag:s10] =	ssyncadd.s32 $0xFFFF8300  }
0x3e: {  	s17 =	simm.s32 $0x40;
	v0 =	vld [tilespmem:s15+$0x4E20]  }
.LBB2_2:
0x3f: {  	p0 =	sne.s32 s17, $0xF9C0;
	v1 =	vld [tilespmem:s15+$0xFA0];
	_ =	sdelay $0x2  }
.Ltmp0:
0x40: {  	(pc) =	sbr.rel @p0 .LBB2_2-.Ltmp0, $4  }
0x41: {  	_ = 	snop  }
0x42: {  	v1 =	vadd.f32 v0, v1  }
0x43: {  	s18 =	sshra.s32 s17, $0x2  }
0x44: {  	s17 =	sadd.s32 $0x40, s17;
	v0 =	vld [tilespmem:s18+$0x4E20];
	[tilespmem:s15+$0xFA0] =	vst v1;
	s15 =	smov.u32 s18  }
0x45: {  	v1 =	vld [tilespmem:s15+$0xFA0];
	_ =	sdelay $0x4  }
0x46: {  	v0 =	vadd.f32 v0, v1;
	_ =	sdelay $0x1  }
0x47: {  	s17 =	rddreg [dreg:$0x10];
	[tilespmem:s15+$0xFA0] =	vst v0;
	s15 =	simm.s32 $0x0  }
0x48: {  	[hbm4b:s17+s15] =	stream.linear.scatter [tilespmem:s7], [sflag:$0x3], $0x3E80, $0x38;
	[tilespmem:$0x109A0] =	vst v63  }
0x49: {  	_ =	swait.ge [sflag:s11], $0x3E80  }
0x4a: {  	[sflag:s11] =	ssyncset.done $0x0  }
0x4b: {  	s18 =	rddreg [dreg:$0x4];
	[sflag:s11] =	ssyncadd.s32 $0xFFFFC180  }
0x4c: {  	[tilespmem:s15], [sflag:$0x5] =	stream.linear.gather [hbm4b:s18+s15], $0x3E8, $0x38;
	[tilespmem:$0x109A0] =	vst v63  }
0x4d: {  	_ =	swait.ge [sflag:s4], $0x3E8  }
0x4e: {  	[sflag:s4] =	ssyncset.done $0x0  }
0x4f: {  	[sflag:s4] =	ssyncadd.s32 $0xFFFFFC18  }
0x50: {  	[tilespmem:s5], [sflag:$0x5] =	stream.linear.gather [hbm4b:s22+s15], $0x3E8, $0x38;
	[tilespmem:$0x109A0] =	vst v63  }
0x51: {  	_ =	swait.ge [sflag:s4], $0x3E8  }
0x52: {  	[sflag:s4] =	ssyncset.done $0x0  }
0x53: {  	[sflag:s4] =	ssyncadd.s32 $0xFFFFFC18  }
0x54: {  	[tilespmem:s7], [sflag:$0x1] =	stream.indirect.gather [hbm4b:s29+s6], $0x10, s15, s6, $0xb8;
	[tilespmem:$0x109A0] =	vst v63  }
0x55: {  	_ =	swait.ge [sflag:s12], $0x7D00  }
0x56: {  	[sflag:s12] =	ssyncset.done $0x0  }
0x57: {  	s15 =	simm.s32 $0x0;
	[sflag:s12] =	ssyncadd.s32 $0xFFFF8300  }
0x58: {  	s17 =	simm.s32 $0x40;
	v0 =	vld [tilespmem:s15+$0xCB20]  }
.LBB2_4:
0x59: {  	p0 =	sne.s32 s17, $0xF9C0;
	v1 =	vld [tilespmem:s15+$0x8CA0];
	_ =	sdelay $0x2  }
.Ltmp1:
0x5a: {  	(pc) =	sbr.rel @p0 .LBB2_4-.Ltmp1, $4  }
0x5b: {  	_ = 	snop  }
0x5c: {  	v1 =	vadd.f32 v0, v1  }
0x5d: {  	s18 =	sshra.s32 s17, $0x2  }
0x5e: {  	s17 =	sadd.s32 $0x40, s17;
	v0 =	vld [tilespmem:s18+$0xCB20];
	[tilespmem:s15+$0x8CA0] =	vst v1;
	s15 =	smov.u32 s18  }
0x5f: {  	v1 =	vld [tilespmem:s15+$0x8CA0];
	_ =	sdelay $0x4  }
0x60: {  	v0 =	vadd.f32 v0, v1;
	_ =	sdelay $0x1  }
0x61: {  	s17 =	rddreg [dreg:$0x11];
	[tilespmem:s15+$0x8CA0] =	vst v0;
	s15 =	simm.s32 $0x0  }
0x62: {  	[hbm4b:s17+s15] =	stream.linear.scatter [tilespmem:s9], [sflag:$0x4], $0x3E80, $0x38;
	[tilespmem:$0x109A0] =	vst v63  }
0x63: {  	_ =	swait.ge [sflag:s13], $0x3E80  }
0x64: {  	[sflag:s13] =	ssyncset.done $0x0  }
0x65: {  	s18 =	rddreg [dreg:$0x5];
	[sflag:s13] =	ssyncadd.s32 $0xFFFFC180  }
0x66: {  	[tilespmem:s6], [sflag:$0x5] =	stream.linear.gather [hbm4b:s18+s15], $0x3E8, $0x38;
	[tilespmem:$0x109A0] =	vst v63  }
0x67: {  	_ =	swait.ge [sflag:s4], $0x3E8  }
0x68: {  	[sflag:s4] =	ssyncset.done $0x0  }
0x69: {  	s18 =	rddreg [dreg:$0x6];
	[sflag:s4] =	ssyncadd.s32 $0xFFFFFC18  }
0x6a: {  	[tilespmem:s8], [sflag:$0x5] =	stream.linear.gather [hbm4b:s18+s15], $0x3E8, $0x38;
	[tilespmem:$0x109A0] =	vst v63  }
0x6b: {  	_ =	swait.ge [sflag:s4], $0x3E8  }
0x6c: {  	[sflag:s4] =	ssyncset.done $0x0  }
0x6d: {  	[sflag:s4] =	ssyncadd.s32 $0xFFFFFC18  }
0x6e: {  	[tilespmem:s9], [sflag:$0x2] =	stream.indirect.gather [hbm4b:s29+s6], $0x10, s6, s6, $0xb8;
	[tilespmem:$0x109A0] =	vst v63  }
0x6f: {  	_ =	swait.ge [sflag:s10], $0x7D00  }
0x70: {  	[sflag:s10] =	ssyncset.done $0x0  }
0x71: {  	s15 =	simm.s32 $0x0;
	[sflag:s10] =	ssyncadd.s32 $0xFFFF8300  }
0x72: {  	s17 =	simm.s32 $0x40;
	v0 =	vld [tilespmem:s15+$0x4E20]  }
.LBB2_6:
0x73: {  	p0 =	sne.s32 s17, $0xF9C0;
	v1 =	vld [tilespmem:s15+$0xFA0];
	_ =	sdelay $0x2  }
.Ltmp2:
0x74: {  	(pc) =	sbr.rel @p0 .LBB2_6-.Ltmp2, $4  }
0x75: {  	_ = 	snop  }
0x76: {  	v1 =	vadd.f32 v0, v1  }
0x77: {  	s18 =	sshra.s32 s17, $0x2  }
0x78: {  	s17 =	sadd.s32 $0x40, s17;
	v0 =	vld [tilespmem:s18+$0x4E20];
	[tilespmem:s15+$0xFA0] =	vst v1;
	s15 =	smov.u32 s18  }
0x79: {  	v1 =	vld [tilespmem:s15+$0xFA0];
	_ =	sdelay $0x4  }
0x7a: {  	v0 =	vadd.f32 v0, v1;
	_ =	sdelay $0x1  }
0x7b: {  	s18 =	simm.s32 $0x0;
	[tilespmem:s15+$0xFA0] =	vst v0  }
0x7c: {  	[hbm4b:s19+s18] =	stream.linear.scatter [tilespmem:s7], [sflag:$0x3], $0x3E80, $0x38;
	[tilespmem:$0x109A0] =	vst v63  }
0x7d: {  	_ =	swait.ge [sflag:s11], $0x3E80  }
0x7e: {  	[sflag:s11] =	ssyncset.done $0x0  }
0x7f: {  	s17 =	rddreg [dreg:$0x7];
	[sflag:s11] =	ssyncadd.s32 $0xFFFFC180  }
0x80: {  	[tilespmem:s18], [sflag:$0x5] =	stream.linear.gather [hbm4b:s17+s18], $0x3E8, $0x38;
	[tilespmem:$0x109A0] =	vst v63  }
0x81: {  	_ =	swait.ge [sflag:s4], $0x3E8  }
0x82: {  	[sflag:s4] =	ssyncset.done $0x0  }
0x83: {  	[sflag:s4] =	ssyncadd.s32 $0xFFFFFC18  }
0x84: {  	[tilespmem:s5], [sflag:$0x5] =	stream.linear.gather [hbm4b:s0+s18], $0x3E8, $0x38;
	[tilespmem:$0x109A0] =	vst v63  }
0x85: {  	_ =	swait.ge [sflag:s4], $0x3E8  }
0x86: {  	[sflag:s4] =	ssyncset.done $0x0  }
0x87: {  	[sflag:s4] =	ssyncadd.s32 $0xFFFFFC18  }
0x88: {  	[tilespmem:s7], [sflag:$0x1] =	stream.indirect.gather [hbm4b:s29+s6], $0x10, s18, s6, $0xb8;
	[tilespmem:$0x109A0] =	vst v63  }
0x89: {  	_ =	swait.ge [sflag:s12], $0x7D00  }
0x8a: {  	[sflag:s12] =	ssyncset.done $0x0  }
0x8b: {  	s15 =	simm.s32 $0x0;
	[sflag:s12] =	ssyncadd.s32 $0xFFFF8300  }
0x8c: {  	s17 =	simm.s32 $0x40;
	v0 =	vld [tilespmem:s15+$0xCB20]  }
.LBB2_8:
0x8d: {  	p0 =	sne.s32 s17, $0xF9C0;
	v1 =	vld [tilespmem:s15+$0x8CA0];
	_ =	sdelay $0x2  }
.Ltmp3:
0x8e: {  	(pc) =	sbr.rel @p0 .LBB2_8-.Ltmp3, $4  }
0x8f: {  	_ = 	snop  }
0x90: {  	v1 =	vadd.f32 v0, v1  }
0x91: {  	s18 =	sshra.s32 s17, $0x2  }
0x92: {  	s17 =	sadd.s32 $0x40, s17;
	v0 =	vld [tilespmem:s18+$0xCB20];
	[tilespmem:s15+$0x8CA0] =	vst v1;
	s15 =	smov.u32 s18  }
0x93: {  	v1 =	vld [tilespmem:s15+$0x8CA0];
	_ =	sdelay $0x4  }
0x94: {  	v0 =	vadd.f32 v0, v1;
	_ =	sdelay $0x1  }
0x95: {  	[tilespmem:s15+$0x8CA0] =	vst v0;
	s15 =	simm.s32 $0x0  }
0x96: {  	[hbm4b:s20+s15] =	stream.linear.scatter [tilespmem:s9], [sflag:$0x4], $0x3E80, $0x38;
	[tilespmem:$0x109A0] =	vst v63  }
0x97: {  	_ =	swait.ge [sflag:s13], $0x3E80  }
0x98: {  	[sflag:s13] =	ssyncset.done $0x0  }
0x99: {  	s17 =	rddreg [dreg:$0x8];
	[sflag:s13] =	ssyncadd.s32 $0xFFFFC180  }
0x9a: {  	[tilespmem:s6], [sflag:$0x5] =	stream.linear.gather [hbm4b:s17+s15], $0x3E8, $0x38;
	[tilespmem:$0x109A0] =	vst v63  }
0x9b: {  	_ =	swait.ge [sflag:s4], $0x3E8  }
0x9c: {  	[sflag:s4] =	ssyncset.done $0x0  }
0x9d: {  	s18 =	rddreg [dreg:$0x9];
	[sflag:s4] =	ssyncadd.s32 $0xFFFFFC18  }
0x9e: {  	[tilespmem:s8], [sflag:$0x5] =	stream.linear.gather [hbm4b:s18+s15], $0x3E8, $0x38;
	[tilespmem:$0x109A0] =	vst v63  }
0x9f: {  	_ =	swait.ge [sflag:s4], $0x3E8  }
0xa0: {  	[sflag:s4] =	ssyncset.done $0x0  }
0xa1: {  	[sflag:s4] =	ssyncadd.s32 $0xFFFFFC18  }
0xa2: {  	[tilespmem:s9], [sflag:$0x2] =	stream.indirect.gather [hbm4b:s29+s6], $0x10, s6, s6, $0xb8;
	[tilespmem:$0x109A0] =	vst v63  }
0xa3: {  	_ =	swait.ge [sflag:s10], $0x7D00  }
0xa4: {  	[sflag:s10] =	ssyncset.done $0x0  }
0xa5: {  	s15 =	simm.s32 $0x0;
	[sflag:s10] =	ssyncadd.s32 $0xFFFF8300  }
0xa6: {  	s17 =	simm.s32 $0x40;
	v0 =	vld [tilespmem:s15+$0x4E20]  }
.LBB2_10:
0xa7: {  	p0 =	sne.s32 s17, $0xF9C0;
	v1 =	vld [tilespmem:s15+$0xFA0];
	_ =	sdelay $0x2  }
.Ltmp4:
0xa8: {  	(pc) =	sbr.rel @p0 .LBB2_10-.Ltmp4, $4  }
0xa9: {  	_ = 	snop  }
0xaa: {  	v1 =	vadd.f32 v0, v1  }
0xab: {  	s18 =	sshra.s32 s17, $0x2  }
0xac: {  	s17 =	sadd.s32 $0x40, s17;
	v0 =	vld [tilespmem:s18+$0x4E20];
	[tilespmem:s15+$0xFA0] =	vst v1;
	s15 =	smov.u32 s18  }
0xad: {  	v1 =	vld [tilespmem:s15+$0xFA0];
	_ =	sdelay $0x4  }
0xae: {  	v0 =	vadd.f32 v0, v1;
	_ =	sdelay $0x1  }
0xaf: {  	s18 =	simm.s32 $0x0;
	[tilespmem:s15+$0xFA0] =	vst v0  }
0xb0: {  	[hbm4b:s21+s18] =	stream.linear.scatter [tilespmem:s7], [sflag:$0x3], $0x3E80, $0x38;
	[tilespmem:$0x109A0] =	vst v63  }
0xb1: {  	_ =	swait.ge [sflag:s11], $0x3E80  }
0xb2: {  	[sflag:s11] =	ssyncset.done $0x0  }
0xb3: {  	s17 =	rddreg [dreg:$0xa];
	[sflag:s11] =	ssyncadd.s32 $0xFFFFC180  }
0xb4: {  	[tilespmem:s18], [sflag:$0x5] =	stream.linear.gather [hbm4b:s17+s18], $0x3E8, $0x38;
	[tilespmem:$0x109A0] =	vst v63  }
0xb5: {  	_ =	swait.ge [sflag:s4], $0x3E8  }
0xb6: {  	[sflag:s4] =	ssyncset.done $0x0  }
0xb7: {  	[sflag:s4] =	ssyncadd.s32 $0xFFFFFC18  }
0xb8: {  	[tilespmem:s5], [sflag:$0x5] =	stream.linear.gather [hbm4b:s2+s18], $0x3E8, $0x38;
	[tilespmem:$0x109A0] =	vst v63  }
0xb9: {  	_ =	swait.ge [sflag:s4], $0x3E8  }
0xba: {  	[sflag:s4] =	ssyncset.done $0x0  }
0xbb: {  	[sflag:s4] =	ssyncadd.s32 $0xFFFFFC18  }
0xbc: {  	[tilespmem:s7], [sflag:$0x1] =	stream.indirect.gather [hbm4b:s29+s6], $0x10, s18, s6, $0xb8;
	[tilespmem:$0x109A0] =	vst v63  }
0xbd: {  	_ =	swait.ge [sflag:s12], $0x7D00  }
0xbe: {  	[sflag:s12] =	ssyncset.done $0x0  }
0xbf: {  	s15 =	simm.s32 $0x0;
	[sflag:s12] =	ssyncadd.s32 $0xFFFF8300  }
0xc0: {  	s17 =	simm.s32 $0x40;
	v0 =	vld [tilespmem:s15+$0xCB20]  }
.LBB2_12:
0xc1: {  	p0 =	sne.s32 s17, $0xF9C0;
	v1 =	vld [tilespmem:s15+$0x8CA0];
	_ =	sdelay $0x2  }
.Ltmp5:
0xc2: {  	(pc) =	sbr.rel @p0 .LBB2_12-.Ltmp5, $4  }
0xc3: {  	_ = 	snop  }
0xc4: {  	v1 =	vadd.f32 v0, v1  }
0xc5: {  	s18 =	sshra.s32 s17, $0x2  }
0xc6: {  	s17 =	sadd.s32 $0x40, s17;
	v0 =	vld [tilespmem:s18+$0xCB20];
	[tilespmem:s15+$0x8CA0] =	vst v1;
	s15 =	smov.u32 s18  }
0xc7: {  	v1 =	vld [tilespmem:s15+$0x8CA0];
	_ =	sdelay $0x4  }
0xc8: {  	v0 =	vadd.f32 v0, v1;
	_ =	sdelay $0x1  }
0xc9: {  	[tilespmem:s15+$0x8CA0] =	vst v0;
	s15 =	simm.s32 $0x0  }
0xca: {  	[hbm4b:s23+s15] =	stream.linear.scatter [tilespmem:s9], [sflag:$0x4], $0x3E80, $0x38;
	[tilespmem:$0x109A0] =	vst v63  }
0xcb: {  	_ =	swait.ge [sflag:s13], $0x3E80  }
0xcc: {  	[sflag:s13] =	ssyncset.done $0x0  }
0xcd: {  	s17 =	rddreg [dreg:$0xb];
	[sflag:s13] =	ssyncadd.s32 $0xFFFFC180  }
0xce: {  	[tilespmem:s6], [sflag:$0x5] =	stream.linear.gather [hbm4b:s17+s15], $0x3E8, $0x38;
	[tilespmem:$0x109A0] =	vst v63  }
0xcf: {  	_ =	swait.ge [sflag:s4], $0x3E8  }
0xd0: {  	[sflag:s4] =	ssyncset.done $0x0  }
0xd1: {  	s18 =	rddreg [dreg:$0xc];
	[sflag:s4] =	ssyncadd.s32 $0xFFFFFC18  }
0xd2: {  	[tilespmem:s8], [sflag:$0x5] =	stream.linear.gather [hbm4b:s18+s15], $0x3E8, $0x38;
	[tilespmem:$0x109A0] =	vst v63  }
0xd3: {  	_ =	swait.ge [sflag:s4], $0x3E8  }
0xd4: {  	[sflag:s4] =	ssyncset.done $0x0  }
0xd5: {  	[sflag:s4] =	ssyncadd.s32 $0xFFFFFC18  }
0xd6: {  	[tilespmem:s9], [sflag:$0x2] =	stream.indirect.gather [hbm4b:s29+s6], $0x10, s6, s6, $0xb8;
	[tilespmem:$0x109A0] =	vst v63  }
0xd7: {  	_ =	swait.ge [sflag:s10], $0x7D00  }
0xd8: {  	[sflag:s10] =	ssyncset.done $0x0  }
0xd9: {  	s15 =	simm.s32 $0x0;
	[sflag:s10] =	ssyncadd.s32 $0xFFFF8300  }
0xda: {  	s17 =	simm.s32 $0x40;
	v0 =	vld [tilespmem:s15+$0x4E20]  }
.LBB2_14:
0xdb: {  	p0 =	sne.s32 s17, $0xF9C0;
	v1 =	vld [tilespmem:s15+$0xFA0];
	_ =	sdelay $0x2  }
.Ltmp6:
0xdc: {  	(pc) =	sbr.rel @p0 .LBB2_14-.Ltmp6, $4  }
0xdd: {  	_ = 	snop  }
0xde: {  	v1 =	vadd.f32 v0, v1  }
0xdf: {  	s18 =	sshra.s32 s17, $0x2  }
0xe0: {  	s17 =	sadd.s32 $0x40, s17;
	v0 =	vld [tilespmem:s18+$0x4E20];
	[tilespmem:s15+$0xFA0] =	vst v1;
	s15 =	smov.u32 s18  }
0xe1: {  	v1 =	vld [tilespmem:s15+$0xFA0];
	_ =	sdelay $0x4  }
0xe2: {  	v0 =	vadd.f32 v0, v1;
	_ =	sdelay $0x1  }
0xe3: {  	s18 =	simm.s32 $0x0;
	[tilespmem:s15+$0xFA0] =	vst v0  }
0xe4: {  	[hbm4b:s24+s18] =	stream.linear.scatter [tilespmem:s7], [sflag:$0x3], $0x3E80, $0x38;
	[tilespmem:$0x109A0] =	vst v63  }
0xe5: {  	_ =	swait.ge [sflag:s11], $0x3E80  }
0xe6: {  	[sflag:s11] =	ssyncset.done $0x0  }
0xe7: {  	s17 =	rddreg [dreg:$0xd];
	[sflag:s11] =	ssyncadd.s32 $0xFFFFC180  }
0xe8: {  	[tilespmem:s18], [sflag:$0x5] =	stream.linear.gather [hbm4b:s17+s18], $0x3E8, $0x38;
	[tilespmem:$0x109A0] =	vst v63  }
0xe9: {  	_ =	swait.ge [sflag:s4], $0x3E8  }
0xea: {  	[sflag:s4] =	ssyncset.done $0x0  }
0xeb: {  	[sflag:s4] =	ssyncadd.s32 $0xFFFFFC18  }
0xec: {  	[tilespmem:s5], [sflag:$0x5] =	stream.linear.gather [hbm4b:s3+s18], $0x3E8, $0x38;
	[tilespmem:$0x109A0] =	vst v63  }
0xed: {  	_ =	swait.ge [sflag:s4], $0x3E8  }
0xee: {  	[sflag:s4] =	ssyncset.done $0x0  }
0xef: {  	[sflag:s4] =	ssyncadd.s32 $0xFFFFFC18  }
0xf0: {  	[tilespmem:s7], [sflag:$0x1] =	stream.indirect.gather [hbm4b:s29+s6], $0x10, s18, s6, $0xb8;
	[tilespmem:$0x109A0] =	vst v63  }
0xf1: {  	_ =	swait.ge [sflag:s12], $0x7D00  }
0xf2: {  	[sflag:s12] =	ssyncset.done $0x0  }
0xf3: {  	s15 =	simm.s32 $0x0;
	[sflag:s12] =	ssyncadd.s32 $0xFFFF8300  }
0xf4: {  	s17 =	simm.s32 $0x40;
	v0 =	vld [tilespmem:s15+$0xCB20]  }
.LBB2_16:
0xf5: {  	p0 =	sne.s32 s17, $0xF9C0;
	v1 =	vld [tilespmem:s15+$0x8CA0];
	_ =	sdelay $0x2  }
.Ltmp7:
0xf6: {  	(pc) =	sbr.rel @p0 .LBB2_16-.Ltmp7, $4  }
0xf7: {  	_ = 	snop  }
0xf8: {  	v1 =	vadd.f32 v0, v1  }
0xf9: {  	s18 =	sshra.s32 s17, $0x2  }
0xfa: {  	s17 =	sadd.s32 $0x40, s17;
	v0 =	vld [tilespmem:s18+$0xCB20];
	[tilespmem:s15+$0x8CA0] =	vst v1;
	s15 =	smov.u32 s18  }
0xfb: {  	v1 =	vld [tilespmem:s15+$0x8CA0];
	_ =	sdelay $0x4  }
0xfc: {  	v0 =	vadd.f32 v0, v1;
	_ =	sdelay $0x1  }
0xfd: {  	[tilespmem:s15+$0x8CA0] =	vst v0;
	s15 =	simm.s32 $0x0  }
0xfe: {  	[hbm4b:s25+s15] =	stream.linear.scatter [tilespmem:s9], [sflag:$0x4], $0x3E80, $0x38;
	[tilespmem:$0x109A0] =	vst v63  }
0xff: {  	_ =	swait.ge [sflag:s13], $0x3E80  }
0x100: {  	[sflag:s13] =	ssyncset.done $0x0  }
0x101: {  	s17 =	rddreg [dreg:$0xe];
	[sflag:s13] =	ssyncadd.s32 $0xFFFFC180  }
0x102: {  	[tilespmem:s6], [sflag:$0x5] =	stream.linear.gather [hbm4b:s17+s15], $0x3E8, $0x38;
	[tilespmem:$0x109A0] =	vst v63  }
0x103: {  	_ =	swait.ge [sflag:s4], $0x3E8  }
0x104: {  	[sflag:s4] =	ssyncset.done $0x0  }
0x105: {  	s18 =	rddreg [dreg:$0xf];
	[sflag:s4] =	ssyncadd.s32 $0xFFFFFC18  }
0x106: {  	[tilespmem:s8], [sflag:$0x5] =	stream.linear.gather [hbm4b:s18+s15], $0x3E8, $0x38;
	[tilespmem:$0x109A0] =	vst v63  }
0x107: {  	_ =	swait.ge [sflag:s4], $0x3E8  }
0x108: {  	[sflag:s4] =	ssyncset.done $0x0  }
0x109: {  	[sflag:s4] =	ssyncadd.s32 $0xFFFFFC18  }
0x10a: {  	[tilespmem:s9], [sflag:$0x2] =	stream.indirect.gather [hbm4b:s29+s6], $0x10, s6, s6, $0xb8;
	[tilespmem:$0x109A0] =	vst v63  }
0x10b: {  	_ =	swait.ge [sflag:s10], $0x7D00  }
0x10c: {  	[sflag:s10] =	ssyncset.done $0x0  }
0x10d: {  	s15 =	simm.s32 $0x0;
	[sflag:s10] =	ssyncadd.s32 $0xFFFF8300  }
0x10e: {  	s17 =	simm.s32 $0x40;
	v0 =	vld [tilespmem:s15+$0x4E20]  }
.LBB2_18:
0x10f: {  	p0 =	sne.s32 s17, $0xF9C0;
	v1 =	vld [tilespmem:s15+$0xFA0];
	_ =	sdelay $0x2  }
.Ltmp8:
0x110: {  	(pc) =	sbr.rel @p0 .LBB2_18-.Ltmp8, $4  }
0x111: {  	_ = 	snop  }
0x112: {  	v1 =	vadd.f32 v0, v1  }
0x113: {  	s18 =	sshra.s32 s17, $0x2  }
0x114: {  	s17 =	sadd.s32 $0x40, s17;
	v0 =	vld [tilespmem:s18+$0x4E20];
	[tilespmem:s15+$0xFA0] =	vst v1;
	s15 =	smov.u32 s18  }
0x115: {  	v1 =	vld [tilespmem:s15+$0xFA0];
	_ =	sdelay $0x4  }
0x116: {  	v0 =	vadd.f32 v0, v1;
	_ =	sdelay $0x1  }
0x117: {  	s18 =	simm.s32 $0x0;
	[tilespmem:s15+$0xFA0] =	vst v0  }
0x118: {  	[hbm4b:s26+s18] =	stream.linear.scatter [tilespmem:s7], [sflag:$0x3], $0x3E80, $0x38;
	[tilespmem:$0x109A0] =	vst v63  }
0x119: {  	_ =	swait.ge [sflag:s12], $0x7D00  }
0x11a: {  	[sflag:s12] =	ssyncset.done $0x0  }
0x11b: {  	s15 =	simm.s32 $0x0;
	[sflag:s12] =	ssyncadd.s32 $0xFFFF8300  }
0x11c: {  	s17 =	simm.s32 $0x40;
	v0 =	vld [tilespmem:s15+$0xCB20]  }
.LBB2_20:
0x11d: {  	p0 =	sne.s32 s17, $0xF9C0;
	v1 =	vld [tilespmem:s15+$0x8CA0];
	_ =	sdelay $0x2  }
.Ltmp9:
0x11e: {  	(pc) =	sbr.rel @p0 .LBB2_20-.Ltmp9, $4  }
0x11f: {  	_ = 	snop  }
0x120: {  	v1 =	vadd.f32 v0, v1  }
0x121: {  	s18 =	sshra.s32 s17, $0x2  }
0x122: {  	s17 =	sadd.s32 $0x40, s17;
	v0 =	vld [tilespmem:s18+$0xCB20];
	[tilespmem:s15+$0x8CA0] =	vst v1;
	s15 =	smov.u32 s18  }
0x123: {  	v1 =	vld [tilespmem:s15+$0x8CA0];
	_ =	sdelay $0x4  }
0x124: {  	v0 =	vadd.f32 v0, v1;
	_ =	sdelay $0x1  }
0x125: {  	s14 =	sadd.s32 $0x1, s14;
	[tilespmem:s15+$0x8CA0] =	vst v0  }
0x126: {  	[hbm4b:s28+s16] =	stream.linear.scatter [tilespmem:s9], [sflag:$0x4], $0x3E80, $0x38;
	[tilespmem:$0x109A0] =	vst v63  }
0x127: {  	p0 =	sne.s32 s14, s30;
	_ =	swait.ge [sflag:s11], $0x3E80  }
.Ltmp10:
0x128: {  	[sflag:s11] =	ssyncset.done $0x0;
	(pc) =	sbr.rel @p0 .LBB2_1-.Ltmp10, $4  }
0x129: {  	[sflag:s11] =	ssyncadd.s32 $0xFFFFC180  }
0x12a: {  	_ =	swait.ge [sflag:s13], $0x3E80  }
0x12b: {  	[sflag:s13] =	ssyncset.done $0x0  }
0x12c: {  	[sflag:s13] =	ssyncadd.s32 $0xFFFFC180  }
0x12d: {  	_ =	sfence.sel $0x180000  }
0x12e: {  	[bflag:$0x0] =	sbarrier.arrive $0xFFFF  }
0x12f: {  	_ =	strace $0x90000047  }
0x130: {  	s0 =	stileid.u32;
	[bflag:$0x2] =	sbarrier.arrive $0xFFFF  }
0x131: {  	p0 =	sne.s32 s0, $0x0;
	s0 =	rddreg [dreg:$0x1]  }
0x132: {  	s0 =	sadd.s32 @!p0 $0x100000, s0  }
0x133: {  	[sflag:s0] =	ssyncadd.tile.s32 @!p0 $0x1;
	_ =	shalt  }
.Lfunc_end2:
_tile_overlayer_lowered:
.L_overlay_start_2:
0x134: {  	(tag) =	ssettag $0x2  }
0x135: {  	s0 =	rddreg [dreg:$0x0];
	s2 =	stileid.u32  }
0x136: {  	s1 =	rddreg [dreg:$0x1];
	p0 =	sne.s32 s2, $0x0  }
0x137: {  	s3 =	rddreg [dreg:$0x2];
	[bflag:$0x3] =	sbarrier.arrive $0xFFFF;
	s2 =	simm.s32 @!p0 $0x1C05  }
0x138: {  	[timem:s3], [sflag:s2] =	dma.local @!p0 [hbm:s0], s1  }
0x139: {  	s0 =	simm.s32 @!p0 $0x5  }
0x13a: {  	_ =	swait.ge @!p0 [sflag:s0], s1  }
0x13b: {  	s1 =	ssub.s32 @!p0 $0x0, s1;
	[sflag:s0] =	ssyncset.done @!p0 $0x0  }
0x13c: {  	[sflag:s0] =	ssyncadd.s32 @!p0 s1  }
0x13d: {  	[bflag:$0x3] =	sbarrier.arrive $0xFFFF  }
0x13e: {  	_ =	shalt  }

</sc_bundles>
